<compile_context>
chip_gen: v7x
topology: tpu7x:2x2x1
jax: 0.10.2.dev20260603
libtpu: 0.0.44.dev20260713+nightly
codegen_flags: <defaults>
</compile_context>

<pallas_src>
import functools

import jax
import jax.numpy as jnp
from jax import lax
from jax.experimental import pallas as pl
from jax.experimental.pallas import tpu as pltpu
from jax.experimental.pallas import tpu_sc as plsc

N_HID = 128
N = 320000
BLK = 40
NBLK = N // BLK
NC, NS = 2, 16
NW = NC * NS
BLOCKS_PER_W = NBLK // NW
NBUF = 10
GROUPS = BLOCKS_PER_W // NBUF


def _sc_body(emb_hbm, wtf_hbm, b_hbm, t_hbm, out_hbm,
             idx_v, tbl_v, rows_v, emb_v, wtf_v, b_v, acc_v,
             gsem, wsem, isem):
    c_ax = lax.axis_index("c")
    s_ax = lax.axis_index("s")
    w = s_ax * NC + c_ax
    idx_cp = pltpu.async_copy(
        t_hbm.at[pl.ds(w * (BLOCKS_PER_W * BLK), BLOCKS_PER_W * BLK)],
        idx_v, isem,
    )

    r = jnp.minimum(s_ax // 2, 6)
    h = s_ax % 2
    pltpu.sync_copy(emb_hbm, emb_v)
    pltpu.sync_copy(wtf_hbm, wtf_v)
    pltpu.sync_copy(b_hbm, b_v)

    def kcstep(kc, accs):
        e_chunk = emb_v[r, pl.ds(kc * 16, 16)]
        accs = list(accs)
        for j in range(16):
            e = e_chunk[j]
            kbase = (kc * 16 + j) * N_HID + h * 64
            for i in range(4):
                accs[i] = accs[i] + e * wtf_v[pl.ds(kbase + i * 16, 16)]
        return tuple(accs)

    accs = lax.fori_loop(
        0, 8, kcstep,
        tuple(b_v[pl.ds(h * 64 + i * 16, 16)] for i in range(4)),
    )
    for i in range(4):
        acc_v[pl.ds(i * 16, 16)] = accs[i]
    pltpu.sync_copy(acc_v, tbl_v.at[r, pl.ds(h * 64, 64)])
    plsc.subcore_barrier()
    idx_cp.wait()

    base = w * BLOCKS_PER_W

    def group(i, carry):
        gbase = base + i * NBUF

        descs = []
        for b in range(NBUF):
            @pl.when(i > 0)
            def _(b=b):
                pltpu.make_async_copy(
                    out_hbm.at[pl.ds(0, BLK)], rows_v.at[b], wsem.at[b]
                ).wait()
            descs.append(pltpu.async_copy(
                tbl_v.at[idx_v.at[pl.ds((i * NBUF + b) * BLK, BLK)]],
                rows_v.at[b], gsem.at[b],
            ))
        for b in range(NBUF):
            descs[b].wait()
            pltpu.async_copy(
                rows_v.at[b],
                out_hbm.at[pl.ds((gbase + b) * BLK, BLK)],
                wsem.at[b],
            )
        return carry

    lax.fori_loop(0, GROUPS, group, 0)
    for b in range(NBUF):
        pltpu.make_async_copy(
            out_hbm.at[pl.ds(0, BLK)], rows_v.at[b], wsem.at[b]
        ).wait()


_mesh = plsc.VectorSubcoreMesh(
    core_axis_name="c", subcore_axis_name="s", num_cores=NC, num_subcores=NS
)

_sc_kernel = functools.partial(
    pl.kernel,
    mesh=_mesh,
    out_type=jax.ShapeDtypeStruct((N, N_HID), jnp.float32),
    scratch_types=[
        pltpu.VMEM((BLOCKS_PER_W * BLK,), jnp.int32),
        pltpu.VMEM_SHARED((8, N_HID), jnp.float32),
        pltpu.VMEM((NBUF, BLK, N_HID), jnp.float32),
        pltpu.VMEM((7, N_HID), jnp.float32),
        pltpu.VMEM((N_HID * N_HID,), jnp.float32),
        pltpu.VMEM((N_HID,), jnp.float32),
        pltpu.VMEM((64,), jnp.float32),
        pltpu.SemaphoreType.DMA((NBUF,)),
        pltpu.SemaphoreType.DMA((NBUF,)),
        pltpu.SemaphoreType.DMA,
    ],
)(_sc_body)


def kernel(t, emb_table, W, b):
    wtf = W.T.reshape(N_HID * N_HID)
    return _sc_kernel(emb_table, wtf, b, t)

# --- scband reference (transcript-rebuilt; emitter-appended) ---
"""Pipeline reference for scband-rel-temporal-encoding-18691697672937 (READ-ONLY COPY).

The authoritative reference and input builder live on the scoring server;
editing this copy changes nothing except your own understanding.
"""

import jax, jax.numpy as jnp
import numpy as np
import math

N_HID = 128
MAX_LEN = 7
N = 320000

def _make_emb_table(n_hid, max_len):
    position = np.arange(0.0, max_len, dtype=np.float64)[:, None]
    div_term = np.exp(np.arange(0, n_hid, 2, dtype=np.float64) * -(math.log(10000.0) / n_hid))
    emb = np.zeros((max_len, n_hid), dtype=np.float64)
    emb[:, 0::2] = np.sin(position * div_term) / math.sqrt(n_hid)
    emb[:, 1::2] = np.cos(position * div_term) / math.sqrt(n_hid)
    return jnp.asarray(emb, dtype=jnp.float32)

def setup_inputs(seed: int = 0) -> dict:
    key = jax.random.key(seed)
    k1, k2, k3 = jax.random.split(key, 3)
    t = jax.random.randint(k1, (N,), 0, MAX_LEN, dtype=jnp.int32)
    emb_table = _make_emb_table(N_HID, MAX_LEN)  # frozen sinusoid embedding [max_len, n_hid]
    bound = 1.0 / math.sqrt(N_HID)
    W = jax.random.uniform(k2, (N_HID, N_HID), dtype=jnp.float32, minval=-bound, maxval=bound)
    b = jax.random.uniform(k3, (N_HID,), dtype=jnp.float32, minval=-bound, maxval=bound)
    return {"t": t, "emb_table": emb_table, "W": W, "b": b}

def reference(t, emb_table, W, b):
    # self.emb(t): embedding gather from sinusoid table
    e = jnp.take(emb_table, t, axis=0)  # [N, n_hid]
    # self.lin(e): Linear(n_hid, n_hid) -> e @ W.T + b
    out = e @ W.T + b
    return out

if __name__ == "__main__":
    import jax
    _d = setup_inputs()
    print(jax.jit(kernel)(*tuple(_d.values())))

</pallas_src>

<mosaic_0001>
#map = affine_map<(d0, d1) -> (0, 0)>
#map1 = affine_map<(d0, d1) -> (0)>
module attributes {stable_mosaic.version = 14 : i64} {
  func.func @_sc_body(%arg0: i32, %arg1: i32, %arg2: memref<7x128xf32, #tpu.memory_space<hbm>>, %arg3: memref<16384xf32, #tpu.memory_space<hbm>>, %arg4: memref<128xf32, #tpu.memory_space<hbm>>, %arg5: memref<320000xi32, #tpu.memory_space<hbm>>, %arg6: memref<320000x128xf32, #tpu.memory_space<hbm>>, %arg7: memref<10000xi32, #tpu.memory_space<vmem>>, %arg8: memref<8x128xf32, #tpu.memory_space<vmem_shared>>, %arg9: memref<10x40x128xf32, #tpu.memory_space<vmem>>, %arg10: memref<7x128xf32, #tpu.memory_space<vmem>>, %arg11: memref<16384xf32, #tpu.memory_space<vmem>>, %arg12: memref<128xf32, #tpu.memory_space<vmem>>, %arg13: memref<64xf32, #tpu.memory_space<vmem>>, %arg14: memref<10x!tpu.dma_semaphore, #tpu.memory_space<semaphore_mem>>, %arg15: memref<10x!tpu.dma_semaphore, #tpu.memory_space<semaphore_mem>>, %arg16: memref<!tpu.dma_semaphore, #tpu.memory_space<semaphore_mem>>) attributes {dimension_semantics = [#tpu.dimension_semantics<core_parallel>, #tpu.dimension_semantics<subcore_parallel>], iteration_bounds = array<i64: 2, 16>, scalar_prefetch = 0 : i64, scratch_operands = 10 : i64, tpu.core_type = #tpu.core_type<sc_vector_subcore>, window_params = [{transform_indices = #map}, {transform_indices = #map1}, {transform_indices = #map1}, {transform_indices = #map1}, {transform_indices = #map}]} {
    %mul3A = arith.constant 2 : i32
    %mul3A_0 = arith.muli %arg1, %mul3A : i32
    %add3A = arith.addi %mul3A_0, %arg0 : i32
    %mul3A_1 = arith.constant 10000 : i32
    %mul3A_2 = arith.muli %add3A, %mul3A_1 : i32
    %dma_start3A = tpu.memref_slice %arg5[%mul3A_2] : memref<320000xi32, #tpu.memory_space<hbm>> -> memref<10000xi32, #tpu.memory_space<hbm>>
    %dma_start3A_3 = tpu.memref_slice %arg5[%mul3A_2] : memref<320000xi32, #tpu.memory_space<hbm>> -> memref<10000xi32, #tpu.memory_space<hbm>>
    tpu.enqueue_dma source(%dma_start3A_3 : memref<10000xi32, #tpu.memory_space<hbm>>) target(%arg7 : memref<10000xi32, #tpu.memory_space<vmem>>) target_semaphore(%arg16 : memref<!tpu.dma_semaphore, #tpu.memory_space<semaphore_mem>>)
    %jit3A = arith.constant 2 : i32
    %div3A = arith.divsi %arg1, %jit3A : i32
    %sign3A = arith.constant 0 : i32
    %sign3A_4 = arith.cmpi sgt, %arg1, %sign3A : i32
    %sign3A_5 = arith.extui %sign3A_4 : i1 to i32
    %sign3A_6 = arith.constant 0 : i32
    %sign3A_7 = arith.cmpi slt, %arg1, %sign3A_6 : i32
    %sign3A_8 = arith.extui %sign3A_7 : i1 to i32
    %sign3A_9 = arith.subi %sign3A_5, %sign3A_8 : i32
    %sign3A_10 = arith.constant 0 : i32
    %sign3A_11 = arith.cmpi sgt, %jit3A, %sign3A_10 : i32
    %sign3A_12 = arith.extui %sign3A_11 : i1 to i32
    %sign3A_13 = arith.constant 0 : i32
    %sign3A_14 = arith.cmpi slt, %jit3A, %sign3A_13 : i32
    %sign3A_15 = arith.extui %sign3A_14 : i1 to i32
    %sign3A_16 = arith.subi %sign3A_12, %sign3A_15 : i32
    %ne3A = arith.cmpi ne, %sign3A_9, %sign3A_16 : i32
    %rem3A = arith.remsi %arg1, %jit3A : i32
    %ne3A_17 = arith.constant 0 : i32
    %ne3A_18 = arith.cmpi ne, %rem3A, %ne3A_17 : i32
    %and3A = arith.andi %ne3A, %ne3A_18 : i1
    %sub3A = arith.constant 1 : i32
    %sub3A_19 = arith.subi %div3A, %sub3A : i32
    %select_n3A = arith.select %and3A, %sub3A_19, %div3A : i32
    %min3A = arith.constant 6 : i32
    %min3A_20 = arith.minsi %select_n3A, %min3A : i32
    %jit3A_21 = arith.constant 2 : i32
    %eq3A = arith.constant 0 : i32
    %eq3A_22 = arith.cmpi eq, %jit3A_21, %eq3A : i32
    %jit3A_23 = arith.constant 1 : i32
    %select_n3A_24 = arith.select %eq3A_22, %jit3A_23, %jit3A_21 : i32
    %rem3A_25 = arith.remsi %arg1, %select_n3A_24 : i32
    %ne3A_26 = arith.constant 0 : i32
    %ne3A_27 = arith.cmpi ne, %rem3A_25, %ne3A_26 : i32
    %lt3A = arith.constant 0 : i32
    %lt3A_28 = arith.cmpi slt, %rem3A_25, %lt3A : i32
    %lt3A_29 = arith.constant 0 : i32
    %lt3A_30 = arith.cmpi slt, %select_n3A_24, %lt3A_29 : i32
    %ne3A_31 = arith.xori %lt3A_28, %lt3A_30 : i1
    %and3A_32 = arith.andi %ne3A_31, %ne3A_27 : i1
    %add3A_33 = arith.addi %rem3A_25, %select_n3A_24 : i32
    %select_n3A_34 = arith.select %and3A_32, %add3A_33, %rem3A_25 : i32
    "tpu.region"() ({
      %run_scoped3A = tpu.sem_alloc : memref<!tpu.dma_semaphore, #tpu.memory_space<semaphore_mem>>
      tpu.enqueue_dma source(%arg2 : memref<7x128xf32, #tpu.memory_space<hbm>>) target(%arg10 : memref<7x128xf32, #tpu.memory_space<vmem>>) target_semaphore(%run_scoped3A : memref<!tpu.dma_semaphore, #tpu.memory_space<semaphore_mem>>)
      tpu.wait_dma2 semaphore(%run_scoped3A : memref<!tpu.dma_semaphore, #tpu.memory_space<semaphore_mem>>) src(%arg2 : memref<7x128xf32, #tpu.memory_space<hbm>>) dst(%arg10 : memref<7x128xf32, #tpu.memory_space<vmem>>)
      tpu.yield
    }) : () -> ()
    "tpu.region"() ({
      %run_scoped3A = tpu.sem_alloc : memref<!tpu.dma_semaphore, #tpu.memory_space<semaphore_mem>>
      tpu.enqueue_dma source(%arg3 : memref<16384xf32, #tpu.memory_space<hbm>>) target(%arg11 : memref<16384xf32, #tpu.memory_space<vmem>>) target_semaphore(%run_scoped3A : memref<!tpu.dma_semaphore, #tpu.memory_space<semaphore_mem>>)
      tpu.wait_dma2 semaphore(%run_scoped3A : memref<!tpu.dma_semaphore, #tpu.memory_space<semaphore_mem>>) src(%arg3 : memref<16384xf32, #tpu.memory_space<hbm>>) dst(%arg11 : memref<16384xf32, #tpu.memory_space<vmem>>)
      tpu.yield
    }) : () -> ()
    "tpu.region"() ({
      %run_scoped3A = tpu.sem_alloc : memref<!tpu.dma_semaphore, #tpu.memory_space<semaphore_mem>>
      tpu.enqueue_dma source(%arg4 : memref<128xf32, #tpu.memory_space<hbm>>) target(%arg12 : memref<128xf32, #tpu.memory_space<vmem>>) target_semaphore(%run_scoped3A : memref<!tpu.dma_semaphore, #tpu.memory_space<semaphore_mem>>)
      tpu.wait_dma2 semaphore(%run_scoped3A : memref<!tpu.dma_semaphore, #tpu.memory_space<semaphore_mem>>) src(%arg4 : memref<128xf32, #tpu.memory_space<hbm>>) dst(%arg12 : memref<128xf32, #tpu.memory_space<vmem>>)
      tpu.yield
    }) : () -> ()
    %mul3A_35 = arith.constant 64 : i32
    %mul3A_36 = arith.muli %select_n3A_34, %mul3A_35 : i32
    %add3A_37 = arith.constant 0 : i32
    %add3A_38 = arith.addi %mul3A_36, %add3A_37 : i32
    %get3A = arith.index_cast %add3A_38 : i32 to index
    %get3A_39 = tpu.vector_load %arg12[%get3A] {strides = array<i32>} : memref<128xf32, #tpu.memory_space<vmem>>, vector<16xf32>,
    %get3A_40 = vector.shape_cast %get3A_39 : vector<16xf32> to vector<16xf32>
    %mul3A_41 = arith.constant 64 : i32
    %mul3A_42 = arith.muli %select_n3A_34, %mul3A_41 : i32
    %add3A_43 = arith.constant 16 : i32
    %add3A_44 = arith.addi %mul3A_42, %add3A_43 : i32
    %get3A_45 = arith.index_cast %add3A_44 : i32 to index
    %get3A_46 = tpu.vector_load %arg12[%get3A_45] {strides = array<i32>} : memref<128xf32, #tpu.memory_space<vmem>>, vector<16xf32>,
    %get3A_47 = vector.shape_cast %get3A_46 : vector<16xf32> to vector<16xf32>
    %mul3A_48 = arith.constant 64 : i32
    %mul3A_49 = arith.muli %select_n3A_34, %mul3A_48 : i32
    %add3A_50 = arith.constant 32 : i32
    %add3A_51 = arith.addi %mul3A_49, %add3A_50 : i32
    %get3A_52 = arith.index_cast %add3A_51 : i32 to index
    %get3A_53 = tpu.vector_load %arg12[%get3A_52] {strides = array<i32>} : memref<128xf32, #tpu.memory_space<vmem>>, vector<16xf32>,
    %get3A_54 = vector.shape_cast %get3A_53 : vector<16xf32> to vector<16xf32>
    %mul3A_55 = arith.constant 64 : i32
    %mul3A_56 = arith.muli %select_n3A_34, %mul3A_55 : i32
    %add3A_57 = arith.constant 48 : i32
    %add3A_58 = arith.addi %mul3A_56, %add3A_57 : i32
    %get3A_59 = arith.index_cast %add3A_58 : i32 to index
    %get3A_60 = tpu.vector_load %arg12[%get3A_59] {strides = array<i32>} : memref<128xf32, #tpu.memory_space<vmem>>, vector<16xf32>,
    %get3A_61 = vector.shape_cast %get3A_60 : vector<16xf32> to vector<16xf32>
    %scan3A = arith.constant 0 : i32
    %scan3A_62 = arith.constant 8 : i32
    %scan3A_63 = arith.addi %scan3A, %scan3A_62 : i32
    %scan3A_64 = arith.constant 1 : i32
    %scan3A_65:4 = scf.for %scan3A_273 = %scan3A to %scan3A_63 step %scan3A_64 iter_args(%scan3A_274 = %get3A_40, %scan3A_275 = %get3A_47, %scan3A_276 = %get3A_54, %scan3A_277 = %get3A_61) -> (vector<16xf32>, vector<16xf32>, vector<16xf32>, vector<16xf32>)  : i32 {
      %mul3A_278 = arith.constant 16 : i32
      %mul3A_279 = arith.muli %scan3A_273, %mul3A_278 : i32
      %get3A_280 = arith.index_cast %min3A_20 : i32 to index
      %get3A_281 = arith.index_cast %mul3A_279 : i32 to index
      %get3A_282 = tpu.vector_load %arg10[%get3A_280, %get3A_281] {strides = array<i32>} : memref<7x128xf32, #tpu.memory_space<vmem>>, vector<1x16xf32>,
      %get3A_283 = vector.shape_cast %get3A_282 : vector<1x16xf32> to vector<16xf32>
      %slice3A = vector.extract_strided_slice %get3A_283 {offsets = [0], sizes = [1], strides = [1]} : vector<16xf32> to vector<1xf32>
      %squeeze3A = vector.extract %slice3A[0] : f32 from vector<1xf32>
      %mul3A_284 = arith.constant 16 : i32
      %mul3A_285 = arith.muli %scan3A_273, %mul3A_284 : i32
      %add3A_286 = arith.constant 0 : i32
      %add3A_287 = arith.addi %mul3A_285, %add3A_286 : i32
      %mul3A_288 = arith.constant 128 : i32
      %mul3A_289 = arith.muli %add3A_287, %mul3A_288 : i32
      %mul3A_290 = arith.constant 64 : i32
      %mul3A_291 = arith.muli %select_n3A_34, %mul3A_290 : i32
      %add3A_292 = arith.addi %mul3A_289, %mul3A_291 : i32
      %add3A_293 = arith.constant 0 : i32
      %add3A_294 = arith.addi %add3A_292, %add3A_293 : i32
      %get3A_295 = arith.index_cast %add3A_294 : i32 to index
      %get3A_296 = tpu.vector_load %arg11[%get3A_295] {strides = array<i32>} : memref<16384xf32, #tpu.memory_space<vmem>>, vector<16xf32>,
      %get3A_297 = vector.shape_cast %get3A_296 : vector<16xf32> to vector<16xf32>
      %mul3A_298 = vector.broadcast %squeeze3A : f32 to vector<16xf32>
      %mul3A_299 = arith.mulf %mul3A_298, %get3A_297 : vector<16xf32>
      %add3A_300 = arith.addf %scan3A_274, %mul3A_299 : vector<16xf32>
      %add3A_301 = arith.constant 16 : i32
      %add3A_302 = arith.addi %add3A_292, %add3A_301 : i32
      %get3A_303 = arith.index_cast %add3A_302 : i32 to index
      %get3A_304 = tpu.vector_load %arg11[%get3A_303] {strides = array<i32>} : memref<16384xf32, #tpu.memory_space<vmem>>, vector<16xf32>,
      %get3A_305 = vector.shape_cast %get3A_304 : vector<16xf32> to vector<16xf32>
      %mul3A_306 = vector.broadcast %squeeze3A : f32 to vector<16xf32>
      %mul3A_307 = arith.mulf %mul3A_306, %get3A_305 : vector<16xf32>
      %add3A_308 = arith.addf %scan3A_275, %mul3A_307 : vector<16xf32>
      %add3A_309 = arith.constant 32 : i32
      %add3A_310 = arith.addi %add3A_292, %add3A_309 : i32
      %get3A_311 = arith.index_cast %add3A_310 : i32 to index
      %get3A_312 = tpu.vector_load %arg11[%get3A_311] {strides = array<i32>} : memref<16384xf32, #tpu.memory_space<vmem>>, vector<16xf32>,
      %get3A_313 = vector.shape_cast %get3A_312 : vector<16xf32> to vector<16xf32>
      %mul3A_314 = vector.broadcast %squeeze3A : f32 to vector<16xf32>
      %mul3A_315 = arith.mulf %mul3A_314, %get3A_313 : vector<16xf32>
      %add3A_316 = arith.addf %scan3A_276, %mul3A_315 : vector<16xf32>
      %add3A_317 = arith.constant 48 : i32
      %add3A_318 = arith.addi %add3A_292, %add3A_317 : i32
      %get3A_319 = arith.index_cast %add3A_318 : i32 to index
      %get3A_320 = tpu.vector_load %arg11[%get3A_319] {strides = array<i32>} : memref<16384xf32, #tpu.memory_space<vmem>>, vector<16xf32>,
      %get3A_321 = vector.shape_cast %get3A_320 : vector<16xf32> to vector<16xf32>
      %mul3A_322 = vector.broadcast %squeeze3A : f32 to vector<16xf32>
      %mul3A_323 = arith.mulf %mul3A_322, %get3A_321 : vector<16xf32>
      %add3A_324 = arith.addf %scan3A_277, %mul3A_323 : vector<16xf32>
      %slice3A_325 = vector.extract_strided_slice %get3A_283 {offsets = [1], sizes = [1], strides = [1]} : vector<16xf32> to vector<1xf32>
      %squeeze3A_326 = vector.extract %slice3A_325[0] : f32 from vector<1xf32>
      %mul3A_327 = arith.constant 16 : i32
      %mul3A_328 = arith.muli %scan3A_273, %mul3A_327 : i32
      %add3A_329 = arith.constant 1 : i32
      %add3A_330 = arith.addi %mul3A_328, %add3A_329 : i32
      %mul3A_331 = arith.constant 128 : i32
      %mul3A_332 = arith.muli %add3A_330, %mul3A_331 : i32
      %mul3A_333 = arith.constant 64 : i32
      %mul3A_334 = arith.muli %select_n3A_34, %mul3A_333 : i32
      %add3A_335 = arith.addi %mul3A_332, %mul3A_334 : i32
      %add3A_336 = arith.constant 0 : i32
      %add3A_337 = arith.addi %add3A_335, %add3A_336 : i32
      %get3A_338 = arith.index_cast %add3A_337 : i32 to index
      %get3A_339 = tpu.vector_load %arg11[%get3A_338] {strides = array<i32>} : memref<16384xf32, #tpu.memory_space<vmem>>, vector<16xf32>,
      %get3A_340 = vector.shape_cast %get3A_339 : vector<16xf32> to vector<16xf32>
      %mul3A_341 = vector.broadcast %squeeze3A_326 : f32 to vector<16xf32>
      %mul3A_342 = arith.mulf %mul3A_341, %get3A_340 : vector<16xf32>
      %add3A_343 = arith.addf %add3A_300, %mul3A_342 : vector<16xf32>
      %add3A_344 = arith.constant 16 : i32
      %add3A_345 = arith.addi %add3A_335, %add3A_344 : i32
      %get3A_346 = arith.index_cast %add3A_345 : i32 to index
      %get3A_347 = tpu.vector_load %arg11[%get3A_346] {strides = array<i32>} : memref<16384xf32, #tpu.memory_space<vmem>>, vector<16xf32>,
      %get3A_348 = vector.shape_cast %get3A_347 : vector<16xf32> to vector<16xf32>
      %mul3A_349 = vector.broadcast %squeeze3A_326 : f32 to vector<16xf32>
      %mul3A_350 = arith.mulf %mul3A_349, %get3A_348 : vector<16xf32>
      %add3A_351 = arith.addf %add3A_308, %mul3A_350 : vector<16xf32>
      %add3A_352 = arith.constant 32 : i32
      %add3A_353 = arith.addi %add3A_335, %add3A_352 : i32
      %get3A_354 = arith.index_cast %add3A_353 : i32 to index
      %get3A_355 = tpu.vector_load %arg11[%get3A_354] {strides = array<i32>} : memref<16384xf32, #tpu.memory_space<vmem>>, vector<16xf32>,
      %get3A_356 = vector.shape_cast %get3A_355 : vector<16xf32> to vector<16xf32>
      %mul3A_357 = vector.broadcast %squeeze3A_326 : f32 to vector<16xf32>
      %mul3A_358 = arith.mulf %mul3A_357, %get3A_356 : vector<16xf32>
      %add3A_359 = arith.addf %add3A_316, %mul3A_358 : vector<16xf32>
      %add3A_360 = arith.constant 48 : i32
      %add3A_361 = arith.addi %add3A_335, %add3A_360 : i32
      %get3A_362 = arith.index_cast %add3A_361 : i32 to index
      %get3A_363 = tpu.vector_load %arg11[%get3A_362] {strides = array<i32>} : memref<16384xf32, #tpu.memory_space<vmem>>, vector<16xf32>,
      %get3A_364 = vector.shape_cast %get3A_363 : vector<16xf32> to vector<16xf32>
      %mul3A_365 = vector.broadcast %squeeze3A_326 : f32 to vector<16xf32>
      %mul3A_366 = arith.mulf %mul3A_365, %get3A_364 : vector<16xf32>
      %add3A_367 = arith.addf %add3A_324, %mul3A_366 : vector<16xf32>
      %slice3A_368 = vector.extract_strided_slice %get3A_283 {offsets = [2], sizes = [1], strides = [1]} : vector<16xf32> to vector<1xf32>
      %squeeze3A_369 = vector.extract %slice3A_368[0] : f32 from vector<1xf32>
      %mul3A_370 = arith.constant 16 : i32
      %mul3A_371 = arith.muli %scan3A_273, %mul3A_370 : i32
      %add3A_372 = arith.constant 2 : i32
      %add3A_373 = arith.addi %mul3A_371, %add3A_372 : i32
      %mul3A_374 = arith.constant 128 : i32
      %mul3A_375 = arith.muli %add3A_373, %mul3A_374 : i32
      %mul3A_376 = arith.constant 64 : i32
      %mul3A_377 = arith.muli %select_n3A_34, %mul3A_376 : i32
      %add3A_378 = arith.addi %mul3A_375, %mul3A_377 : i32
      %add3A_379 = arith.constant 0 : i32
      %add3A_380 = arith.addi %add3A_378, %add3A_379 : i32
      %get3A_381 = arith.index_cast %add3A_380 : i32 to index
      %get3A_382 = tpu.vector_load %arg11[%get3A_381] {strides = array<i32>} : memref<16384xf32, #tpu.memory_space<vmem>>, vector<16xf32>,
      %get3A_383 = vector.shape_cast %get3A_382 : vector<16xf32> to vector<16xf32>
      %mul3A_384 = vector.broadcast %squeeze3A_369 : f32 to vector<16xf32>
      %mul3A_385 = arith.mulf %mul3A_384, %get3A_383 : vector<16xf32>
      %add3A_386 = arith.addf %add3A_343, %mul3A_385 : vector<16xf32>
      %add3A_387 = arith.constant 16 : i32
      %add3A_388 = arith.addi %add3A_378, %add3A_387 : i32
      %get3A_389 = arith.index_cast %add3A_388 : i32 to index
      %get3A_390 = tpu.vector_load %arg11[%get3A_389] {strides = array<i32>} : memref<16384xf32, #tpu.memory_space<vmem>>, vector<16xf32>,
      %get3A_391 = vector.shape_cast %get3A_390 : vector<16xf32> to vector<16xf32>
      %mul3A_392 = vector.broadcast %squeeze3A_369 : f32 to vector<16xf32>
      %mul3A_393 = arith.mulf %mul3A_392, %get3A_391 : vector<16xf32>
      %add3A_394 = arith.addf %add3A_351, %mul3A_393 : vector<16xf32>
      %add3A_395 = arith.constant 32 : i32
      %add3A_396 = arith.addi %add3A_378, %add3A_395 : i32
      %get3A_397 = arith.index_cast %add3A_396 : i32 to index
      %get3A_398 = tpu.vector_load %arg11[%get3A_397] {strides = array<i32>} : memref<16384xf32, #tpu.memory_space<vmem>>, vector<16xf32>,
      %get3A_399 = vector.shape_cast %get3A_398 : vector<16xf32> to vector<16xf32>
      %mul3A_400 = vector.broadcast %squeeze3A_369 : f32 to vector<16xf32>
      %mul3A_401 = arith.mulf %mul3A_400, %get3A_399 : vector<16xf32>
      %add3A_402 = arith.addf %add3A_359, %mul3A_401 : vector<16xf32>
      %add3A_403 = arith.constant 48 : i32
      %add3A_404 = arith.addi %add3A_378, %add3A_403 : i32
      %get3A_405 = arith.index_cast %add3A_404 : i32 to index
      %get3A_406 = tpu.vector_load %arg11[%get3A_405] {strides = array<i32>} : memref<16384xf32, #tpu.memory_space<vmem>>, vector<16xf32>,
      %get3A_407 = vector.shape_cast %get3A_406 : vector<16xf32> to vector<16xf32>
      %mul3A_408 = vector.broadcast %squeeze3A_369 : f32 to vector<16xf32>
      %mul3A_409 = arith.mulf %mul3A_408, %get3A_407 : vector<16xf32>
      %add3A_410 = arith.addf %add3A_367, %mul3A_409 : vector<16xf32>
      %slice3A_411 = vector.extract_strided_slice %get3A_283 {offsets = [3], sizes = [1], strides = [1]} : vector<16xf32> to vector<1xf32>
      %squeeze3A_412 = vector.extract %slice3A_411[0] : f32 from vector<1xf32>
      %mul3A_413 = arith.constant 16 : i32
      %mul3A_414 = arith.muli %scan3A_273, %mul3A_413 : i32
      %add3A_415 = arith.constant 3 : i32
      %add3A_416 = arith.addi %mul3A_414, %add3A_415 : i32
      %mul3A_417 = arith.constant 128 : i32
      %mul3A_418 = arith.muli %add3A_416, %mul3A_417 : i32
      %mul3A_419 = arith.constant 64 : i32
      %mul3A_420 = arith.muli %select_n3A_34, %mul3A_419 : i32
      %add3A_421 = arith.addi %mul3A_418, %mul3A_420 : i32
      %add3A_422 = arith.constant 0 : i32
      %add3A_423 = arith.addi %add3A_421, %add3A_422 : i32
      %get3A_424 = arith.index_cast %add3A_423 : i32 to index
      %get3A_425 = tpu.vector_load %arg11[%get3A_424] {strides = array<i32>} : memref<16384xf32, #tpu.memory_space<vmem>>, vector<16xf32>,
      %get3A_426 = vector.shape_cast %get3A_425 : vector<16xf32> to vector<16xf32>
      %mul3A_427 = vector.broadcast %squeeze3A_412 : f32 to vector<16xf32>
      %mul3A_428 = arith.mulf %mul3A_427, %get3A_426 : vector<16xf32>
      %add3A_429 = arith.addf %add3A_386, %mul3A_428 : vector<16xf32>
      %add3A_430 = arith.constant 16 : i32
      %add3A_431 = arith.addi %add3A_421, %add3A_430 : i32
      %get3A_432 = arith.index_cast %add3A_431 : i32 to index
      %get3A_433 = tpu.vector_load %arg11[%get3A_432] {strides = array<i32>} : memref<16384xf32, #tpu.memory_space<vmem>>, vector<16xf32>,
      %get3A_434 = vector.shape_cast %get3A_433 : vector<16xf32> to vector<16xf32>
      %mul3A_435 = vector.broadcast %squeeze3A_412 : f32 to vector<16xf32>
      %mul3A_436 = arith.mulf %mul3A_435, %get3A_434 : vector<16xf32>
      %add3A_437 = arith.addf %add3A_394, %mul3A_436 : vector<16xf32>
      %add3A_438 = arith.constant 32 : i32
      %add3A_439 = arith.addi %add3A_421, %add3A_438 : i32
      %get3A_440 = arith.index_cast %add3A_439 : i32 to index
      %get3A_441 = tpu.vector_load %arg11[%get3A_440] {strides = array<i32>} : memref<16384xf32, #tpu.memory_space<vmem>>, vector<16xf32>,
      %get3A_442 = vector.shape_cast %get3A_441 : vector<16xf32> to vector<16xf32>
      %mul3A_443 = vector.broadcast %squeeze3A_412 : f32 to vector<16xf32>
      %mul3A_444 = arith.mulf %mul3A_443, %get3A_442 : vector<16xf32>
      %add3A_445 = arith.addf %add3A_402, %mul3A_444 : vector<16xf32>
      %add3A_446 = arith.constant 48 : i32
      %add3A_447 = arith.addi %add3A_421, %add3A_446 : i32
      %get3A_448 = arith.index_cast %add3A_447 : i32 to index
      %get3A_449 = tpu.vector_load %arg11[%get3A_448] {strides = array<i32>} : memref<16384xf32, #tpu.memory_space<vmem>>, vector<16xf32>,
      %get3A_450 = vector.shape_cast %get3A_449 : vector<16xf32> to vector<16xf32>
      %mul3A_451 = vector.broadcast %squeeze3A_412 : f32 to vector<16xf32>
      %mul3A_452 = arith.mulf %mul3A_451, %get3A_450 : vector<16xf32>
      %add3A_453 = arith.addf %add3A_410, %mul3A_452 : vector<16xf32>
      %slice3A_454 = vector.extract_strided_slice %get3A_283 {offsets = [4], sizes = [1], strides = [1]} : vector<16xf32> to vector<1xf32>
      %squeeze3A_455 = vector.extract %slice3A_454[0] : f32 from vector<1xf32>
      %mul3A_456 = arith.constant 16 : i32
      %mul3A_457 = arith.muli %scan3A_273, %mul3A_456 : i32
      %add3A_458 = arith.constant 4 : i32
      %add3A_459 = arith.addi %mul3A_457, %add3A_458 : i32
      %mul3A_460 = arith.constant 128 : i32
      %mul3A_461 = arith.muli %add3A_459, %mul3A_460 : i32
      %mul3A_462 = arith.constant 64 : i32
      %mul3A_463 = arith.muli %select_n3A_34, %mul3A_462 : i32
      %add3A_464 = arith.addi %mul3A_461, %mul3A_463 : i32
      %add3A_465 = arith.constant 0 : i32
      %add3A_466 = arith.addi %add3A_464, %add3A_465 : i32
      %get3A_467 = arith.index_cast %add3A_466 : i32 to index
      %get3A_468 = tpu.vector_load %arg11[%get3A_467] {strides = array<i32>} : memref<16384xf32, #tpu.memory_space<vmem>>, vector<16xf32>,
      %get3A_469 = vector.shape_cast %get3A_468 : vector<16xf32> to vector<16xf32>
      %mul3A_470 = vector.broadcast %squeeze3A_455 : f32 to vector<16xf32>
      %mul3A_471 = arith.mulf %mul3A_470, %get3A_469 : vector<16xf32>
      %add3A_472 = arith.addf %add3A_429, %mul3A_471 : vector<16xf32>
      %add3A_473 = arith.constant 16 : i32
      %add3A_474 = arith.addi %add3A_464, %add3A_473 : i32
      %get3A_475 = arith.index_cast %add3A_474 : i32 to index
      %get3A_476 = tpu.vector_load %arg11[%get3A_475] {strides = array<i32>} : memref<16384xf32, #tpu.memory_space<vmem>>, vector<16xf32>,
      %get3A_477 = vector.shape_cast %get3A_476 : vector<16xf32> to vector<16xf32>
      %mul3A_478 = vector.broadcast %squeeze3A_455 : f32 to vector<16xf32>
      %mul3A_479 = arith.mulf %mul3A_478, %get3A_477 : vector<16xf32>
      %add3A_480 = arith.addf %add3A_437, %mul3A_479 : vector<16xf32>
      %add3A_481 = arith.constant 32 : i32
      %add3A_482 = arith.addi %add3A_464, %add3A_481 : i32
      %get3A_483 = arith.index_cast %add3A_482 : i32 to index
      %get3A_484 = tpu.vector_load %arg11[%get3A_483] {strides = array<i32>} : memref<16384xf32, #tpu.memory_space<vmem>>, vector<16xf32>,
      %get3A_485 = vector.shape_cast %get3A_484 : vector<16xf32> to vector<16xf32>
      %mul3A_486 = vector.broadcast %squeeze3A_455 : f32 to vector<16xf32>
      %mul3A_487 = arith.mulf %mul3A_486, %get3A_485 : vector<16xf32>
      %add3A_488 = arith.addf %add3A_445, %mul3A_487 : vector<16xf32>
      %add3A_489 = arith.constant 48 : i32
      %add3A_490 = arith.addi %add3A_464, %add3A_489 : i32
      %get3A_491 = arith.index_cast %add3A_490 : i32 to index
      %get3A_492 = tpu.vector_load %arg11[%get3A_491] {strides = array<i32>} : memref<16384xf32, #tpu.memory_space<vmem>>, vector<16xf32>,
      %get3A_493 = vector.shape_cast %get3A_492 : vector<16xf32> to vector<16xf32>
      %mul3A_494 = vector.broadcast %squeeze3A_455 : f32 to vector<16xf32>
      %mul3A_495 = arith.mulf %mul3A_494, %get3A_493 : vector<16xf32>
      %add3A_496 = arith.addf %add3A_453, %mul3A_495 : vector<16xf32>
      %slice3A_497 = vector.extract_strided_slice %get3A_283 {offsets = [5], sizes = [1], strides = [1]} : vector<16xf32> to vector<1xf32>
      %squeeze3A_498 = vector.extract %slice3A_497[0] : f32 from vector<1xf32>
      %mul3A_499 = arith.constant 16 : i32
      %mul3A_500 = arith.muli %scan3A_273, %mul3A_499 : i32
      %add3A_501 = arith.constant 5 : i32
      %add3A_502 = arith.addi %mul3A_500, %add3A_501 : i32
      %mul3A_503 = arith.constant 128 : i32
      %mul3A_504 = arith.muli %add3A_502, %mul3A_503 : i32
      %mul3A_505 = arith.constant 64 : i32
      %mul3A_506 = arith.muli %select_n3A_34, %mul3A_505 : i32
      %add3A_507 = arith.addi %mul3A_504, %mul3A_506 : i32
      %add3A_508 = arith.constant 0 : i32
      %add3A_509 = arith.addi %add3A_507, %add3A_508 : i32
      %get3A_510 = arith.index_cast %add3A_509 : i32 to index
      %get3A_511 = tpu.vector_load %arg11[%get3A_510] {strides = array<i32>} : memref<16384xf32, #tpu.memory_space<vmem>>, vector<16xf32>,
      %get3A_512 = vector.shape_cast %get3A_511 : vector<16xf32> to vector<16xf32>
      %mul3A_513 = vector.broadcast %squeeze3A_498 : f32 to vector<16xf32>
      %mul3A_514 = arith.mulf %mul3A_513, %get3A_512 : vector<16xf32>
      %add3A_515 = arith.addf %add3A_472, %mul3A_514 : vector<16xf32>
      %add3A_516 = arith.constant 16 : i32
      %add3A_517 = arith.addi %add3A_507, %add3A_516 : i32
      %get3A_518 = arith.index_cast %add3A_517 : i32 to index
      %get3A_519 = tpu.vector_load %arg11[%get3A_518] {strides = array<i32>} : memref<16384xf32, #tpu.memory_space<vmem>>, vector<16xf32>,
      %get3A_520 = vector.shape_cast %get3A_519 : vector<16xf32> to vector<16xf32>
      %mul3A_521 = vector.broadcast %squeeze3A_498 : f32 to vector<16xf32>
      %mul3A_522 = arith.mulf %mul3A_521, %get3A_520 : vector<16xf32>
      %add3A_523 = arith.addf %add3A_480, %mul3A_522 : vector<16xf32>
      %add3A_524 = arith.constant 32 : i32
      %add3A_525 = arith.addi %add3A_507, %add3A_524 : i32
      %get3A_526 = arith.index_cast %add3A_525 : i32 to index
      %get3A_527 = tpu.vector_load %arg11[%get3A_526] {strides = array<i32>} : memref<16384xf32, #tpu.memory_space<vmem>>, vector<16xf32>,
      %get3A_528 = vector.shape_cast %get3A_527 : vector<16xf32> to vector<16xf32>
      %mul3A_529 = vector.broadcast %squeeze3A_498 : f32 to vector<16xf32>
      %mul3A_530 = arith.mulf %mul3A_529, %get3A_528 : vector<16xf32>
      %add3A_531 = arith.addf %add3A_488, %mul3A_530 : vector<16xf32>
      %add3A_532 = arith.constant 48 : i32
      %add3A_533 = arith.addi %add3A_507, %add3A_532 : i32
      %get3A_534 = arith.index_cast %add3A_533 : i32 to index
      %get3A_535 = tpu.vector_load %arg11[%get3A_534] {strides = array<i32>} : memref<16384xf32, #tpu.memory_space<vmem>>, vector<16xf32>,
      %get3A_536 = vector.shape_cast %get3A_535 : vector<16xf32> to vector<16xf32>
      %mul3A_537 = vector.broadcast %squeeze3A_498 : f32 to vector<16xf32>
      %mul3A_538 = arith.mulf %mul3A_537, %get3A_536 : vector<16xf32>
      %add3A_539 = arith.addf %add3A_496, %mul3A_538 : vector<16xf32>
      %slice3A_540 = vector.extract_strided_slice %get3A_283 {offsets = [6], sizes = [1], strides = [1]} : vector<16xf32> to vector<1xf32>
      %squeeze3A_541 = vector.extract %slice3A_540[0] : f32 from vector<1xf32>
      %mul3A_542 = arith.constant 16 : i32
      %mul3A_543 = arith.muli %scan3A_273, %mul3A_542 : i32
      %add3A_544 = arith.constant 6 : i32
      %add3A_545 = arith.addi %mul3A_543, %add3A_544 : i32
      %mul3A_546 = arith.constant 128 : i32
      %mul3A_547 = arith.muli %add3A_545, %mul3A_546 : i32
      %mul3A_548 = arith.constant 64 : i32
      %mul3A_549 = arith.muli %select_n3A_34, %mul3A_548 : i32
      %add3A_550 = arith.addi %mul3A_547, %mul3A_549 : i32
      %add3A_551 = arith.constant 0 : i32
      %add3A_552 = arith.addi %add3A_550, %add3A_551 : i32
      %get3A_553 = arith.index_cast %add3A_552 : i32 to index
      %get3A_554 = tpu.vector_load %arg11[%get3A_553] {strides = array<i32>} : memref<16384xf32, #tpu.memory_space<vmem>>, vector<16xf32>,
      %get3A_555 = vector.shape_cast %get3A_554 : vector<16xf32> to vector<16xf32>
      %mul3A_556 = vector.broadcast %squeeze3A_541 : f32 to vector<16xf32>
      %mul3A_557 = arith.mulf %mul3A_556, %get3A_555 : vector<16xf32>
      %add3A_558 = arith.addf %add3A_515, %mul3A_557 : vector<16xf32>
      %add3A_559 = arith.constant 16 : i32
      %add3A_560 = arith.addi %add3A_550, %add3A_559 : i32
      %get3A_561 = arith.index_cast %add3A_560 : i32 to index
      %get3A_562 = tpu.vector_load %arg11[%get3A_561] {strides = array<i32>} : memref<16384xf32, #tpu.memory_space<vmem>>, vector<16xf32>,
      %get3A_563 = vector.shape_cast %get3A_562 : vector<16xf32> to vector<16xf32>
      %mul3A_564 = vector.broadcast %squeeze3A_541 : f32 to vector<16xf32>
      %mul3A_565 = arith.mulf %mul3A_564, %get3A_563 : vector<16xf32>
      %add3A_566 = arith.addf %add3A_523, %mul3A_565 : vector<16xf32>
      %add3A_567 = arith.constant 32 : i32
      %add3A_568 = arith.addi %add3A_550, %add3A_567 : i32
      %get3A_569 = arith.index_cast %add3A_568 : i32 to index
      %get3A_570 = tpu.vector_load %arg11[%get3A_569] {strides = array<i32>} : memref<16384xf32, #tpu.memory_space<vmem>>, vector<16xf32>,
      %get3A_571 = vector.shape_cast %get3A_570 : vector<16xf32> to vector<16xf32>
      %mul3A_572 = vector.broadcast %squeeze3A_541 : f32 to vector<16xf32>
      %mul3A_573 = arith.mulf %mul3A_572, %get3A_571 : vector<16xf32>
      %add3A_574 = arith.addf %add3A_531, %mul3A_573 : vector<16xf32>
      %add3A_575 = arith.constant 48 : i32
      %add3A_576 = arith.addi %add3A_550, %add3A_575 : i32
      %get3A_577 = arith.index_cast %add3A_576 : i32 to index
      %get3A_578 = tpu.vector_load %arg11[%get3A_577] {strides = array<i32>} : memref<16384xf32, #tpu.memory_space<vmem>>, vector<16xf32>,
      %get3A_579 = vector.shape_cast %get3A_578 : vector<16xf32> to vector<16xf32>
      %mul3A_580 = vector.broadcast %squeeze3A_541 : f32 to vector<16xf32>
      %mul3A_581 = arith.mulf %mul3A_580, %get3A_579 : vector<16xf32>
      %add3A_582 = arith.addf %add3A_539, %mul3A_581 : vector<16xf32>
      %slice3A_583 = vector.extract_strided_slice %get3A_283 {offsets = [7], sizes = [1], strides = [1]} : vector<16xf32> to vector<1xf32>
      %squeeze3A_584 = vector.extract %slice3A_583[0] : f32 from vector<1xf32>
      %mul3A_585 = arith.constant 16 : i32
      %mul3A_586 = arith.muli %scan3A_273, %mul3A_585 : i32
      %add3A_587 = arith.constant 7 : i32
      %add3A_588 = arith.addi %mul3A_586, %add3A_587 : i32
      %mul3A_589 = arith.constant 128 : i32
      %mul3A_590 = arith.muli %add3A_588, %mul3A_589 : i32
      %mul3A_591 = arith.constant 64 : i32
      %mul3A_592 = arith.muli %select_n3A_34, %mul3A_591 : i32
      %add3A_593 = arith.addi %mul3A_590, %mul3A_592 : i32
      %add3A_594 = arith.constant 0 : i32
      %add3A_595 = arith.addi %add3A_593, %add3A_594 : i32
      %get3A_596 = arith.index_cast %add3A_595 : i32 to index
      %get3A_597 = tpu.vector_load %arg11[%get3A_596] {strides = array<i32>} : memref<16384xf32, #tpu.memory_space<vmem>>, vector<16xf32>,
      %get3A_598 = vector.shape_cast %get3A_597 : vector<16xf32> to vector<16xf32>
      %mul3A_599 = vector.broadcast %squeeze3A_584 : f32 to vector<16xf32>
      %mul3A_600 = arith.mulf %mul3A_599, %get3A_598 : vector<16xf32>
      %add3A_601 = arith.addf %add3A_558, %mul3A_600 : vector<16xf32>
      %add3A_602 = arith.constant 16 : i32
      %add3A_603 = arith.addi %add3A_593, %add3A_602 : i32
      %get3A_604 = arith.index_cast %add3A_603 : i32 to index
      %get3A_605 = tpu.vector_load %arg11[%get3A_604] {strides = array<i32>} : memref<16384xf32, #tpu.memory_space<vmem>>, vector<16xf32>,
      %get3A_606 = vector.shape_cast %get3A_605 : vector<16xf32> to vector<16xf32>
      %mul3A_607 = vector.broadcast %squeeze3A_584 : f32 to vector<16xf32>
      %mul3A_608 = arith.mulf %mul3A_607, %get3A_606 : vector<16xf32>
      %add3A_609 = arith.addf %add3A_566, %mul3A_608 : vector<16xf32>
      %add3A_610 = arith.constant 32 : i32
      %add3A_611 = arith.addi %add3A_593, %add3A_610 : i32
      %get3A_612 = arith.index_cast %add3A_611 : i32 to index
      %get3A_613 = tpu.vector_load %arg11[%get3A_612] {strides = array<i32>} : memref<16384xf32, #tpu.memory_space<vmem>>, vector<16xf32>,
      %get3A_614 = vector.shape_cast %get3A_613 : vector<16xf32> to vector<16xf32>
      %mul3A_615 = vector.broadcast %squeeze3A_584 : f32 to vector<16xf32>
      %mul3A_616 = arith.mulf %mul3A_615, %get3A_614 : vector<16xf32>
      %add3A_617 = arith.addf %add3A_574, %mul3A_616 : vector<16xf32>
      %add3A_618 = arith.constant 48 : i32
      %add3A_619 = arith.addi %add3A_593, %add3A_618 : i32
      %get3A_620 = arith.index_cast %add3A_619 : i32 to index
      %get3A_621 = tpu.vector_load %arg11[%get3A_620] {strides = array<i32>} : memref<16384xf32, #tpu.memory_space<vmem>>, vector<16xf32>,
      %get3A_622 = vector.shape_cast %get3A_621 : vector<16xf32> to vector<16xf32>
      %mul3A_623 = vector.broadcast %squeeze3A_584 : f32 to vector<16xf32>
      %mul3A_624 = arith.mulf %mul3A_623, %get3A_622 : vector<16xf32>
      %add3A_625 = arith.addf %add3A_582, %mul3A_624 : vector<16xf32>
      %slice3A_626 = vector.extract_strided_slice %get3A_283 {offsets = [8], sizes = [1], strides = [1]} : vector<16xf32> to vector<1xf32>
      %squeeze3A_627 = vector.extract %slice3A_626[0] : f32 from vector<1xf32>
      %mul3A_628 = arith.constant 16 : i32
      %mul3A_629 = arith.muli %scan3A_273, %mul3A_628 : i32
      %add3A_630 = arith.constant 8 : i32
      %add3A_631 = arith.addi %mul3A_629, %add3A_630 : i32
      %mul3A_632 = arith.constant 128 : i32
      %mul3A_633 = arith.muli %add3A_631, %mul3A_632 : i32
      %mul3A_634 = arith.constant 64 : i32
      %mul3A_635 = arith.muli %select_n3A_34, %mul3A_634 : i32
      %add3A_636 = arith.addi %mul3A_633, %mul3A_635 : i32
      %add3A_637 = arith.constant 0 : i32
      %add3A_638 = arith.addi %add3A_636, %add3A_637 : i32
      %get3A_639 = arith.index_cast %add3A_638 : i32 to index
      %get3A_640 = tpu.vector_load %arg11[%get3A_639] {strides = array<i32>} : memref<16384xf32, #tpu.memory_space<vmem>>, vector<16xf32>,
      %get3A_641 = vector.shape_cast %get3A_640 : vector<16xf32> to vector<16xf32>
      %mul3A_642 = vector.broadcast %squeeze3A_627 : f32 to vector<16xf32>
      %mul3A_643 = arith.mulf %mul3A_642, %get3A_641 : vector<16xf32>
      %add3A_644 = arith.addf %add3A_601, %mul3A_643 : vector<16xf32>
      %add3A_645 = arith.constant 16 : i32
      %add3A_646 = arith.addi %add3A_636, %add3A_645 : i32
      %get3A_647 = arith.index_cast %add3A_646 : i32 to index
      %get3A_648 = tpu.vector_load %arg11[%get3A_647] {strides = array<i32>} : memref<16384xf32, #tpu.memory_space<vmem>>, vector<16xf32>,
      %get3A_649 = vector.shape_cast %get3A_648 : vector<16xf32> to vector<16xf32>
      %mul3A_650 = vector.broadcast %squeeze3A_627 : f32 to vector<16xf32>
      %mul3A_651 = arith.mulf %mul3A_650, %get3A_649 : vector<16xf32>
      %add3A_652 = arith.addf %add3A_609, %mul3A_651 : vector<16xf32>
      %add3A_653 = arith.constant 32 : i32
      %add3A_654 = arith.addi %add3A_636, %add3A_653 : i32
      %get3A_655 = arith.index_cast %add3A_654 : i32 to index
      %get3A_656 = tpu.vector_load %arg11[%get3A_655] {strides = array<i32>} : memref<16384xf32, #tpu.memory_space<vmem>>, vector<16xf32>,
      %get3A_657 = vector.shape_cast %get3A_656 : vector<16xf32> to vector<16xf32>
      %mul3A_658 = vector.broadcast %squeeze3A_627 : f32 to vector<16xf32>
      %mul3A_659 = arith.mulf %mul3A_658, %get3A_657 : vector<16xf32>
      %add3A_660 = arith.addf %add3A_617, %mul3A_659 : vector<16xf32>
      %add3A_661 = arith.constant 48 : i32
      %add3A_662 = arith.addi %add3A_636, %add3A_661 : i32
      %get3A_663 = arith.index_cast %add3A_662 : i32 to index
      %get3A_664 = tpu.vector_load %arg11[%get3A_663] {strides = array<i32>} : memref<16384xf32, #tpu.memory_space<vmem>>, vector<16xf32>,
      %get3A_665 = vector.shape_cast %get3A_664 : vector<16xf32> to vector<16xf32>
      %mul3A_666 = vector.broadcast %squeeze3A_627 : f32 to vector<16xf32>
      %mul3A_667 = arith.mulf %mul3A_666, %get3A_665 : vector<16xf32>
      %add3A_668 = arith.addf %add3A_625, %mul3A_667 : vector<16xf32>
      %slice3A_669 = vector.extract_strided_slice %get3A_283 {offsets = [9], sizes = [1], strides = [1]} : vector<16xf32> to vector<1xf32>
      %squeeze3A_670 = vector.extract %slice3A_669[0] : f32 from vector<1xf32>
      %mul3A_671 = arith.constant 16 : i32
      %mul3A_672 = arith.muli %scan3A_273, %mul3A_671 : i32
      %add3A_673 = arith.constant 9 : i32
      %add3A_674 = arith.addi %mul3A_672, %add3A_673 : i32
      %mul3A_675 = arith.constant 128 : i32
      %mul3A_676 = arith.muli %add3A_674, %mul3A_675 : i32
      %mul3A_677 = arith.constant 64 : i32
      %mul3A_678 = arith.muli %select_n3A_34, %mul3A_677 : i32
      %add3A_679 = arith.addi %mul3A_676, %mul3A_678 : i32
      %add3A_680 = arith.constant 0 : i32
      %add3A_681 = arith.addi %add3A_679, %add3A_680 : i32
      %get3A_682 = arith.index_cast %add3A_681 : i32 to index
      %get3A_683 = tpu.vector_load %arg11[%get3A_682] {strides = array<i32>} : memref<16384xf32, #tpu.memory_space<vmem>>, vector<16xf32>,
      %get3A_684 = vector.shape_cast %get3A_683 : vector<16xf32> to vector<16xf32>
      %mul3A_685 = vector.broadcast %squeeze3A_670 : f32 to vector<16xf32>
      %mul3A_686 = arith.mulf %mul3A_685, %get3A_684 : vector<16xf32>
      %add3A_687 = arith.addf %add3A_644, %mul3A_686 : vector<16xf32>
      %add3A_688 = arith.constant 16 : i32
      %add3A_689 = arith.addi %add3A_679, %add3A_688 : i32
      %get3A_690 = arith.index_cast %add3A_689 : i32 to index
      %get3A_691 = tpu.vector_load %arg11[%get3A_690] {strides = array<i32>} : memref<16384xf32, #tpu.memory_space<vmem>>, vector<16xf32>,
      %get3A_692 = vector.shape_cast %get3A_691 : vector<16xf32> to vector<16xf32>
      %mul3A_693 = vector.broadcast %squeeze3A_670 : f32 to vector<16xf32>
      %mul3A_694 = arith.mulf %mul3A_693, %get3A_692 : vector<16xf32>
      %add3A_695 = arith.addf %add3A_652, %mul3A_694 : vector<16xf32>
      %add3A_696 = arith.constant 32 : i32
      %add3A_697 = arith.addi %add3A_679, %add3A_696 : i32
      %get3A_698 = arith.index_cast %add3A_697 : i32 to index
      %get3A_699 = tpu.vector_load %arg11[%get3A_698] {strides = array<i32>} : memref<16384xf32, #tpu.memory_space<vmem>>, vector<16xf32>,
      %get3A_700 = vector.shape_cast %get3A_699 : vector<16xf32> to vector<16xf32>
      %mul3A_701 = vector.broadcast %squeeze3A_670 : f32 to vector<16xf32>
      %mul3A_702 = arith.mulf %mul3A_701, %get3A_700 : vector<16xf32>
      %add3A_703 = arith.addf %add3A_660, %mul3A_702 : vector<16xf32>
      %add3A_704 = arith.constant 48 : i32
      %add3A_705 = arith.addi %add3A_679, %add3A_704 : i32
      %get3A_706 = arith.index_cast %add3A_705 : i32 to index
      %get3A_707 = tpu.vector_load %arg11[%get3A_706] {strides = array<i32>} : memref<16384xf32, #tpu.memory_space<vmem>>, vector<16xf32>,
      %get3A_708 = vector.shape_cast %get3A_707 : vector<16xf32> to vector<16xf32>
      %mul3A_709 = vector.broadcast %squeeze3A_670 : f32 to vector<16xf32>
      %mul3A_710 = arith.mulf %mul3A_709, %get3A_708 : vector<16xf32>
      %add3A_711 = arith.addf %add3A_668, %mul3A_710 : vector<16xf32>
      %slice3A_712 = vector.extract_strided_slice %get3A_283 {offsets = [10], sizes = [1], strides = [1]} : vector<16xf32> to vector<1xf32>
      %squeeze3A_713 = vector.extract %slice3A_712[0] : f32 from vector<1xf32>
      %mul3A_714 = arith.constant 16 : i32
      %mul3A_715 = arith.muli %scan3A_273, %mul3A_714 : i32
      %add3A_716 = arith.constant 10 : i32
      %add3A_717 = arith.addi %mul3A_715, %add3A_716 : i32
      %mul3A_718 = arith.constant 128 : i32
      %mul3A_719 = arith.muli %add3A_717, %mul3A_718 : i32
      %mul3A_720 = arith.constant 64 : i32
      %mul3A_721 = arith.muli %select_n3A_34, %mul3A_720 : i32
      %add3A_722 = arith.addi %mul3A_719, %mul3A_721 : i32
      %add3A_723 = arith.constant 0 : i32
      %add3A_724 = arith.addi %add3A_722, %add3A_723 : i32
      %get3A_725 = arith.index_cast %add3A_724 : i32 to index
      %get3A_726 = tpu.vector_load %arg11[%get3A_725] {strides = array<i32>} : memref<16384xf32, #tpu.memory_space<vmem>>, vector<16xf32>,
      %get3A_727 = vector.shape_cast %get3A_726 : vector<16xf32> to vector<16xf32>
      %mul3A_728 = vector.broadcast %squeeze3A_713 : f32 to vector<16xf32>
      %mul3A_729 = arith.mulf %mul3A_728, %get3A_727 : vector<16xf32>
      %add3A_730 = arith.addf %add3A_687, %mul3A_729 : vector<16xf32>
      %add3A_731 = arith.constant 16 : i32
      %add3A_732 = arith.addi %add3A_722, %add3A_731 : i32
      %get3A_733 = arith.index_cast %add3A_732 : i32 to index
      %get3A_734 = tpu.vector_load %arg11[%get3A_733] {strides = array<i32>} : memref<16384xf32, #tpu.memory_space<vmem>>, vector<16xf32>,
      %get3A_735 = vector.shape_cast %get3A_734 : vector<16xf32> to vector<16xf32>
      %mul3A_736 = vector.broadcast %squeeze3A_713 : f32 to vector<16xf32>
      %mul3A_737 = arith.mulf %mul3A_736, %get3A_735 : vector<16xf32>
      %add3A_738 = arith.addf %add3A_695, %mul3A_737 : vector<16xf32>
      %add3A_739 = arith.constant 32 : i32
      %add3A_740 = arith.addi %add3A_722, %add3A_739 : i32
      %get3A_741 = arith.index_cast %add3A_740 : i32 to index
      %get3A_742 = tpu.vector_load %arg11[%get3A_741] {strides = array<i32>} : memref<16384xf32, #tpu.memory_space<vmem>>, vector<16xf32>,
      %get3A_743 = vector.shape_cast %get3A_742 : vector<16xf32> to vector<16xf32>
      %mul3A_744 = vector.broadcast %squeeze3A_713 : f32 to vector<16xf32>
      %mul3A_745 = arith.mulf %mul3A_744, %get3A_743 : vector<16xf32>
      %add3A_746 = arith.addf %add3A_703, %mul3A_745 : vector<16xf32>
      %add3A_747 = arith.constant 48 : i32
      %add3A_748 = arith.addi %add3A_722, %add3A_747 : i32
      %get3A_749 = arith.index_cast %add3A_748 : i32 to index
      %get3A_750 = tpu.vector_load %arg11[%get3A_749] {strides = array<i32>} : memref<16384xf32, #tpu.memory_space<vmem>>, vector<16xf32>,
      %get3A_751 = vector.shape_cast %get3A_750 : vector<16xf32> to vector<16xf32>
      %mul3A_752 = vector.broadcast %squeeze3A_713 : f32 to vector<16xf32>
      %mul3A_753 = arith.mulf %mul3A_752, %get3A_751 : vector<16xf32>
      %add3A_754 = arith.addf %add3A_711, %mul3A_753 : vector<16xf32>
      %slice3A_755 = vector.extract_strided_slice %get3A_283 {offsets = [11], sizes = [1], strides = [1]} : vector<16xf32> to vector<1xf32>
      %squeeze3A_756 = vector.extract %slice3A_755[0] : f32 from vector<1xf32>
      %mul3A_757 = arith.constant 16 : i32
      %mul3A_758 = arith.muli %scan3A_273, %mul3A_757 : i32
      %add3A_759 = arith.constant 11 : i32
      %add3A_760 = arith.addi %mul3A_758, %add3A_759 : i32
      %mul3A_761 = arith.constant 128 : i32
      %mul3A_762 = arith.muli %add3A_760, %mul3A_761 : i32
      %mul3A_763 = arith.constant 64 : i32
      %mul3A_764 = arith.muli %select_n3A_34, %mul3A_763 : i32
      %add3A_765 = arith.addi %mul3A_762, %mul3A_764 : i32
      %add3A_766 = arith.constant 0 : i32
      %add3A_767 = arith.addi %add3A_765, %add3A_766 : i32
      %get3A_768 = arith.index_cast %add3A_767 : i32 to index
      %get3A_769 = tpu.vector_load %arg11[%get3A_768] {strides = array<i32>} : memref<16384xf32, #tpu.memory_space<vmem>>, vector<16xf32>,
      %get3A_770 = vector.shape_cast %get3A_769 : vector<16xf32> to vector<16xf32>
      %mul3A_771 = vector.broadcast %squeeze3A_756 : f32 to vector<16xf32>
      %mul3A_772 = arith.mulf %mul3A_771, %get3A_770 : vector<16xf32>
      %add3A_773 = arith.addf %add3A_730, %mul3A_772 : vector<16xf32>
      %add3A_774 = arith.constant 16 : i32
      %add3A_775 = arith.addi %add3A_765, %add3A_774 : i32
      %get3A_776 = arith.index_cast %add3A_775 : i32 to index
      %get3A_777 = tpu.vector_load %arg11[%get3A_776] {strides = array<i32>} : memref<16384xf32, #tpu.memory_space<vmem>>, vector<16xf32>,
      %get3A_778 = vector.shape_cast %get3A_777 : vector<16xf32> to vector<16xf32>
      %mul3A_779 = vector.broadcast %squeeze3A_756 : f32 to vector<16xf32>
      %mul3A_780 = arith.mulf %mul3A_779, %get3A_778 : vector<16xf32>
      %add3A_781 = arith.addf %add3A_738, %mul3A_780 : vector<16xf32>
      %add3A_782 = arith.constant 32 : i32
      %add3A_783 = arith.addi %add3A_765, %add3A_782 : i32
      %get3A_784 = arith.index_cast %add3A_783 : i32 to index
      %get3A_785 = tpu.vector_load %arg11[%get3A_784] {strides = array<i32>} : memref<16384xf32, #tpu.memory_space<vmem>>, vector<16xf32>,
      %get3A_786 = vector.shape_cast %get3A_785 : vector<16xf32> to vector<16xf32>
      %mul3A_787 = vector.broadcast %squeeze3A_756 : f32 to vector<16xf32>
      %mul3A_788 = arith.mulf %mul3A_787, %get3A_786 : vector<16xf32>
      %add3A_789 = arith.addf %add3A_746, %mul3A_788 : vector<16xf32>
      %add3A_790 = arith.constant 48 : i32
      %add3A_791 = arith.addi %add3A_765, %add3A_790 : i32
      %get3A_792 = arith.index_cast %add3A_791 : i32 to index
      %get3A_793 = tpu.vector_load %arg11[%get3A_792] {strides = array<i32>} : memref<16384xf32, #tpu.memory_space<vmem>>, vector<16xf32>,
      %get3A_794 = vector.shape_cast %get3A_793 : vector<16xf32> to vector<16xf32>
      %mul3A_795 = vector.broadcast %squeeze3A_756 : f32 to vector<16xf32>
      %mul3A_796 = arith.mulf %mul3A_795, %get3A_794 : vector<16xf32>
      %add3A_797 = arith.addf %add3A_754, %mul3A_796 : vector<16xf32>
      %slice3A_798 = vector.extract_strided_slice %get3A_283 {offsets = [12], sizes = [1], strides = [1]} : vector<16xf32> to vector<1xf32>
      %squeeze3A_799 = vector.extract %slice3A_798[0] : f32 from vector<1xf32>
      %mul3A_800 = arith.constant 16 : i32
      %mul3A_801 = arith.muli %scan3A_273, %mul3A_800 : i32
      %add3A_802 = arith.constant 12 : i32
      %add3A_803 = arith.addi %mul3A_801, %add3A_802 : i32
      %mul3A_804 = arith.constant 128 : i32
      %mul3A_805 = arith.muli %add3A_803, %mul3A_804 : i32
      %mul3A_806 = arith.constant 64 : i32
      %mul3A_807 = arith.muli %select_n3A_34, %mul3A_806 : i32
      %add3A_808 = arith.addi %mul3A_805, %mul3A_807 : i32
      %add3A_809 = arith.constant 0 : i32
      %add3A_810 = arith.addi %add3A_808, %add3A_809 : i32
      %get3A_811 = arith.index_cast %add3A_810 : i32 to index
      %get3A_812 = tpu.vector_load %arg11[%get3A_811] {strides = array<i32>} : memref<16384xf32, #tpu.memory_space<vmem>>, vector<16xf32>,
      %get3A_813 = vector.shape_cast %get3A_812 : vector<16xf32> to vector<16xf32>
      %mul3A_814 = vector.broadcast %squeeze3A_799 : f32 to vector<16xf32>
      %mul3A_815 = arith.mulf %mul3A_814, %get3A_813 : vector<16xf32>
      %add3A_816 = arith.addf %add3A_773, %mul3A_815 : vector<16xf32>
      %add3A_817 = arith.constant 16 : i32
      %add3A_818 = arith.addi %add3A_808, %add3A_817 : i32
      %get3A_819 = arith.index_cast %add3A_818 : i32 to index
      %get3A_820 = tpu.vector_load %arg11[%get3A_819] {strides = array<i32>} : memref<16384xf32, #tpu.memory_space<vmem>>, vector<16xf32>,
      %get3A_821 = vector.shape_cast %get3A_820 : vector<16xf32> to vector<16xf32>
      %mul3A_822 = vector.broadcast %squeeze3A_799 : f32 to vector<16xf32>
      %mul3A_823 = arith.mulf %mul3A_822, %get3A_821 : vector<16xf32>
      %add3A_824 = arith.addf %add3A_781, %mul3A_823 : vector<16xf32>
      %add3A_825 = arith.constant 32 : i32
      %add3A_826 = arith.addi %add3A_808, %add3A_825 : i32
      %get3A_827 = arith.index_cast %add3A_826 : i32 to index
      %get3A_828 = tpu.vector_load %arg11[%get3A_827] {strides = array<i32>} : memref<16384xf32, #tpu.memory_space<vmem>>, vector<16xf32>,
      %get3A_829 = vector.shape_cast %get3A_828 : vector<16xf32> to vector<16xf32>
      %mul3A_830 = vector.broadcast %squeeze3A_799 : f32 to vector<16xf32>
      %mul3A_831 = arith.mulf %mul3A_830, %get3A_829 : vector<16xf32>
      %add3A_832 = arith.addf %add3A_789, %mul3A_831 : vector<16xf32>
      %add3A_833 = arith.constant 48 : i32
      %add3A_834 = arith.addi %add3A_808, %add3A_833 : i32
      %get3A_835 = arith.index_cast %add3A_834 : i32 to index
      %get3A_836 = tpu.vector_load %arg11[%get3A_835] {strides = array<i32>} : memref<16384xf32, #tpu.memory_space<vmem>>, vector<16xf32>,
      %get3A_837 = vector.shape_cast %get3A_836 : vector<16xf32> to vector<16xf32>
      %mul3A_838 = vector.broadcast %squeeze3A_799 : f32 to vector<16xf32>
      %mul3A_839 = arith.mulf %mul3A_838, %get3A_837 : vector<16xf32>
      %add3A_840 = arith.addf %add3A_797, %mul3A_839 : vector<16xf32>
      %slice3A_841 = vector.extract_strided_slice %get3A_283 {offsets = [13], sizes = [1], strides = [1]} : vector<16xf32> to vector<1xf32>
      %squeeze3A_842 = vector.extract %slice3A_841[0] : f32 from vector<1xf32>
      %mul3A_843 = arith.constant 16 : i32
      %mul3A_844 = arith.muli %scan3A_273, %mul3A_843 : i32
      %add3A_845 = arith.constant 13 : i32
      %add3A_846 = arith.addi %mul3A_844, %add3A_845 : i32
      %mul3A_847 = arith.constant 128 : i32
      %mul3A_848 = arith.muli %add3A_846, %mul3A_847 : i32
      %mul3A_849 = arith.constant 64 : i32
      %mul3A_850 = arith.muli %select_n3A_34, %mul3A_849 : i32
      %add3A_851 = arith.addi %mul3A_848, %mul3A_850 : i32
      %add3A_852 = arith.constant 0 : i32
      %add3A_853 = arith.addi %add3A_851, %add3A_852 : i32
      %get3A_854 = arith.index_cast %add3A_853 : i32 to index
      %get3A_855 = tpu.vector_load %arg11[%get3A_854] {strides = array<i32>} : memref<16384xf32, #tpu.memory_space<vmem>>, vector<16xf32>,
      %get3A_856 = vector.shape_cast %get3A_855 : vector<16xf32> to vector<16xf32>
      %mul3A_857 = vector.broadcast %squeeze3A_842 : f32 to vector<16xf32>
      %mul3A_858 = arith.mulf %mul3A_857, %get3A_856 : vector<16xf32>
      %add3A_859 = arith.addf %add3A_816, %mul3A_858 : vector<16xf32>
      %add3A_860 = arith.constant 16 : i32
      %add3A_861 = arith.addi %add3A_851, %add3A_860 : i32
      %get3A_862 = arith.index_cast %add3A_861 : i32 to index
      %get3A_863 = tpu.vector_load %arg11[%get3A_862] {strides = array<i32>} : memref<16384xf32, #tpu.memory_space<vmem>>, vector<16xf32>,
      %get3A_864 = vector.shape_cast %get3A_863 : vector<16xf32> to vector<16xf32>
      %mul3A_865 = vector.broadcast %squeeze3A_842 : f32 to vector<16xf32>
      %mul3A_866 = arith.mulf %mul3A_865, %get3A_864 : vector<16xf32>
      %add3A_867 = arith.addf %add3A_824, %mul3A_866 : vector<16xf32>
      %add3A_868 = arith.constant 32 : i32
      %add3A_869 = arith.addi %add3A_851, %add3A_868 : i32
      %get3A_870 = arith.index_cast %add3A_869 : i32 to index
      %get3A_871 = tpu.vector_load %arg11[%get3A_870] {strides = array<i32>} : memref<16384xf32, #tpu.memory_space<vmem>>, vector<16xf32>,
      %get3A_872 = vector.shape_cast %get3A_871 : vector<16xf32> to vector<16xf32>
      %mul3A_873 = vector.broadcast %squeeze3A_842 : f32 to vector<16xf32>
      %mul3A_874 = arith.mulf %mul3A_873, %get3A_872 : vector<16xf32>
      %add3A_875 = arith.addf %add3A_832, %mul3A_874 : vector<16xf32>
      %add3A_876 = arith.constant 48 : i32
      %add3A_877 = arith.addi %add3A_851, %add3A_876 : i32
      %get3A_878 = arith.index_cast %add3A_877 : i32 to index
      %get3A_879 = tpu.vector_load %arg11[%get3A_878] {strides = array<i32>} : memref<16384xf32, #tpu.memory_space<vmem>>, vector<16xf32>,
      %get3A_880 = vector.shape_cast %get3A_879 : vector<16xf32> to vector<16xf32>
      %mul3A_881 = vector.broadcast %squeeze3A_842 : f32 to vector<16xf32>
      %mul3A_882 = arith.mulf %mul3A_881, %get3A_880 : vector<16xf32>
      %add3A_883 = arith.addf %add3A_840, %mul3A_882 : vector<16xf32>
      %slice3A_884 = vector.extract_strided_slice %get3A_283 {offsets = [14], sizes = [1], strides = [1]} : vector<16xf32> to vector<1xf32>
      %squeeze3A_885 = vector.extract %slice3A_884[0] : f32 from vector<1xf32>
      %mul3A_886 = arith.constant 16 : i32
      %mul3A_887 = arith.muli %scan3A_273, %mul3A_886 : i32
      %add3A_888 = arith.constant 14 : i32
      %add3A_889 = arith.addi %mul3A_887, %add3A_888 : i32
      %mul3A_890 = arith.constant 128 : i32
      %mul3A_891 = arith.muli %add3A_889, %mul3A_890 : i32
      %mul3A_892 = arith.constant 64 : i32
      %mul3A_893 = arith.muli %select_n3A_34, %mul3A_892 : i32
      %add3A_894 = arith.addi %mul3A_891, %mul3A_893 : i32
      %add3A_895 = arith.constant 0 : i32
      %add3A_896 = arith.addi %add3A_894, %add3A_895 : i32
      %get3A_897 = arith.index_cast %add3A_896 : i32 to index
      %get3A_898 = tpu.vector_load %arg11[%get3A_897] {strides = array<i32>} : memref<16384xf32, #tpu.memory_space<vmem>>, vector<16xf32>,
      %get3A_899 = vector.shape_cast %get3A_898 : vector<16xf32> to vector<16xf32>
      %mul3A_900 = vector.broadcast %squeeze3A_885 : f32 to vector<16xf32>
      %mul3A_901 = arith.mulf %mul3A_900, %get3A_899 : vector<16xf32>
      %add3A_902 = arith.addf %add3A_859, %mul3A_901 : vector<16xf32>
      %add3A_903 = arith.constant 16 : i32
      %add3A_904 = arith.addi %add3A_894, %add3A_903 : i32
      %get3A_905 = arith.index_cast %add3A_904 : i32 to index
      %get3A_906 = tpu.vector_load %arg11[%get3A_905] {strides = array<i32>} : memref<16384xf32, #tpu.memory_space<vmem>>, vector<16xf32>,
      %get3A_907 = vector.shape_cast %get3A_906 : vector<16xf32> to vector<16xf32>
      %mul3A_908 = vector.broadcast %squeeze3A_885 : f32 to vector<16xf32>
      %mul3A_909 = arith.mulf %mul3A_908, %get3A_907 : vector<16xf32>
      %add3A_910 = arith.addf %add3A_867, %mul3A_909 : vector<16xf32>
      %add3A_911 = arith.constant 32 : i32
      %add3A_912 = arith.addi %add3A_894, %add3A_911 : i32
      %get3A_913 = arith.index_cast %add3A_912 : i32 to index
      %get3A_914 = tpu.vector_load %arg11[%get3A_913] {strides = array<i32>} : memref<16384xf32, #tpu.memory_space<vmem>>, vector<16xf32>,
      %get3A_915 = vector.shape_cast %get3A_914 : vector<16xf32> to vector<16xf32>
      %mul3A_916 = vector.broadcast %squeeze3A_885 : f32 to vector<16xf32>
      %mul3A_917 = arith.mulf %mul3A_916, %get3A_915 : vector<16xf32>
      %add3A_918 = arith.addf %add3A_875, %mul3A_917 : vector<16xf32>
      %add3A_919 = arith.constant 48 : i32
      %add3A_920 = arith.addi %add3A_894, %add3A_919 : i32
      %get3A_921 = arith.index_cast %add3A_920 : i32 to index
      %get3A_922 = tpu.vector_load %arg11[%get3A_921] {strides = array<i32>} : memref<16384xf32, #tpu.memory_space<vmem>>, vector<16xf32>,
      %get3A_923 = vector.shape_cast %get3A_922 : vector<16xf32> to vector<16xf32>
      %mul3A_924 = vector.broadcast %squeeze3A_885 : f32 to vector<16xf32>
      %mul3A_925 = arith.mulf %mul3A_924, %get3A_923 : vector<16xf32>
      %add3A_926 = arith.addf %add3A_883, %mul3A_925 : vector<16xf32>
      %slice3A_927 = vector.extract_strided_slice %get3A_283 {offsets = [15], sizes = [1], strides = [1]} : vector<16xf32> to vector<1xf32>
      %squeeze3A_928 = vector.extract %slice3A_927[0] : f32 from vector<1xf32>
      %mul3A_929 = arith.constant 16 : i32
      %mul3A_930 = arith.muli %scan3A_273, %mul3A_929 : i32
      %add3A_931 = arith.constant 15 : i32
      %add3A_932 = arith.addi %mul3A_930, %add3A_931 : i32
      %mul3A_933 = arith.constant 128 : i32
      %mul3A_934 = arith.muli %add3A_932, %mul3A_933 : i32
      %mul3A_935 = arith.constant 64 : i32
      %mul3A_936 = arith.muli %select_n3A_34, %mul3A_935 : i32
      %add3A_937 = arith.addi %mul3A_934, %mul3A_936 : i32
      %add3A_938 = arith.constant 0 : i32
      %add3A_939 = arith.addi %add3A_937, %add3A_938 : i32
      %get3A_940 = arith.index_cast %add3A_939 : i32 to index
      %get3A_941 = tpu.vector_load %arg11[%get3A_940] {strides = array<i32>} : memref<16384xf32, #tpu.memory_space<vmem>>, vector<16xf32>,
      %get3A_942 = vector.shape_cast %get3A_941 : vector<16xf32> to vector<16xf32>
      %mul3A_943 = vector.broadcast %squeeze3A_928 : f32 to vector<16xf32>
      %mul3A_944 = arith.mulf %mul3A_943, %get3A_942 : vector<16xf32>
      %add3A_945 = arith.addf %add3A_902, %mul3A_944 : vector<16xf32>
      %add3A_946 = arith.constant 16 : i32
      %add3A_947 = arith.addi %add3A_937, %add3A_946 : i32
      %get3A_948 = arith.index_cast %add3A_947 : i32 to index
      %get3A_949 = tpu.vector_load %arg11[%get3A_948] {strides = array<i32>} : memref<16384xf32, #tpu.memory_space<vmem>>, vector<16xf32>,
      %get3A_950 = vector.shape_cast %get3A_949 : vector<16xf32> to vector<16xf32>
      %mul3A_951 = vector.broadcast %squeeze3A_928 : f32 to vector<16xf32>
      %mul3A_952 = arith.mulf %mul3A_951, %get3A_950 : vector<16xf32>
      %add3A_953 = arith.addf %add3A_910, %mul3A_952 : vector<16xf32>
      %add3A_954 = arith.constant 32 : i32
      %add3A_955 = arith.addi %add3A_937, %add3A_954 : i32
      %get3A_956 = arith.index_cast %add3A_955 : i32 to index
      %get3A_957 = tpu.vector_load %arg11[%get3A_956] {strides = array<i32>} : memref<16384xf32, #tpu.memory_space<vmem>>, vector<16xf32>,
      %get3A_958 = vector.shape_cast %get3A_957 : vector<16xf32> to vector<16xf32>
      %mul3A_959 = vector.broadcast %squeeze3A_928 : f32 to vector<16xf32>
      %mul3A_960 = arith.mulf %mul3A_959, %get3A_958 : vector<16xf32>
      %add3A_961 = arith.addf %add3A_918, %mul3A_960 : vector<16xf32>
      %add3A_962 = arith.constant 48 : i32
      %add3A_963 = arith.addi %add3A_937, %add3A_962 : i32
      %get3A_964 = arith.index_cast %add3A_963 : i32 to index
      %get3A_965 = tpu.vector_load %arg11[%get3A_964] {strides = array<i32>} : memref<16384xf32, #tpu.memory_space<vmem>>, vector<16xf32>,
      %get3A_966 = vector.shape_cast %get3A_965 : vector<16xf32> to vector<16xf32>
      %mul3A_967 = vector.broadcast %squeeze3A_928 : f32 to vector<16xf32>
      %mul3A_968 = arith.mulf %mul3A_967, %get3A_966 : vector<16xf32>
      %add3A_969 = arith.addf %add3A_926, %mul3A_968 : vector<16xf32>
      scf.yield %add3A_945, %add3A_953, %add3A_961, %add3A_969 : vector<16xf32>, vector<16xf32>, vector<16xf32>, vector<16xf32>
    }
    %scan3A_66 = arith.constant 8 : i32
    %swap3A = arith.constant 0 : index
    %swap3A_67 = tpu.vector_load %arg13[%swap3A] {strides = array<i32>} : memref<64xf32, #tpu.memory_space<vmem>>, vector<16xf32>,
    %swap3A_68 = vector.shape_cast %swap3A_67 : vector<16xf32> to vector<16xf32>
    %swap3A_69 = vector.shape_cast %scan3A_65#0 : vector<16xf32> to vector<16xf32>
    tpu.vector_store %arg13[%swap3A], %swap3A_69 {strides = array<i32>} : memref<64xf32, #tpu.memory_space<vmem>>, vector<16xf32>,
    %swap3A_70 = arith.constant 16 : index
    %swap3A_71 = tpu.vector_load %arg13[%swap3A_70] {strides = array<i32>} : memref<64xf32, #tpu.memory_space<vmem>>, vector<16xf32>,
    %swap3A_72 = vector.shape_cast %swap3A_71 : vector<16xf32> to vector<16xf32>
    %swap3A_73 = vector.shape_cast %scan3A_65#1 : vector<16xf32> to vector<16xf32>
    tpu.vector_store %arg13[%swap3A_70], %swap3A_73 {strides = array<i32>} : memref<64xf32, #tpu.memory_space<vmem>>, vector<16xf32>,
    %swap3A_74 = arith.constant 32 : index
    %swap3A_75 = tpu.vector_load %arg13[%swap3A_74] {strides = array<i32>} : memref<64xf32, #tpu.memory_space<vmem>>, vector<16xf32>,
    %swap3A_76 = vector.shape_cast %swap3A_75 : vector<16xf32> to vector<16xf32>
    %swap3A_77 = vector.shape_cast %scan3A_65#2 : vector<16xf32> to vector<16xf32>
    tpu.vector_store %arg13[%swap3A_74], %swap3A_77 {strides = array<i32>} : memref<64xf32, #tpu.memory_space<vmem>>, vector<16xf32>,
    %swap3A_78 = arith.constant 48 : index
    %swap3A_79 = tpu.vector_load %arg13[%swap3A_78] {strides = array<i32>} : memref<64xf32, #tpu.memory_space<vmem>>, vector<16xf32>,
    %swap3A_80 = vector.shape_cast %swap3A_79 : vector<16xf32> to vector<16xf32>
    %swap3A_81 = vector.shape_cast %scan3A_65#3 : vector<16xf32> to vector<16xf32>
    tpu.vector_store %arg13[%swap3A_78], %swap3A_81 {strides = array<i32>} : memref<64xf32, #tpu.memory_space<vmem>>, vector<16xf32>,
    %mul3A_82 = arith.constant 64 : i32
    %mul3A_83 = arith.muli %select_n3A_34, %mul3A_82 : i32
    "tpu.region"() ({
      %run_scoped3A = tpu.sem_alloc : memref<!tpu.dma_semaphore, #tpu.memory_space<semaphore_mem>>
      %dma_start3A_273 = tpu.memref_slice %arg8[%min3A_20, %mul3A_83] : memref<8x128xf32, #tpu.memory_space<vmem_shared>> -> memref<1x64xf32, #tpu.memory_space<vmem_shared>>
      %dma_start3A_274 = tpu.memref_squeeze %dma_start3A_273 : memref<1x64xf32, #tpu.memory_space<vmem_shared>> -> memref<64xf32, #tpu.memory_space<vmem_shared>>
      %dma_start3A_275 = tpu.memref_slice %arg8[%min3A_20, %mul3A_83] : memref<8x128xf32, #tpu.memory_space<vmem_shared>> -> memref<1x64xf32, #tpu.memory_space<vmem_shared>>
      %dma_start3A_276 = tpu.memref_squeeze %dma_start3A_275 : memref<1x64xf32, #tpu.memory_space<vmem_shared>> -> memref<64xf32, #tpu.memory_space<vmem_shared>>
      tpu.enqueue_dma source(%arg13 : memref<64xf32, #tpu.memory_space<vmem>>) target(%dma_start3A_276 : memref<64xf32, #tpu.memory_space<vmem_shared>>) target_semaphore(%run_scoped3A : memref<!tpu.dma_semaphore, #tpu.memory_space<semaphore_mem>>)
      %dma_wait3A_277 = tpu.memref_slice %arg8[%min3A_20, %mul3A_83] : memref<8x128xf32, #tpu.memory_space<vmem_shared>> -> memref<1x64xf32, #tpu.memory_space<vmem_shared>>
      %dma_wait3A_278 = tpu.memref_squeeze %dma_wait3A_277 : memref<1x64xf32, #tpu.memory_space<vmem_shared>> -> memref<64xf32, #tpu.memory_space<vmem_shared>>
      %dma_wait3A_279 = tpu.memref_slice %arg8[%min3A_20, %mul3A_83] : memref<8x128xf32, #tpu.memory_space<vmem_shared>> -> memref<1x64xf32, #tpu.memory_space<vmem_shared>>
      %dma_wait3A_280 = tpu.memref_squeeze %dma_wait3A_279 : memref<1x64xf32, #tpu.memory_space<vmem_shared>> -> memref<64xf32, #tpu.memory_space<vmem_shared>>
      tpu.wait_dma2 semaphore(%run_scoped3A : memref<!tpu.dma_semaphore, #tpu.memory_space<semaphore_mem>>) src(%arg13 : memref<64xf32, #tpu.memory_space<vmem>>) dst(%dma_wait3A_280 : memref<64xf32, #tpu.memory_space<vmem_shared>>)
      tpu.yield
    }) : () -> ()
    %barrier3A = arith.constant 0 : index
    tpu.barrier barrier_id(%barrier3A)
    %dma_wait3A = tpu.memref_slice %arg5[%mul3A_2] : memref<320000xi32, #tpu.memory_space<hbm>> -> memref<10000xi32, #tpu.memory_space<hbm>>
    %dma_wait3A_84 = tpu.memref_slice %arg5[%mul3A_2] : memref<320000xi32, #tpu.memory_space<hbm>> -> memref<10000xi32, #tpu.memory_space<hbm>>
    tpu.wait_dma2 semaphore(%arg16 : memref<!tpu.dma_semaphore, #tpu.memory_space<semaphore_mem>>) src(%dma_wait3A_84 : memref<10000xi32, #tpu.memory_space<hbm>>) dst(%arg7 : memref<10000xi32, #tpu.memory_space<vmem>>)
    %mul3A_85 = arith.constant 250 : i32
    %mul3A_86 = arith.muli %add3A, %mul3A_85 : i32
    %scan3A_87 = arith.constant 0 : i32
    %scan3A_88 = arith.constant 0 : i32
    %scan3A_89 = arith.constant 25 : i32
    %scan3A_90 = arith.addi %scan3A_88, %scan3A_89 : i32
    %scan3A_91 = arith.constant 1 : i32
    scf.for %scan3A_273 = %scan3A_88 to %scan3A_90 step %scan3A_91  : i32 {
      %mul3A_274 = arith.constant 10 : i32
      %mul3A_275 = arith.muli %scan3A_273, %mul3A_274 : i32
      %add3A_276 = arith.addi %mul3A_86, %mul3A_275 : i32
      %gt3A = arith.constant 0 : i32
      %gt3A_277 = arith.cmpi sgt, %scan3A_273, %gt3A : i32
      %convert_element_type3A = arith.extui %gt3A_277 : i1 to i32
      %cond3A = arith.constant 0 : i32
      %cond3A_278 = arith.cmpi ne, %convert_element_type3A, %cond3A : i32
      scf.if %cond3A_278 {
        %dma_wait3A_824 = arith.constant 0 : i32
        %dma_wait3A_825 = arith.constant 0 : i32
        %dma_wait3A_826 = arith.constant 0 : i32
        %dma_wait3A_827 = arith.constant 0 : i32
        %dma_wait3A_828 = tpu.memref_slice %arg9[%dma_wait3A_824, %dma_wait3A_826, %dma_wait3A_827] : memref<10x40x128xf32, #tpu.memory_space<vmem>> -> memref<1x40x128xf32, #tpu.memory_space<vmem>>
        %dma_wait3A_829 = tpu.memref_squeeze %dma_wait3A_828 : memref<1x40x128xf32, #tpu.memory_space<vmem>> -> memref<40x128xf32, #tpu.memory_space<vmem>>
        %dma_wait3A_830 = arith.constant 0 : i32
        %dma_wait3A_831 = arith.constant 0 : i32
        %dma_wait3A_832 = tpu.memref_slice %arg6[%dma_wait3A_830, %dma_wait3A_831] : memref<320000x128xf32, #tpu.memory_space<hbm>> -> memref<40x128xf32, #tpu.memory_space<hbm>>
        %dma_wait3A_833 = tpu.memref_slice %arg15[%dma_wait3A_825] : memref<10x!tpu.dma_semaphore, #tpu.memory_space<semaphore_mem>> -> memref<1x!tpu.dma_semaphore, #tpu.memory_space<semaphore_mem>>
        %dma_wait3A_834 = tpu.memref_squeeze %dma_wait3A_833 : memref<1x!tpu.dma_semaphore, #tpu.memory_space<semaphore_mem>> -> memref<!tpu.dma_semaphore, #tpu.memory_space<semaphore_mem>>
        %dma_wait3A_835 = arith.constant 0 : i32
        %dma_wait3A_836 = arith.constant 0 : i32
        %dma_wait3A_837 = tpu.memref_slice %arg9[%dma_wait3A_824, %dma_wait3A_835, %dma_wait3A_836] : memref<10x40x128xf32, #tpu.memory_space<vmem>> -> memref<1x40x128xf32, #tpu.memory_space<vmem>>
        %dma_wait3A_838 = tpu.memref_squeeze %dma_wait3A_837 : memref<1x40x128xf32, #tpu.memory_space<vmem>> -> memref<40x128xf32, #tpu.memory_space<vmem>>
        %dma_wait3A_839 = arith.constant 0 : i32
        %dma_wait3A_840 = arith.constant 0 : i32
        %dma_wait3A_841 = tpu.memref_slice %arg6[%dma_wait3A_839, %dma_wait3A_840] : memref<320000x128xf32, #tpu.memory_space<hbm>> -> memref<40x128xf32, #tpu.memory_space<hbm>>
        tpu.wait_dma2 semaphore(%dma_wait3A_834 : memref<!tpu.dma_semaphore, #tpu.memory_space<semaphore_mem>>) src(%dma_wait3A_841 : memref<40x128xf32, #tpu.memory_space<hbm>>) dst(%dma_wait3A_838 : memref<40x128xf32, #tpu.memory_space<vmem>>)
      } else {
      }
      %mul3A_279 = arith.constant 10 : i32
      %mul3A_280 = arith.muli %scan3A_273, %mul3A_279 : i32
      %add3A_281 = arith.constant 0 : i32
      %add3A_282 = arith.addi %mul3A_280, %add3A_281 : i32
      %mul3A_283 = arith.constant 40 : i32
      %mul3A_284 = arith.muli %add3A_282, %mul3A_283 : i32
      %dma_start3A_285 = arith.constant 0 : i32
      %dma_start3A_286 = arith.constant 0 : i32
      %dma_start3A_287 = arith.constant 0 : i32
      %dma_start3A_288 = arith.constant 0 : i32
      %dma_start3A_289 = tpu.memref_slice %arg9[%dma_start3A_285, %dma_start3A_287, %dma_start3A_288] : memref<10x40x128xf32, #tpu.memory_space<vmem>> -> memref<1x40x128xf32, #tpu.memory_space<vmem>>
      %dma_start3A_290 = tpu.memref_squeeze %dma_start3A_289 : memref<1x40x128xf32, #tpu.memory_space<vmem>> -> memref<40x128xf32, #tpu.memory_space<vmem>>
      %dma_start3A_291 = tpu.memref_slice %arg7[%mul3A_284] : memref<10000xi32, #tpu.memory_space<vmem>> -> memref<40xi32, #tpu.memory_space<vmem>>
      %dma_start3A_292 = arith.constant 0 : i32
      %dma_start3A_293 = arith.constant 0 : i32
      %dma_start3A_294 = tpu.memref_slice %arg8[%dma_start3A_292, %dma_start3A_293] : memref<8x128xf32, #tpu.memory_space<vmem_shared>> -> memref<8x128xf32, #tpu.memory_space<vmem_shared>>
      %dma_start3A_295 = tpu.memref_slice %arg14[%dma_start3A_286] : memref<10x!tpu.dma_semaphore, #tpu.memory_space<semaphore_mem>> -> memref<1x!tpu.dma_semaphore, #tpu.memory_space<semaphore_mem>>
      %dma_start3A_296 = tpu.memref_squeeze %dma_start3A_295 : memref<1x!tpu.dma_semaphore, #tpu.memory_space<semaphore_mem>> -> memref<!tpu.dma_semaphore, #tpu.memory_space<semaphore_mem>>
      tpu.enqueue_indirect_dma source(%dma_start3A_294 : memref<8x128xf32, #tpu.memory_space<vmem_shared>>) target(%dma_start3A_290 : memref<40x128xf32, #tpu.memory_space<vmem>>) offsets(%dma_start3A_291 : memref<40xi32, #tpu.memory_space<vmem>>) semaphore(%dma_start3A_296 : memref<!tpu.dma_semaphore, #tpu.memory_space<semaphore_mem>>)
      %gt3A_297 = arith.constant 0 : i32
      %gt3A_298 = arith.cmpi sgt, %scan3A_273, %gt3A_297 : i32
      %convert_element_type3A_299 = arith.extui %gt3A_298 : i1 to i32
      %cond3A_300 = arith.constant 0 : i32
      %cond3A_301 = arith.cmpi ne, %convert_element_type3A_299, %cond3A_300 : i32
      scf.if %cond3A_301 {
        %dma_wait3A_824 = arith.constant 1 : i32
        %dma_wait3A_825 = arith.constant 1 : i32
        %dma_wait3A_826 = arith.constant 0 : i32
        %dma_wait3A_827 = arith.constant 0 : i32
        %dma_wait3A_828 = tpu.memref_slice %arg9[%dma_wait3A_824, %dma_wait3A_826, %dma_wait3A_827] : memref<10x40x128xf32, #tpu.memory_space<vmem>> -> memref<1x40x128xf32, #tpu.memory_space<vmem>>
        %dma_wait3A_829 = tpu.memref_squeeze %dma_wait3A_828 : memref<1x40x128xf32, #tpu.memory_space<vmem>> -> memref<40x128xf32, #tpu.memory_space<vmem>>
        %dma_wait3A_830 = arith.constant 0 : i32
        %dma_wait3A_831 = arith.constant 0 : i32
        %dma_wait3A_832 = tpu.memref_slice %arg6[%dma_wait3A_830, %dma_wait3A_831] : memref<320000x128xf32, #tpu.memory_space<hbm>> -> memref<40x128xf32, #tpu.memory_space<hbm>>
        %dma_wait3A_833 = tpu.memref_slice %arg15[%dma_wait3A_825] : memref<10x!tpu.dma_semaphore, #tpu.memory_space<semaphore_mem>> -> memref<1x!tpu.dma_semaphore, #tpu.memory_space<semaphore_mem>>
        %dma_wait3A_834 = tpu.memref_squeeze %dma_wait3A_833 : memref<1x!tpu.dma_semaphore, #tpu.memory_space<semaphore_mem>> -> memref<!tpu.dma_semaphore, #tpu.memory_space<semaphore_mem>>
        %dma_wait3A_835 = arith.constant 0 : i32
        %dma_wait3A_836 = arith.constant 0 : i32
        %dma_wait3A_837 = tpu.memref_slice %arg9[%dma_wait3A_824, %dma_wait3A_835, %dma_wait3A_836] : memref<10x40x128xf32, #tpu.memory_space<vmem>> -> memref<1x40x128xf32, #tpu.memory_space<vmem>>
        %dma_wait3A_838 = tpu.memref_squeeze %dma_wait3A_837 : memref<1x40x128xf32, #tpu.memory_space<vmem>> -> memref<40x128xf32, #tpu.memory_space<vmem>>
        %dma_wait3A_839 = arith.constant 0 : i32
        %dma_wait3A_840 = arith.constant 0 : i32
        %dma_wait3A_841 = tpu.memref_slice %arg6[%dma_wait3A_839, %dma_wait3A_840] : memref<320000x128xf32, #tpu.memory_space<hbm>> -> memref<40x128xf32, #tpu.memory_space<hbm>>
        tpu.wait_dma2 semaphore(%dma_wait3A_834 : memref<!tpu.dma_semaphore, #tpu.memory_space<semaphore_mem>>) src(%dma_wait3A_841 : memref<40x128xf32, #tpu.memory_space<hbm>>) dst(%dma_wait3A_838 : memref<40x128xf32, #tpu.memory_space<vmem>>)
      } else {
      }
      %mul3A_302 = arith.constant 10 : i32
      %mul3A_303 = arith.muli %scan3A_273, %mul3A_302 : i32
      %add3A_304 = arith.constant 1 : i32
      %add3A_305 = arith.addi %mul3A_303, %add3A_304 : i32
      %mul3A_306 = arith.constant 40 : i32
      %mul3A_307 = arith.muli %add3A_305, %mul3A_306 : i32
      %dma_start3A_308 = arith.constant 1 : i32
      %dma_start3A_309 = arith.constant 1 : i32
      %dma_start3A_310 = arith.constant 0 : i32
      %dma_start3A_311 = arith.constant 0 : i32
      %dma_start3A_312 = tpu.memref_slice %arg9[%dma_start3A_308, %dma_start3A_310, %dma_start3A_311] : memref<10x40x128xf32, #tpu.memory_space<vmem>> -> memref<1x40x128xf32, #tpu.memory_space<vmem>>
      %dma_start3A_313 = tpu.memref_squeeze %dma_start3A_312 : memref<1x40x128xf32, #tpu.memory_space<vmem>> -> memref<40x128xf32, #tpu.memory_space<vmem>>
      %dma_start3A_314 = tpu.memref_slice %arg7[%mul3A_307] : memref<10000xi32, #tpu.memory_space<vmem>> -> memref<40xi32, #tpu.memory_space<vmem>>
      %dma_start3A_315 = arith.constant 0 : i32
      %dma_start3A_316 = arith.constant 0 : i32
      %dma_start3A_317 = tpu.memref_slice %arg8[%dma_start3A_315, %dma_start3A_316] : memref<8x128xf32, #tpu.memory_space<vmem_shared>> -> memref<8x128xf32, #tpu.memory_space<vmem_shared>>
      %dma_start3A_318 = tpu.memref_slice %arg14[%dma_start3A_309] : memref<10x!tpu.dma_semaphore, #tpu.memory_space<semaphore_mem>> -> memref<1x!tpu.dma_semaphore, #tpu.memory_space<semaphore_mem>>
      %dma_start3A_319 = tpu.memref_squeeze %dma_start3A_318 : memref<1x!tpu.dma_semaphore, #tpu.memory_space<semaphore_mem>> -> memref<!tpu.dma_semaphore, #tpu.memory_space<semaphore_mem>>
      tpu.enqueue_indirect_dma source(%dma_start3A_317 : memref<8x128xf32, #tpu.memory_space<vmem_shared>>) target(%dma_start3A_313 : memref<40x128xf32, #tpu.memory_space<vmem>>) offsets(%dma_start3A_314 : memref<40xi32, #tpu.memory_space<vmem>>) semaphore(%dma_start3A_319 : memref<!tpu.dma_semaphore, #tpu.memory_space<semaphore_mem>>)
      %gt3A_320 = arith.constant 0 : i32
      %gt3A_321 = arith.cmpi sgt, %scan3A_273, %gt3A_320 : i32
      %convert_element_type3A_322 = arith.extui %gt3A_321 : i1 to i32
      %cond3A_323 = arith.constant 0 : i32
      %cond3A_324 = arith.cmpi ne, %convert_element_type3A_322, %cond3A_323 : i32
      scf.if %cond3A_324 {
        %dma_wait3A_824 = arith.constant 2 : i32
        %dma_wait3A_825 = arith.constant 2 : i32
        %dma_wait3A_826 = arith.constant 0 : i32
        %dma_wait3A_827 = arith.constant 0 : i32
        %dma_wait3A_828 = tpu.memref_slice %arg9[%dma_wait3A_824, %dma_wait3A_826, %dma_wait3A_827] : memref<10x40x128xf32, #tpu.memory_space<vmem>> -> memref<1x40x128xf32, #tpu.memory_space<vmem>>
        %dma_wait3A_829 = tpu.memref_squeeze %dma_wait3A_828 : memref<1x40x128xf32, #tpu.memory_space<vmem>> -> memref<40x128xf32, #tpu.memory_space<vmem>>
        %dma_wait3A_830 = arith.constant 0 : i32
        %dma_wait3A_831 = arith.constant 0 : i32
        %dma_wait3A_832 = tpu.memref_slice %arg6[%dma_wait3A_830, %dma_wait3A_831] : memref<320000x128xf32, #tpu.memory_space<hbm>> -> memref<40x128xf32, #tpu.memory_space<hbm>>
        %dma_wait3A_833 = tpu.memref_slice %arg15[%dma_wait3A_825] : memref<10x!tpu.dma_semaphore, #tpu.memory_space<semaphore_mem>> -> memref<1x!tpu.dma_semaphore, #tpu.memory_space<semaphore_mem>>
        %dma_wait3A_834 = tpu.memref_squeeze %dma_wait3A_833 : memref<1x!tpu.dma_semaphore, #tpu.memory_space<semaphore_mem>> -> memref<!tpu.dma_semaphore, #tpu.memory_space<semaphore_mem>>
        %dma_wait3A_835 = arith.constant 0 : i32
        %dma_wait3A_836 = arith.constant 0 : i32
        %dma_wait3A_837 = tpu.memref_slice %arg9[%dma_wait3A_824, %dma_wait3A_835, %dma_wait3A_836] : memref<10x40x128xf32, #tpu.memory_space<vmem>> -> memref<1x40x128xf32, #tpu.memory_space<vmem>>
        %dma_wait3A_838 = tpu.memref_squeeze %dma_wait3A_837 : memref<1x40x128xf32, #tpu.memory_space<vmem>> -> memref<40x128xf32, #tpu.memory_space<vmem>>
        %dma_wait3A_839 = arith.constant 0 : i32
        %dma_wait3A_840 = arith.constant 0 : i32
        %dma_wait3A_841 = tpu.memref_slice %arg6[%dma_wait3A_839, %dma_wait3A_840] : memref<320000x128xf32, #tpu.memory_space<hbm>> -> memref<40x128xf32, #tpu.memory_space<hbm>>
        tpu.wait_dma2 semaphore(%dma_wait3A_834 : memref<!tpu.dma_semaphore, #tpu.memory_space<semaphore_mem>>) src(%dma_wait3A_841 : memref<40x128xf32, #tpu.memory_space<hbm>>) dst(%dma_wait3A_838 : memref<40x128xf32, #tpu.memory_space<vmem>>)
      } else {
      }
      %mul3A_325 = arith.constant 10 : i32
      %mul3A_326 = arith.muli %scan3A_273, %mul3A_325 : i32
      %add3A_327 = arith.constant 2 : i32
      %add3A_328 = arith.addi %mul3A_326, %add3A_327 : i32
      %mul3A_329 = arith.constant 40 : i32
      %mul3A_330 = arith.muli %add3A_328, %mul3A_329 : i32
      %dma_start3A_331 = arith.constant 2 : i32
      %dma_start3A_332 = arith.constant 2 : i32
      %dma_start3A_333 = arith.constant 0 : i32
      %dma_start3A_334 = arith.constant 0 : i32
      %dma_start3A_335 = tpu.memref_slice %arg9[%dma_start3A_331, %dma_start3A_333, %dma_start3A_334] : memref<10x40x128xf32, #tpu.memory_space<vmem>> -> memref<1x40x128xf32, #tpu.memory_space<vmem>>
      %dma_start3A_336 = tpu.memref_squeeze %dma_start3A_335 : memref<1x40x128xf32, #tpu.memory_space<vmem>> -> memref<40x128xf32, #tpu.memory_space<vmem>>
      %dma_start3A_337 = tpu.memref_slice %arg7[%mul3A_330] : memref<10000xi32, #tpu.memory_space<vmem>> -> memref<40xi32, #tpu.memory_space<vmem>>
      %dma_start3A_338 = arith.constant 0 : i32
      %dma_start3A_339 = arith.constant 0 : i32
      %dma_start3A_340 = tpu.memref_slice %arg8[%dma_start3A_338, %dma_start3A_339] : memref<8x128xf32, #tpu.memory_space<vmem_shared>> -> memref<8x128xf32, #tpu.memory_space<vmem_shared>>
      %dma_start3A_341 = tpu.memref_slice %arg14[%dma_start3A_332] : memref<10x!tpu.dma_semaphore, #tpu.memory_space<semaphore_mem>> -> memref<1x!tpu.dma_semaphore, #tpu.memory_space<semaphore_mem>>
      %dma_start3A_342 = tpu.memref_squeeze %dma_start3A_341 : memref<1x!tpu.dma_semaphore, #tpu.memory_space<semaphore_mem>> -> memref<!tpu.dma_semaphore, #tpu.memory_space<semaphore_mem>>
      tpu.enqueue_indirect_dma source(%dma_start3A_340 : memref<8x128xf32, #tpu.memory_space<vmem_shared>>) target(%dma_start3A_336 : memref<40x128xf32, #tpu.memory_space<vmem>>) offsets(%dma_start3A_337 : memref<40xi32, #tpu.memory_space<vmem>>) semaphore(%dma_start3A_342 : memref<!tpu.dma_semaphore, #tpu.memory_space<semaphore_mem>>)
      %gt3A_343 = arith.constant 0 : i32
      %gt3A_344 = arith.cmpi sgt, %scan3A_273, %gt3A_343 : i32
      %convert_element_type3A_345 = arith.extui %gt3A_344 : i1 to i32
      %cond3A_346 = arith.constant 0 : i32
      %cond3A_347 = arith.cmpi ne, %convert_element_type3A_345, %cond3A_346 : i32
      scf.if %cond3A_347 {
        %dma_wait3A_824 = arith.constant 3 : i32
        %dma_wait3A_825 = arith.constant 3 : i32
        %dma_wait3A_826 = arith.constant 0 : i32
        %dma_wait3A_827 = arith.constant 0 : i32
        %dma_wait3A_828 = tpu.memref_slice %arg9[%dma_wait3A_824, %dma_wait3A_826, %dma_wait3A_827] : memref<10x40x128xf32, #tpu.memory_space<vmem>> -> memref<1x40x128xf32, #tpu.memory_space<vmem>>
        %dma_wait3A_829 = tpu.memref_squeeze %dma_wait3A_828 : memref<1x40x128xf32, #tpu.memory_space<vmem>> -> memref<40x128xf32, #tpu.memory_space<vmem>>
        %dma_wait3A_830 = arith.constant 0 : i32
        %dma_wait3A_831 = arith.constant 0 : i32
        %dma_wait3A_832 = tpu.memref_slice %arg6[%dma_wait3A_830, %dma_wait3A_831] : memref<320000x128xf32, #tpu.memory_space<hbm>> -> memref<40x128xf32, #tpu.memory_space<hbm>>
        %dma_wait3A_833 = tpu.memref_slice %arg15[%dma_wait3A_825] : memref<10x!tpu.dma_semaphore, #tpu.memory_space<semaphore_mem>> -> memref<1x!tpu.dma_semaphore, #tpu.memory_space<semaphore_mem>>
        %dma_wait3A_834 = tpu.memref_squeeze %dma_wait3A_833 : memref<1x!tpu.dma_semaphore, #tpu.memory_space<semaphore_mem>> -> memref<!tpu.dma_semaphore, #tpu.memory_space<semaphore_mem>>
        %dma_wait3A_835 = arith.constant 0 : i32
        %dma_wait3A_836 = arith.constant 0 : i32
        %dma_wait3A_837 = tpu.memref_slice %arg9[%dma_wait3A_824, %dma_wait3A_835, %dma_wait3A_836] : memref<10x40x128xf32, #tpu.memory_space<vmem>> -> memref<1x40x128xf32, #tpu.memory_space<vmem>>
        %dma_wait3A_838 = tpu.memref_squeeze %dma_wait3A_837 : memref<1x40x128xf32, #tpu.memory_space<vmem>> -> memref<40x128xf32, #tpu.memory_space<vmem>>
        %dma_wait3A_839 = arith.constant 0 : i32
        %dma_wait3A_840 = arith.constant 0 : i32
        %dma_wait3A_841 = tpu.memref_slice %arg6[%dma_wait3A_839, %dma_wait3A_840] : memref<320000x128xf32, #tpu.memory_space<hbm>> -> memref<40x128xf32, #tpu.memory_space<hbm>>
        tpu.wait_dma2 semaphore(%dma_wait3A_834 : memref<!tpu.dma_semaphore, #tpu.memory_space<semaphore_mem>>) src(%dma_wait3A_841 : memref<40x128xf32, #tpu.memory_space<hbm>>) dst(%dma_wait3A_838 : memref<40x128xf32, #tpu.memory_space<vmem>>)
      } else {
      }
      %mul3A_348 = arith.constant 10 : i32
      %mul3A_349 = arith.muli %scan3A_273, %mul3A_348 : i32
      %add3A_350 = arith.constant 3 : i32
      %add3A_351 = arith.addi %mul3A_349, %add3A_350 : i32
      %mul3A_352 = arith.constant 40 : i32
      %mul3A_353 = arith.muli %add3A_351, %mul3A_352 : i32
      %dma_start3A_354 = arith.constant 3 : i32
      %dma_start3A_355 = arith.constant 3 : i32
      %dma_start3A_356 = arith.constant 0 : i32
      %dma_start3A_357 = arith.constant 0 : i32
      %dma_start3A_358 = tpu.memref_slice %arg9[%dma_start3A_354, %dma_start3A_356, %dma_start3A_357] : memref<10x40x128xf32, #tpu.memory_space<vmem>> -> memref<1x40x128xf32, #tpu.memory_space<vmem>>
      %dma_start3A_359 = tpu.memref_squeeze %dma_start3A_358 : memref<1x40x128xf32, #tpu.memory_space<vmem>> -> memref<40x128xf32, #tpu.memory_space<vmem>>
      %dma_start3A_360 = tpu.memref_slice %arg7[%mul3A_353] : memref<10000xi32, #tpu.memory_space<vmem>> -> memref<40xi32, #tpu.memory_space<vmem>>
      %dma_start3A_361 = arith.constant 0 : i32
      %dma_start3A_362 = arith.constant 0 : i32
      %dma_start3A_363 = tpu.memref_slice %arg8[%dma_start3A_361, %dma_start3A_362] : memref<8x128xf32, #tpu.memory_space<vmem_shared>> -> memref<8x128xf32, #tpu.memory_space<vmem_shared>>
      %dma_start3A_364 = tpu.memref_slice %arg14[%dma_start3A_355] : memref<10x!tpu.dma_semaphore, #tpu.memory_space<semaphore_mem>> -> memref<1x!tpu.dma_semaphore, #tpu.memory_space<semaphore_mem>>
      %dma_start3A_365 = tpu.memref_squeeze %dma_start3A_364 : memref<1x!tpu.dma_semaphore, #tpu.memory_space<semaphore_mem>> -> memref<!tpu.dma_semaphore, #tpu.memory_space<semaphore_mem>>
      tpu.enqueue_indirect_dma source(%dma_start3A_363 : memref<8x128xf32, #tpu.memory_space<vmem_shared>>) target(%dma_start3A_359 : memref<40x128xf32, #tpu.memory_space<vmem>>) offsets(%dma_start3A_360 : memref<40xi32, #tpu.memory_space<vmem>>) semaphore(%dma_start3A_365 : memref<!tpu.dma_semaphore, #tpu.memory_space<semaphore_mem>>)
      %gt3A_366 = arith.constant 0 : i32
      %gt3A_367 = arith.cmpi sgt, %scan3A_273, %gt3A_366 : i32
      %convert_element_type3A_368 = arith.extui %gt3A_367 : i1 to i32
      %cond3A_369 = arith.constant 0 : i32
      %cond3A_370 = arith.cmpi ne, %convert_element_type3A_368, %cond3A_369 : i32
      scf.if %cond3A_370 {
        %dma_wait3A_824 = arith.constant 4 : i32
        %dma_wait3A_825 = arith.constant 4 : i32
        %dma_wait3A_826 = arith.constant 0 : i32
        %dma_wait3A_827 = arith.constant 0 : i32
        %dma_wait3A_828 = tpu.memref_slice %arg9[%dma_wait3A_824, %dma_wait3A_826, %dma_wait3A_827] : memref<10x40x128xf32, #tpu.memory_space<vmem>> -> memref<1x40x128xf32, #tpu.memory_space<vmem>>
        %dma_wait3A_829 = tpu.memref_squeeze %dma_wait3A_828 : memref<1x40x128xf32, #tpu.memory_space<vmem>> -> memref<40x128xf32, #tpu.memory_space<vmem>>
        %dma_wait3A_830 = arith.constant 0 : i32
        %dma_wait3A_831 = arith.constant 0 : i32
        %dma_wait3A_832 = tpu.memref_slice %arg6[%dma_wait3A_830, %dma_wait3A_831] : memref<320000x128xf32, #tpu.memory_space<hbm>> -> memref<40x128xf32, #tpu.memory_space<hbm>>
        %dma_wait3A_833 = tpu.memref_slice %arg15[%dma_wait3A_825] : memref<10x!tpu.dma_semaphore, #tpu.memory_space<semaphore_mem>> -> memref<1x!tpu.dma_semaphore, #tpu.memory_space<semaphore_mem>>
        %dma_wait3A_834 = tpu.memref_squeeze %dma_wait3A_833 : memref<1x!tpu.dma_semaphore, #tpu.memory_space<semaphore_mem>> -> memref<!tpu.dma_semaphore, #tpu.memory_space<semaphore_mem>>
        %dma_wait3A_835 = arith.constant 0 : i32
        %dma_wait3A_836 = arith.constant 0 : i32
        %dma_wait3A_837 = tpu.memref_slice %arg9[%dma_wait3A_824, %dma_wait3A_835, %dma_wait3A_836] : memref<10x40x128xf32, #tpu.memory_space<vmem>> -> memref<1x40x128xf32, #tpu.memory_space<vmem>>
        %dma_wait3A_838 = tpu.memref_squeeze %dma_wait3A_837 : memref<1x40x128xf32, #tpu.memory_space<vmem>> -> memref<40x128xf32, #tpu.memory_space<vmem>>
        %dma_wait3A_839 = arith.constant 0 : i32
        %dma_wait3A_840 = arith.constant 0 : i32
        %dma_wait3A_841 = tpu.memref_slice %arg6[%dma_wait3A_839, %dma_wait3A_840] : memref<320000x128xf32, #tpu.memory_space<hbm>> -> memref<40x128xf32, #tpu.memory_space<hbm>>
        tpu.wait_dma2 semaphore(%dma_wait3A_834 : memref<!tpu.dma_semaphore, #tpu.memory_space<semaphore_mem>>) src(%dma_wait3A_841 : memref<40x128xf32, #tpu.memory_space<hbm>>) dst(%dma_wait3A_838 : memref<40x128xf32, #tpu.memory_space<vmem>>)
      } else {
      }
      %mul3A_371 = arith.constant 10 : i32
      %mul3A_372 = arith.muli %scan3A_273, %mul3A_371 : i32
      %add3A_373 = arith.constant 4 : i32
      %add3A_374 = arith.addi %mul3A_372, %add3A_373 : i32
      %mul3A_375 = arith.constant 40 : i32
      %mul3A_376 = arith.muli %add3A_374, %mul3A_375 : i32
      %dma_start3A_377 = arith.constant 4 : i32
      %dma_start3A_378 = arith.constant 4 : i32
      %dma_start3A_379 = arith.constant 0 : i32
      %dma_start3A_380 = arith.constant 0 : i32
      %dma_start3A_381 = tpu.memref_slice %arg9[%dma_start3A_377, %dma_start3A_379, %dma_start3A_380] : memref<10x40x128xf32, #tpu.memory_space<vmem>> -> memref<1x40x128xf32, #tpu.memory_space<vmem>>
      %dma_start3A_382 = tpu.memref_squeeze %dma_start3A_381 : memref<1x40x128xf32, #tpu.memory_space<vmem>> -> memref<40x128xf32, #tpu.memory_space<vmem>>
      %dma_start3A_383 = tpu.memref_slice %arg7[%mul3A_376] : memref<10000xi32, #tpu.memory_space<vmem>> -> memref<40xi32, #tpu.memory_space<vmem>>
      %dma_start3A_384 = arith.constant 0 : i32
      %dma_start3A_385 = arith.constant 0 : i32
      %dma_start3A_386 = tpu.memref_slice %arg8[%dma_start3A_384, %dma_start3A_385] : memref<8x128xf32, #tpu.memory_space<vmem_shared>> -> memref<8x128xf32, #tpu.memory_space<vmem_shared>>
      %dma_start3A_387 = tpu.memref_slice %arg14[%dma_start3A_378] : memref<10x!tpu.dma_semaphore, #tpu.memory_space<semaphore_mem>> -> memref<1x!tpu.dma_semaphore, #tpu.memory_space<semaphore_mem>>
      %dma_start3A_388 = tpu.memref_squeeze %dma_start3A_387 : memref<1x!tpu.dma_semaphore, #tpu.memory_space<semaphore_mem>> -> memref<!tpu.dma_semaphore, #tpu.memory_space<semaphore_mem>>
      tpu.enqueue_indirect_dma source(%dma_start3A_386 : memref<8x128xf32, #tpu.memory_space<vmem_shared>>) target(%dma_start3A_382 : memref<40x128xf32, #tpu.memory_space<vmem>>) offsets(%dma_start3A_383 : memref<40xi32, #tpu.memory_space<vmem>>) semaphore(%dma_start3A_388 : memref<!tpu.dma_semaphore, #tpu.memory_space<semaphore_mem>>)
      %gt3A_389 = arith.constant 0 : i32
      %gt3A_390 = arith.cmpi sgt, %scan3A_273, %gt3A_389 : i32
      %convert_element_type3A_391 = arith.extui %gt3A_390 : i1 to i32
      %cond3A_392 = arith.constant 0 : i32
      %cond3A_393 = arith.cmpi ne, %convert_element_type3A_391, %cond3A_392 : i32
      scf.if %cond3A_393 {
        %dma_wait3A_824 = arith.constant 5 : i32
        %dma_wait3A_825 = arith.constant 5 : i32
        %dma_wait3A_826 = arith.constant 0 : i32
        %dma_wait3A_827 = arith.constant 0 : i32
        %dma_wait3A_828 = tpu.memref_slice %arg9[%dma_wait3A_824, %dma_wait3A_826, %dma_wait3A_827] : memref<10x40x128xf32, #tpu.memory_space<vmem>> -> memref<1x40x128xf32, #tpu.memory_space<vmem>>
        %dma_wait3A_829 = tpu.memref_squeeze %dma_wait3A_828 : memref<1x40x128xf32, #tpu.memory_space<vmem>> -> memref<40x128xf32, #tpu.memory_space<vmem>>
        %dma_wait3A_830 = arith.constant 0 : i32
        %dma_wait3A_831 = arith.constant 0 : i32
        %dma_wait3A_832 = tpu.memref_slice %arg6[%dma_wait3A_830, %dma_wait3A_831] : memref<320000x128xf32, #tpu.memory_space<hbm>> -> memref<40x128xf32, #tpu.memory_space<hbm>>
        %dma_wait3A_833 = tpu.memref_slice %arg15[%dma_wait3A_825] : memref<10x!tpu.dma_semaphore, #tpu.memory_space<semaphore_mem>> -> memref<1x!tpu.dma_semaphore, #tpu.memory_space<semaphore_mem>>
        %dma_wait3A_834 = tpu.memref_squeeze %dma_wait3A_833 : memref<1x!tpu.dma_semaphore, #tpu.memory_space<semaphore_mem>> -> memref<!tpu.dma_semaphore, #tpu.memory_space<semaphore_mem>>
        %dma_wait3A_835 = arith.constant 0 : i32
        %dma_wait3A_836 = arith.constant 0 : i32
        %dma_wait3A_837 = tpu.memref_slice %arg9[%dma_wait3A_824, %dma_wait3A_835, %dma_wait3A_836] : memref<10x40x128xf32, #tpu.memory_space<vmem>> -> memref<1x40x128xf32, #tpu.memory_space<vmem>>
        %dma_wait3A_838 = tpu.memref_squeeze %dma_wait3A_837 : memref<1x40x128xf32, #tpu.memory_space<vmem>> -> memref<40x128xf32, #tpu.memory_space<vmem>>
        %dma_wait3A_839 = arith.constant 0 : i32
        %dma_wait3A_840 = arith.constant 0 : i32
        %dma_wait3A_841 = tpu.memref_slice %arg6[%dma_wait3A_839, %dma_wait3A_840] : memref<320000x128xf32, #tpu.memory_space<hbm>> -> memref<40x128xf32, #tpu.memory_space<hbm>>
        tpu.wait_dma2 semaphore(%dma_wait3A_834 : memref<!tpu.dma_semaphore, #tpu.memory_space<semaphore_mem>>) src(%dma_wait3A_841 : memref<40x128xf32, #tpu.memory_space<hbm>>) dst(%dma_wait3A_838 : memref<40x128xf32, #tpu.memory_space<vmem>>)
      } else {
      }
      %mul3A_394 = arith.constant 10 : i32
      %mul3A_395 = arith.muli %scan3A_273, %mul3A_394 : i32
      %add3A_396 = arith.constant 5 : i32
      %add3A_397 = arith.addi %mul3A_395, %add3A_396 : i32
      %mul3A_398 = arith.constant 40 : i32
      %mul3A_399 = arith.muli %add3A_397, %mul3A_398 : i32
      %dma_start3A_400 = arith.constant 5 : i32
      %dma_start3A_401 = arith.constant 5 : i32
      %dma_start3A_402 = arith.constant 0 : i32
      %dma_start3A_403 = arith.constant 0 : i32
      %dma_start3A_404 = tpu.memref_slice %arg9[%dma_start3A_400, %dma_start3A_402, %dma_start3A_403] : memref<10x40x128xf32, #tpu.memory_space<vmem>> -> memref<1x40x128xf32, #tpu.memory_space<vmem>>
      %dma_start3A_405 = tpu.memref_squeeze %dma_start3A_404 : memref<1x40x128xf32, #tpu.memory_space<vmem>> -> memref<40x128xf32, #tpu.memory_space<vmem>>
      %dma_start3A_406 = tpu.memref_slice %arg7[%mul3A_399] : memref<10000xi32, #tpu.memory_space<vmem>> -> memref<40xi32, #tpu.memory_space<vmem>>
      %dma_start3A_407 = arith.constant 0 : i32
      %dma_start3A_408 = arith.constant 0 : i32
      %dma_start3A_409 = tpu.memref_slice %arg8[%dma_start3A_407, %dma_start3A_408] : memref<8x128xf32, #tpu.memory_space<vmem_shared>> -> memref<8x128xf32, #tpu.memory_space<vmem_shared>>
      %dma_start3A_410 = tpu.memref_slice %arg14[%dma_start3A_401] : memref<10x!tpu.dma_semaphore, #tpu.memory_space<semaphore_mem>> -> memref<1x!tpu.dma_semaphore, #tpu.memory_space<semaphore_mem>>
      %dma_start3A_411 = tpu.memref_squeeze %dma_start3A_410 : memref<1x!tpu.dma_semaphore, #tpu.memory_space<semaphore_mem>> -> memref<!tpu.dma_semaphore, #tpu.memory_space<semaphore_mem>>
      tpu.enqueue_indirect_dma source(%dma_start3A_409 : memref<8x128xf32, #tpu.memory_space<vmem_shared>>) target(%dma_start3A_405 : memref<40x128xf32, #tpu.memory_space<vmem>>) offsets(%dma_start3A_406 : memref<40xi32, #tpu.memory_space<vmem>>) semaphore(%dma_start3A_411 : memref<!tpu.dma_semaphore, #tpu.memory_space<semaphore_mem>>)
      %gt3A_412 = arith.constant 0 : i32
      %gt3A_413 = arith.cmpi sgt, %scan3A_273, %gt3A_412 : i32
      %convert_element_type3A_414 = arith.extui %gt3A_413 : i1 to i32
      %cond3A_415 = arith.constant 0 : i32
      %cond3A_416 = arith.cmpi ne, %convert_element_type3A_414, %cond3A_415 : i32
      scf.if %cond3A_416 {
        %dma_wait3A_824 = arith.constant 6 : i32
        %dma_wait3A_825 = arith.constant 6 : i32
        %dma_wait3A_826 = arith.constant 0 : i32
        %dma_wait3A_827 = arith.constant 0 : i32
        %dma_wait3A_828 = tpu.memref_slice %arg9[%dma_wait3A_824, %dma_wait3A_826, %dma_wait3A_827] : memref<10x40x128xf32, #tpu.memory_space<vmem>> -> memref<1x40x128xf32, #tpu.memory_space<vmem>>
        %dma_wait3A_829 = tpu.memref_squeeze %dma_wait3A_828 : memref<1x40x128xf32, #tpu.memory_space<vmem>> -> memref<40x128xf32, #tpu.memory_space<vmem>>
        %dma_wait3A_830 = arith.constant 0 : i32
        %dma_wait3A_831 = arith.constant 0 : i32
        %dma_wait3A_832 = tpu.memref_slice %arg6[%dma_wait3A_830, %dma_wait3A_831] : memref<320000x128xf32, #tpu.memory_space<hbm>> -> memref<40x128xf32, #tpu.memory_space<hbm>>
        %dma_wait3A_833 = tpu.memref_slice %arg15[%dma_wait3A_825] : memref<10x!tpu.dma_semaphore, #tpu.memory_space<semaphore_mem>> -> memref<1x!tpu.dma_semaphore, #tpu.memory_space<semaphore_mem>>
        %dma_wait3A_834 = tpu.memref_squeeze %dma_wait3A_833 : memref<1x!tpu.dma_semaphore, #tpu.memory_space<semaphore_mem>> -> memref<!tpu.dma_semaphore, #tpu.memory_space<semaphore_mem>>
        %dma_wait3A_835 = arith.constant 0 : i32
        %dma_wait3A_836 = arith.constant 0 : i32
        %dma_wait3A_837 = tpu.memref_slice %arg9[%dma_wait3A_824, %dma_wait3A_835, %dma_wait3A_836] : memref<10x40x128xf32, #tpu.memory_space<vmem>> -> memref<1x40x128xf32, #tpu.memory_space<vmem>>
        %dma_wait3A_838 = tpu.memref_squeeze %dma_wait3A_837 : memref<1x40x128xf32, #tpu.memory_space<vmem>> -> memref<40x128xf32, #tpu.memory_space<vmem>>
        %dma_wait3A_839 = arith.constant 0 : i32
        %dma_wait3A_840 = arith.constant 0 : i32
        %dma_wait3A_841 = tpu.memref_slice %arg6[%dma_wait3A_839, %dma_wait3A_840] : memref<320000x128xf32, #tpu.memory_space<hbm>> -> memref<40x128xf32, #tpu.memory_space<hbm>>
        tpu.wait_dma2 semaphore(%dma_wait3A_834 : memref<!tpu.dma_semaphore, #tpu.memory_space<semaphore_mem>>) src(%dma_wait3A_841 : memref<40x128xf32, #tpu.memory_space<hbm>>) dst(%dma_wait3A_838 : memref<40x128xf32, #tpu.memory_space<vmem>>)
      } else {
      }
      %mul3A_417 = arith.constant 10 : i32
      %mul3A_418 = arith.muli %scan3A_273, %mul3A_417 : i32
      %add3A_419 = arith.constant 6 : i32
      %add3A_420 = arith.addi %mul3A_418, %add3A_419 : i32
      %mul3A_421 = arith.constant 40 : i32
      %mul3A_422 = arith.muli %add3A_420, %mul3A_421 : i32
      %dma_start3A_423 = arith.constant 6 : i32
      %dma_start3A_424 = arith.constant 6 : i32
      %dma_start3A_425 = arith.constant 0 : i32
      %dma_start3A_426 = arith.constant 0 : i32
      %dma_start3A_427 = tpu.memref_slice %arg9[%dma_start3A_423, %dma_start3A_425, %dma_start3A_426] : memref<10x40x128xf32, #tpu.memory_space<vmem>> -> memref<1x40x128xf32, #tpu.memory_space<vmem>>
      %dma_start3A_428 = tpu.memref_squeeze %dma_start3A_427 : memref<1x40x128xf32, #tpu.memory_space<vmem>> -> memref<40x128xf32, #tpu.memory_space<vmem>>
      %dma_start3A_429 = tpu.memref_slice %arg7[%mul3A_422] : memref<10000xi32, #tpu.memory_space<vmem>> -> memref<40xi32, #tpu.memory_space<vmem>>
      %dma_start3A_430 = arith.constant 0 : i32
      %dma_start3A_431 = arith.constant 0 : i32
      %dma_start3A_432 = tpu.memref_slice %arg8[%dma_start3A_430, %dma_start3A_431] : memref<8x128xf32, #tpu.memory_space<vmem_shared>> -> memref<8x128xf32, #tpu.memory_space<vmem_shared>>
      %dma_start3A_433 = tpu.memref_slice %arg14[%dma_start3A_424] : memref<10x!tpu.dma_semaphore, #tpu.memory_space<semaphore_mem>> -> memref<1x!tpu.dma_semaphore, #tpu.memory_space<semaphore_mem>>
      %dma_start3A_434 = tpu.memref_squeeze %dma_start3A_433 : memref<1x!tpu.dma_semaphore, #tpu.memory_space<semaphore_mem>> -> memref<!tpu.dma_semaphore, #tpu.memory_space<semaphore_mem>>
      tpu.enqueue_indirect_dma source(%dma_start3A_432 : memref<8x128xf32, #tpu.memory_space<vmem_shared>>) target(%dma_start3A_428 : memref<40x128xf32, #tpu.memory_space<vmem>>) offsets(%dma_start3A_429 : memref<40xi32, #tpu.memory_space<vmem>>) semaphore(%dma_start3A_434 : memref<!tpu.dma_semaphore, #tpu.memory_space<semaphore_mem>>)
      %gt3A_435 = arith.constant 0 : i32
      %gt3A_436 = arith.cmpi sgt, %scan3A_273, %gt3A_435 : i32
      %convert_element_type3A_437 = arith.extui %gt3A_436 : i1 to i32
      %cond3A_438 = arith.constant 0 : i32
      %cond3A_439 = arith.cmpi ne, %convert_element_type3A_437, %cond3A_438 : i32
      scf.if %cond3A_439 {
        %dma_wait3A_824 = arith.constant 7 : i32
        %dma_wait3A_825 = arith.constant 7 : i32
        %dma_wait3A_826 = arith.constant 0 : i32
        %dma_wait3A_827 = arith.constant 0 : i32
        %dma_wait3A_828 = tpu.memref_slice %arg9[%dma_wait3A_824, %dma_wait3A_826, %dma_wait3A_827] : memref<10x40x128xf32, #tpu.memory_space<vmem>> -> memref<1x40x128xf32, #tpu.memory_space<vmem>>
        %dma_wait3A_829 = tpu.memref_squeeze %dma_wait3A_828 : memref<1x40x128xf32, #tpu.memory_space<vmem>> -> memref<40x128xf32, #tpu.memory_space<vmem>>
        %dma_wait3A_830 = arith.constant 0 : i32
        %dma_wait3A_831 = arith.constant 0 : i32
        %dma_wait3A_832 = tpu.memref_slice %arg6[%dma_wait3A_830, %dma_wait3A_831] : memref<320000x128xf32, #tpu.memory_space<hbm>> -> memref<40x128xf32, #tpu.memory_space<hbm>>
        %dma_wait3A_833 = tpu.memref_slice %arg15[%dma_wait3A_825] : memref<10x!tpu.dma_semaphore, #tpu.memory_space<semaphore_mem>> -> memref<1x!tpu.dma_semaphore, #tpu.memory_space<semaphore_mem>>
        %dma_wait3A_834 = tpu.memref_squeeze %dma_wait3A_833 : memref<1x!tpu.dma_semaphore, #tpu.memory_space<semaphore_mem>> -> memref<!tpu.dma_semaphore, #tpu.memory_space<semaphore_mem>>
        %dma_wait3A_835 = arith.constant 0 : i32
        %dma_wait3A_836 = arith.constant 0 : i32
        %dma_wait3A_837 = tpu.memref_slice %arg9[%dma_wait3A_824, %dma_wait3A_835, %dma_wait3A_836] : memref<10x40x128xf32, #tpu.memory_space<vmem>> -> memref<1x40x128xf32, #tpu.memory_space<vmem>>
        %dma_wait3A_838 = tpu.memref_squeeze %dma_wait3A_837 : memref<1x40x128xf32, #tpu.memory_space<vmem>> -> memref<40x128xf32, #tpu.memory_space<vmem>>
        %dma_wait3A_839 = arith.constant 0 : i32
        %dma_wait3A_840 = arith.constant 0 : i32
        %dma_wait3A_841 = tpu.memref_slice %arg6[%dma_wait3A_839, %dma_wait3A_840] : memref<320000x128xf32, #tpu.memory_space<hbm>> -> memref<40x128xf32, #tpu.memory_space<hbm>>
        tpu.wait_dma2 semaphore(%dma_wait3A_834 : memref<!tpu.dma_semaphore, #tpu.memory_space<semaphore_mem>>) src(%dma_wait3A_841 : memref<40x128xf32, #tpu.memory_space<hbm>>) dst(%dma_wait3A_838 : memref<40x128xf32, #tpu.memory_space<vmem>>)
      } else {
      }
      %mul3A_440 = arith.constant 10 : i32
      %mul3A_441 = arith.muli %scan3A_273, %mul3A_440 : i32
      %add3A_442 = arith.constant 7 : i32
      %add3A_443 = arith.addi %mul3A_441, %add3A_442 : i32
      %mul3A_444 = arith.constant 40 : i32
      %mul3A_445 = arith.muli %add3A_443, %mul3A_444 : i32
      %dma_start3A_446 = arith.constant 7 : i32
      %dma_start3A_447 = arith.constant 7 : i32
      %dma_start3A_448 = arith.constant 0 : i32
      %dma_start3A_449 = arith.constant 0 : i32
      %dma_start3A_450 = tpu.memref_slice %arg9[%dma_start3A_446, %dma_start3A_448, %dma_start3A_449] : memref<10x40x128xf32, #tpu.memory_space<vmem>> -> memref<1x40x128xf32, #tpu.memory_space<vmem>>
      %dma_start3A_451 = tpu.memref_squeeze %dma_start3A_450 : memref<1x40x128xf32, #tpu.memory_space<vmem>> -> memref<40x128xf32, #tpu.memory_space<vmem>>
      %dma_start3A_452 = tpu.memref_slice %arg7[%mul3A_445] : memref<10000xi32, #tpu.memory_space<vmem>> -> memref<40xi32, #tpu.memory_space<vmem>>
      %dma_start3A_453 = arith.constant 0 : i32
      %dma_start3A_454 = arith.constant 0 : i32
      %dma_start3A_455 = tpu.memref_slice %arg8[%dma_start3A_453, %dma_start3A_454] : memref<8x128xf32, #tpu.memory_space<vmem_shared>> -> memref<8x128xf32, #tpu.memory_space<vmem_shared>>
      %dma_start3A_456 = tpu.memref_slice %arg14[%dma_start3A_447] : memref<10x!tpu.dma_semaphore, #tpu.memory_space<semaphore_mem>> -> memref<1x!tpu.dma_semaphore, #tpu.memory_space<semaphore_mem>>
      %dma_start3A_457 = tpu.memref_squeeze %dma_start3A_456 : memref<1x!tpu.dma_semaphore, #tpu.memory_space<semaphore_mem>> -> memref<!tpu.dma_semaphore, #tpu.memory_space<semaphore_mem>>
      tpu.enqueue_indirect_dma source(%dma_start3A_455 : memref<8x128xf32, #tpu.memory_space<vmem_shared>>) target(%dma_start3A_451 : memref<40x128xf32, #tpu.memory_space<vmem>>) offsets(%dma_start3A_452 : memref<40xi32, #tpu.memory_space<vmem>>) semaphore(%dma_start3A_457 : memref<!tpu.dma_semaphore, #tpu.memory_space<semaphore_mem>>)
      %gt3A_458 = arith.constant 0 : i32
      %gt3A_459 = arith.cmpi sgt, %scan3A_273, %gt3A_458 : i32
      %convert_element_type3A_460 = arith.extui %gt3A_459 : i1 to i32
      %cond3A_461 = arith.constant 0 : i32
      %cond3A_462 = arith.cmpi ne, %convert_element_type3A_460, %cond3A_461 : i32
      scf.if %cond3A_462 {
        %dma_wait3A_824 = arith.constant 8 : i32
        %dma_wait3A_825 = arith.constant 8 : i32
        %dma_wait3A_826 = arith.constant 0 : i32
        %dma_wait3A_827 = arith.constant 0 : i32
        %dma_wait3A_828 = tpu.memref_slice %arg9[%dma_wait3A_824, %dma_wait3A_826, %dma_wait3A_827] : memref<10x40x128xf32, #tpu.memory_space<vmem>> -> memref<1x40x128xf32, #tpu.memory_space<vmem>>
        %dma_wait3A_829 = tpu.memref_squeeze %dma_wait3A_828 : memref<1x40x128xf32, #tpu.memory_space<vmem>> -> memref<40x128xf32, #tpu.memory_space<vmem>>
        %dma_wait3A_830 = arith.constant 0 : i32
        %dma_wait3A_831 = arith.constant 0 : i32
        %dma_wait3A_832 = tpu.memref_slice %arg6[%dma_wait3A_830, %dma_wait3A_831] : memref<320000x128xf32, #tpu.memory_space<hbm>> -> memref<40x128xf32, #tpu.memory_space<hbm>>
        %dma_wait3A_833 = tpu.memref_slice %arg15[%dma_wait3A_825] : memref<10x!tpu.dma_semaphore, #tpu.memory_space<semaphore_mem>> -> memref<1x!tpu.dma_semaphore, #tpu.memory_space<semaphore_mem>>
        %dma_wait3A_834 = tpu.memref_squeeze %dma_wait3A_833 : memref<1x!tpu.dma_semaphore, #tpu.memory_space<semaphore_mem>> -> memref<!tpu.dma_semaphore, #tpu.memory_space<semaphore_mem>>
        %dma_wait3A_835 = arith.constant 0 : i32
        %dma_wait3A_836 = arith.constant 0 : i32
        %dma_wait3A_837 = tpu.memref_slice %arg9[%dma_wait3A_824, %dma_wait3A_835, %dma_wait3A_836] : memref<10x40x128xf32, #tpu.memory_space<vmem>> -> memref<1x40x128xf32, #tpu.memory_space<vmem>>
        %dma_wait3A_838 = tpu.memref_squeeze %dma_wait3A_837 : memref<1x40x128xf32, #tpu.memory_space<vmem>> -> memref<40x128xf32, #tpu.memory_space<vmem>>
        %dma_wait3A_839 = arith.constant 0 : i32
        %dma_wait3A_840 = arith.constant 0 : i32
        %dma_wait3A_841 = tpu.memref_slice %arg6[%dma_wait3A_839, %dma_wait3A_840] : memref<320000x128xf32, #tpu.memory_space<hbm>> -> memref<40x128xf32, #tpu.memory_space<hbm>>
        tpu.wait_dma2 semaphore(%dma_wait3A_834 : memref<!tpu.dma_semaphore, #tpu.memory_space<semaphore_mem>>) src(%dma_wait3A_841 : memref<40x128xf32, #tpu.memory_space<hbm>>) dst(%dma_wait3A_838 : memref<40x128xf32, #tpu.memory_space<vmem>>)
      } else {
      }
      %mul3A_463 = arith.constant 10 : i32
      %mul3A_464 = arith.muli %scan3A_273, %mul3A_463 : i32
      %add3A_465 = arith.constant 8 : i32
      %add3A_466 = arith.addi %mul3A_464, %add3A_465 : i32
      %mul3A_467 = arith.constant 40 : i32
      %mul3A_468 = arith.muli %add3A_466, %mul3A_467 : i32
      %dma_start3A_469 = arith.constant 8 : i32
      %dma_start3A_470 = arith.constant 8 : i32
      %dma_start3A_471 = arith.constant 0 : i32
      %dma_start3A_472 = arith.constant 0 : i32
      %dma_start3A_473 = tpu.memref_slice %arg9[%dma_start3A_469, %dma_start3A_471, %dma_start3A_472] : memref<10x40x128xf32, #tpu.memory_space<vmem>> -> memref<1x40x128xf32, #tpu.memory_space<vmem>>
      %dma_start3A_474 = tpu.memref_squeeze %dma_start3A_473 : memref<1x40x128xf32, #tpu.memory_space<vmem>> -> memref<40x128xf32, #tpu.memory_space<vmem>>
      %dma_start3A_475 = tpu.memref_slice %arg7[%mul3A_468] : memref<10000xi32, #tpu.memory_space<vmem>> -> memref<40xi32, #tpu.memory_space<vmem>>
      %dma_start3A_476 = arith.constant 0 : i32
      %dma_start3A_477 = arith.constant 0 : i32
      %dma_start3A_478 = tpu.memref_slice %arg8[%dma_start3A_476, %dma_start3A_477] : memref<8x128xf32, #tpu.memory_space<vmem_shared>> -> memref<8x128xf32, #tpu.memory_space<vmem_shared>>
      %dma_start3A_479 = tpu.memref_slice %arg14[%dma_start3A_470] : memref<10x!tpu.dma_semaphore, #tpu.memory_space<semaphore_mem>> -> memref<1x!tpu.dma_semaphore, #tpu.memory_space<semaphore_mem>>
      %dma_start3A_480 = tpu.memref_squeeze %dma_start3A_479 : memref<1x!tpu.dma_semaphore, #tpu.memory_space<semaphore_mem>> -> memref<!tpu.dma_semaphore, #tpu.memory_space<semaphore_mem>>
      tpu.enqueue_indirect_dma source(%dma_start3A_478 : memref<8x128xf32, #tpu.memory_space<vmem_shared>>) target(%dma_start3A_474 : memref<40x128xf32, #tpu.memory_space<vmem>>) offsets(%dma_start3A_475 : memref<40xi32, #tpu.memory_space<vmem>>) semaphore(%dma_start3A_480 : memref<!tpu.dma_semaphore, #tpu.memory_space<semaphore_mem>>)
      %gt3A_481 = arith.constant 0 : i32
      %gt3A_482 = arith.cmpi sgt, %scan3A_273, %gt3A_481 : i32
      %convert_element_type3A_483 = arith.extui %gt3A_482 : i1 to i32
      %cond3A_484 = arith.constant 0 : i32
      %cond3A_485 = arith.cmpi ne, %convert_element_type3A_483, %cond3A_484 : i32
      scf.if %cond3A_485 {
        %dma_wait3A_824 = arith.constant 9 : i32
        %dma_wait3A_825 = arith.constant 9 : i32
        %dma_wait3A_826 = arith.constant 0 : i32
        %dma_wait3A_827 = arith.constant 0 : i32
        %dma_wait3A_828 = tpu.memref_slice %arg9[%dma_wait3A_824, %dma_wait3A_826, %dma_wait3A_827] : memref<10x40x128xf32, #tpu.memory_space<vmem>> -> memref<1x40x128xf32, #tpu.memory_space<vmem>>
        %dma_wait3A_829 = tpu.memref_squeeze %dma_wait3A_828 : memref<1x40x128xf32, #tpu.memory_space<vmem>> -> memref<40x128xf32, #tpu.memory_space<vmem>>
        %dma_wait3A_830 = arith.constant 0 : i32
        %dma_wait3A_831 = arith.constant 0 : i32
        %dma_wait3A_832 = tpu.memref_slice %arg6[%dma_wait3A_830, %dma_wait3A_831] : memref<320000x128xf32, #tpu.memory_space<hbm>> -> memref<40x128xf32, #tpu.memory_space<hbm>>
        %dma_wait3A_833 = tpu.memref_slice %arg15[%dma_wait3A_825] : memref<10x!tpu.dma_semaphore, #tpu.memory_space<semaphore_mem>> -> memref<1x!tpu.dma_semaphore, #tpu.memory_space<semaphore_mem>>
        %dma_wait3A_834 = tpu.memref_squeeze %dma_wait3A_833 : memref<1x!tpu.dma_semaphore, #tpu.memory_space<semaphore_mem>> -> memref<!tpu.dma_semaphore, #tpu.memory_space<semaphore_mem>>
        %dma_wait3A_835 = arith.constant 0 : i32
        %dma_wait3A_836 = arith.constant 0 : i32
        %dma_wait3A_837 = tpu.memref_slice %arg9[%dma_wait3A_824, %dma_wait3A_835, %dma_wait3A_836] : memref<10x40x128xf32, #tpu.memory_space<vmem>> -> memref<1x40x128xf32, #tpu.memory_space<vmem>>
        %dma_wait3A_838 = tpu.memref_squeeze %dma_wait3A_837 : memref<1x40x128xf32, #tpu.memory_space<vmem>> -> memref<40x128xf32, #tpu.memory_space<vmem>>
        %dma_wait3A_839 = arith.constant 0 : i32
        %dma_wait3A_840 = arith.constant 0 : i32
        %dma_wait3A_841 = tpu.memref_slice %arg6[%dma_wait3A_839, %dma_wait3A_840] : memref<320000x128xf32, #tpu.memory_space<hbm>> -> memref<40x128xf32, #tpu.memory_space<hbm>>
        tpu.wait_dma2 semaphore(%dma_wait3A_834 : memref<!tpu.dma_semaphore, #tpu.memory_space<semaphore_mem>>) src(%dma_wait3A_841 : memref<40x128xf32, #tpu.memory_space<hbm>>) dst(%dma_wait3A_838 : memref<40x128xf32, #tpu.memory_space<vmem>>)
      } else {
      }
      %mul3A_486 = arith.constant 10 : i32
      %mul3A_487 = arith.muli %scan3A_273, %mul3A_486 : i32
      %add3A_488 = arith.constant 9 : i32
      %add3A_489 = arith.addi %mul3A_487, %add3A_488 : i32
      %mul3A_490 = arith.constant 40 : i32
      %mul3A_491 = arith.muli %add3A_489, %mul3A_490 : i32
      %dma_start3A_492 = arith.constant 9 : i32
      %dma_start3A_493 = arith.constant 9 : i32
      %dma_start3A_494 = arith.constant 0 : i32
      %dma_start3A_495 = arith.constant 0 : i32
      %dma_start3A_496 = tpu.memref_slice %arg9[%dma_start3A_492, %dma_start3A_494, %dma_start3A_495] : memref<10x40x128xf32, #tpu.memory_space<vmem>> -> memref<1x40x128xf32, #tpu.memory_space<vmem>>
      %dma_start3A_497 = tpu.memref_squeeze %dma_start3A_496 : memref<1x40x128xf32, #tpu.memory_space<vmem>> -> memref<40x128xf32, #tpu.memory_space<vmem>>
      %dma_start3A_498 = tpu.memref_slice %arg7[%mul3A_491] : memref<10000xi32, #tpu.memory_space<vmem>> -> memref<40xi32, #tpu.memory_space<vmem>>
      %dma_start3A_499 = arith.constant 0 : i32
      %dma_start3A_500 = arith.constant 0 : i32
      %dma_start3A_501 = tpu.memref_slice %arg8[%dma_start3A_499, %dma_start3A_500] : memref<8x128xf32, #tpu.memory_space<vmem_shared>> -> memref<8x128xf32, #tpu.memory_space<vmem_shared>>
      %dma_start3A_502 = tpu.memref_slice %arg14[%dma_start3A_493] : memref<10x!tpu.dma_semaphore, #tpu.memory_space<semaphore_mem>> -> memref<1x!tpu.dma_semaphore, #tpu.memory_space<semaphore_mem>>
      %dma_start3A_503 = tpu.memref_squeeze %dma_start3A_502 : memref<1x!tpu.dma_semaphore, #tpu.memory_space<semaphore_mem>> -> memref<!tpu.dma_semaphore, #tpu.memory_space<semaphore_mem>>
      tpu.enqueue_indirect_dma source(%dma_start3A_501 : memref<8x128xf32, #tpu.memory_space<vmem_shared>>) target(%dma_start3A_497 : memref<40x128xf32, #tpu.memory_space<vmem>>) offsets(%dma_start3A_498 : memref<40xi32, #tpu.memory_space<vmem>>) semaphore(%dma_start3A_503 : memref<!tpu.dma_semaphore, #tpu.memory_space<semaphore_mem>>)
      %dma_wait3A_504 = arith.constant 0 : i32
      %dma_wait3A_505 = arith.constant 0 : i32
      %dma_wait3A_506 = arith.constant 0 : i32
      %dma_wait3A_507 = arith.constant 0 : i32
      %dma_wait3A_508 = tpu.memref_slice %arg9[%dma_wait3A_504, %dma_wait3A_506, %dma_wait3A_507] : memref<10x40x128xf32, #tpu.memory_space<vmem>> -> memref<1x40x128xf32, #tpu.memory_space<vmem>>
      %dma_wait3A_509 = tpu.memref_squeeze %dma_wait3A_508 : memref<1x40x128xf32, #tpu.memory_space<vmem>> -> memref<40x128xf32, #tpu.memory_space<vmem>>
      %dma_wait3A_510 = tpu.memref_slice %arg7[%mul3A_284] : memref<10000xi32, #tpu.memory_space<vmem>> -> memref<40xi32, #tpu.memory_space<vmem>>
      %dma_wait3A_511 = arith.constant 0 : i32
      %dma_wait3A_512 = arith.constant 0 : i32
      %dma_wait3A_513 = tpu.memref_slice %arg8[%dma_wait3A_511, %dma_wait3A_512] : memref<8x128xf32, #tpu.memory_space<vmem_shared>> -> memref<8x128xf32, #tpu.memory_space<vmem_shared>>
      %dma_wait3A_514 = tpu.memref_slice %arg14[%dma_wait3A_505] : memref<10x!tpu.dma_semaphore, #tpu.memory_space<semaphore_mem>> -> memref<1x!tpu.dma_semaphore, #tpu.memory_space<semaphore_mem>>
      %dma_wait3A_515 = tpu.memref_squeeze %dma_wait3A_514 : memref<1x!tpu.dma_semaphore, #tpu.memory_space<semaphore_mem>> -> memref<!tpu.dma_semaphore, #tpu.memory_space<semaphore_mem>>
      tpu.wait_indirect_dma semaphore(%dma_wait3A_515 : memref<!tpu.dma_semaphore, #tpu.memory_space<semaphore_mem>>) src(%dma_wait3A_513 : memref<8x128xf32, #tpu.memory_space<vmem_shared>>) dst(%dma_wait3A_509 : memref<40x128xf32, #tpu.memory_space<vmem>>)
      %add3A_516 = arith.constant 0 : i32
      %add3A_517 = arith.addi %add3A_276, %add3A_516 : i32
      %mul3A_518 = arith.constant 40 : i32
      %mul3A_519 = arith.muli %add3A_517, %mul3A_518 : i32
      %dma_start3A_520 = arith.constant 0 : i32
      %dma_start3A_521 = arith.constant 0 : i32
      %dma_start3A_522 = arith.constant 0 : i32
      %dma_start3A_523 = arith.constant 0 : i32
      %dma_start3A_524 = tpu.memref_slice %arg9[%dma_start3A_520, %dma_start3A_522, %dma_start3A_523] : memref<10x40x128xf32, #tpu.memory_space<vmem>> -> memref<1x40x128xf32, #tpu.memory_space<vmem>>
      %dma_start3A_525 = tpu.memref_squeeze %dma_start3A_524 : memref<1x40x128xf32, #tpu.memory_space<vmem>> -> memref<40x128xf32, #tpu.memory_space<vmem>>
      %dma_start3A_526 = arith.constant 0 : i32
      %dma_start3A_527 = tpu.memref_slice %arg6[%mul3A_519, %dma_start3A_526] : memref<320000x128xf32, #tpu.memory_space<hbm>> -> memref<40x128xf32, #tpu.memory_space<hbm>>
      %dma_start3A_528 = tpu.memref_slice %arg15[%dma_start3A_521] : memref<10x!tpu.dma_semaphore, #tpu.memory_space<semaphore_mem>> -> memref<1x!tpu.dma_semaphore, #tpu.memory_space<semaphore_mem>>
      %dma_start3A_529 = tpu.memref_squeeze %dma_start3A_528 : memref<1x!tpu.dma_semaphore, #tpu.memory_space<semaphore_mem>> -> memref<!tpu.dma_semaphore, #tpu.memory_space<semaphore_mem>>
      %dma_start3A_530 = arith.constant 0 : i32
      %dma_start3A_531 = tpu.memref_slice %arg6[%mul3A_519, %dma_start3A_530] : memref<320000x128xf32, #tpu.memory_space<hbm>> -> memref<40x128xf32, #tpu.memory_space<hbm>>
      %dma_start3A_532 = arith.constant 0 : i32
      %dma_start3A_533 = arith.constant 0 : i32
      %dma_start3A_534 = tpu.memref_slice %arg9[%dma_start3A_520, %dma_start3A_532, %dma_start3A_533] : memref<10x40x128xf32, #tpu.memory_space<vmem>> -> memref<1x40x128xf32, #tpu.memory_space<vmem>>
      %dma_start3A_535 = tpu.memref_squeeze %dma_start3A_534 : memref<1x40x128xf32, #tpu.memory_space<vmem>> -> memref<40x128xf32, #tpu.memory_space<vmem>>
      tpu.enqueue_dma source(%dma_start3A_535 : memref<40x128xf32, #tpu.memory_space<vmem>>) target(%dma_start3A_531 : memref<40x128xf32, #tpu.memory_space<hbm>>) target_semaphore(%dma_start3A_529 : memref<!tpu.dma_semaphore, #tpu.memory_space<semaphore_mem>>)
      %dma_wait3A_536 = arith.constant 1 : i32
      %dma_wait3A_537 = arith.constant 1 : i32
      %dma_wait3A_538 = arith.constant 0 : i32
      %dma_wait3A_539 = arith.constant 0 : i32
      %dma_wait3A_540 = tpu.memref_slice %arg9[%dma_wait3A_536, %dma_wait3A_538, %dma_wait3A_539] : memref<10x40x128xf32, #tpu.memory_space<vmem>> -> memref<1x40x128xf32, #tpu.memory_space<vmem>>
      %dma_wait3A_541 = tpu.memref_squeeze %dma_wait3A_540 : memref<1x40x128xf32, #tpu.memory_space<vmem>> -> memref<40x128xf32, #tpu.memory_space<vmem>>
      %dma_wait3A_542 = tpu.memref_slice %arg7[%mul3A_307] : memref<10000xi32, #tpu.memory_space<vmem>> -> memref<40xi32, #tpu.memory_space<vmem>>
      %dma_wait3A_543 = arith.constant 0 : i32
      %dma_wait3A_544 = arith.constant 0 : i32
      %dma_wait3A_545 = tpu.memref_slice %arg8[%dma_wait3A_543, %dma_wait3A_544] : memref<8x128xf32, #tpu.memory_space<vmem_shared>> -> memref<8x128xf32, #tpu.memory_space<vmem_shared>>
      %dma_wait3A_546 = tpu.memref_slice %arg14[%dma_wait3A_537] : memref<10x!tpu.dma_semaphore, #tpu.memory_space<semaphore_mem>> -> memref<1x!tpu.dma_semaphore, #tpu.memory_space<semaphore_mem>>
      %dma_wait3A_547 = tpu.memref_squeeze %dma_wait3A_546 : memref<1x!tpu.dma_semaphore, #tpu.memory_space<semaphore_mem>> -> memref<!tpu.dma_semaphore, #tpu.memory_space<semaphore_mem>>
      tpu.wait_indirect_dma semaphore(%dma_wait3A_547 : memref<!tpu.dma_semaphore, #tpu.memory_space<semaphore_mem>>) src(%dma_wait3A_545 : memref<8x128xf32, #tpu.memory_space<vmem_shared>>) dst(%dma_wait3A_541 : memref<40x128xf32, #tpu.memory_space<vmem>>)
      %add3A_548 = arith.constant 1 : i32
      %add3A_549 = arith.addi %add3A_276, %add3A_548 : i32
      %mul3A_550 = arith.constant 40 : i32
      %mul3A_551 = arith.muli %add3A_549, %mul3A_550 : i32
      %dma_start3A_552 = arith.constant 1 : i32
      %dma_start3A_553 = arith.constant 1 : i32
      %dma_start3A_554 = arith.constant 0 : i32
      %dma_start3A_555 = arith.constant 0 : i32
      %dma_start3A_556 = tpu.memref_slice %arg9[%dma_start3A_552, %dma_start3A_554, %dma_start3A_555] : memref<10x40x128xf32, #tpu.memory_space<vmem>> -> memref<1x40x128xf32, #tpu.memory_space<vmem>>
      %dma_start3A_557 = tpu.memref_squeeze %dma_start3A_556 : memref<1x40x128xf32, #tpu.memory_space<vmem>> -> memref<40x128xf32, #tpu.memory_space<vmem>>
      %dma_start3A_558 = arith.constant 0 : i32
      %dma_start3A_559 = tpu.memref_slice %arg6[%mul3A_551, %dma_start3A_558] : memref<320000x128xf32, #tpu.memory_space<hbm>> -> memref<40x128xf32, #tpu.memory_space<hbm>>
      %dma_start3A_560 = tpu.memref_slice %arg15[%dma_start3A_553] : memref<10x!tpu.dma_semaphore, #tpu.memory_space<semaphore_mem>> -> memref<1x!tpu.dma_semaphore, #tpu.memory_space<semaphore_mem>>
      %dma_start3A_561 = tpu.memref_squeeze %dma_start3A_560 : memref<1x!tpu.dma_semaphore, #tpu.memory_space<semaphore_mem>> -> memref<!tpu.dma_semaphore, #tpu.memory_space<semaphore_mem>>
      %dma_start3A_562 = arith.constant 0 : i32
      %dma_start3A_563 = tpu.memref_slice %arg6[%mul3A_551, %dma_start3A_562] : memref<320000x128xf32, #tpu.memory_space<hbm>> -> memref<40x128xf32, #tpu.memory_space<hbm>>
      %dma_start3A_564 = arith.constant 0 : i32
      %dma_start3A_565 = arith.constant 0 : i32
      %dma_start3A_566 = tpu.memref_slice %arg9[%dma_start3A_552, %dma_start3A_564, %dma_start3A_565] : memref<10x40x128xf32, #tpu.memory_space<vmem>> -> memref<1x40x128xf32, #tpu.memory_space<vmem>>
      %dma_start3A_567 = tpu.memref_squeeze %dma_start3A_566 : memref<1x40x128xf32, #tpu.memory_space<vmem>> -> memref<40x128xf32, #tpu.memory_space<vmem>>
      tpu.enqueue_dma source(%dma_start3A_567 : memref<40x128xf32, #tpu.memory_space<vmem>>) target(%dma_start3A_563 : memref<40x128xf32, #tpu.memory_space<hbm>>) target_semaphore(%dma_start3A_561 : memref<!tpu.dma_semaphore, #tpu.memory_space<semaphore_mem>>)
      %dma_wait3A_568 = arith.constant 2 : i32
      %dma_wait3A_569 = arith.constant 2 : i32
      %dma_wait3A_570 = arith.constant 0 : i32
      %dma_wait3A_571 = arith.constant 0 : i32
      %dma_wait3A_572 = tpu.memref_slice %arg9[%dma_wait3A_568, %dma_wait3A_570, %dma_wait3A_571] : memref<10x40x128xf32, #tpu.memory_space<vmem>> -> memref<1x40x128xf32, #tpu.memory_space<vmem>>
      %dma_wait3A_573 = tpu.memref_squeeze %dma_wait3A_572 : memref<1x40x128xf32, #tpu.memory_space<vmem>> -> memref<40x128xf32, #tpu.memory_space<vmem>>
      %dma_wait3A_574 = tpu.memref_slice %arg7[%mul3A_330] : memref<10000xi32, #tpu.memory_space<vmem>> -> memref<40xi32, #tpu.memory_space<vmem>>
      %dma_wait3A_575 = arith.constant 0 : i32
      %dma_wait3A_576 = arith.constant 0 : i32
      %dma_wait3A_577 = tpu.memref_slice %arg8[%dma_wait3A_575, %dma_wait3A_576] : memref<8x128xf32, #tpu.memory_space<vmem_shared>> -> memref<8x128xf32, #tpu.memory_space<vmem_shared>>
      %dma_wait3A_578 = tpu.memref_slice %arg14[%dma_wait3A_569] : memref<10x!tpu.dma_semaphore, #tpu.memory_space<semaphore_mem>> -> memref<1x!tpu.dma_semaphore, #tpu.memory_space<semaphore_mem>>
      %dma_wait3A_579 = tpu.memref_squeeze %dma_wait3A_578 : memref<1x!tpu.dma_semaphore, #tpu.memory_space<semaphore_mem>> -> memref<!tpu.dma_semaphore, #tpu.memory_space<semaphore_mem>>
      tpu.wait_indirect_dma semaphore(%dma_wait3A_579 : memref<!tpu.dma_semaphore, #tpu.memory_space<semaphore_mem>>) src(%dma_wait3A_577 : memref<8x128xf32, #tpu.memory_space<vmem_shared>>) dst(%dma_wait3A_573 : memref<40x128xf32, #tpu.memory_space<vmem>>)
      %add3A_580 = arith.constant 2 : i32
      %add3A_581 = arith.addi %add3A_276, %add3A_580 : i32
      %mul3A_582 = arith.constant 40 : i32
      %mul3A_583 = arith.muli %add3A_581, %mul3A_582 : i32
      %dma_start3A_584 = arith.constant 2 : i32
      %dma_start3A_585 = arith.constant 2 : i32
      %dma_start3A_586 = arith.constant 0 : i32
      %dma_start3A_587 = arith.constant 0 : i32
      %dma_start3A_588 = tpu.memref_slice %arg9[%dma_start3A_584, %dma_start3A_586, %dma_start3A_587] : memref<10x40x128xf32, #tpu.memory_space<vmem>> -> memref<1x40x128xf32, #tpu.memory_space<vmem>>
      %dma_start3A_589 = tpu.memref_squeeze %dma_start3A_588 : memref<1x40x128xf32, #tpu.memory_space<vmem>> -> memref<40x128xf32, #tpu.memory_space<vmem>>
      %dma_start3A_590 = arith.constant 0 : i32
      %dma_start3A_591 = tpu.memref_slice %arg6[%mul3A_583, %dma_start3A_590] : memref<320000x128xf32, #tpu.memory_space<hbm>> -> memref<40x128xf32, #tpu.memory_space<hbm>>
      %dma_start3A_592 = tpu.memref_slice %arg15[%dma_start3A_585] : memref<10x!tpu.dma_semaphore, #tpu.memory_space<semaphore_mem>> -> memref<1x!tpu.dma_semaphore, #tpu.memory_space<semaphore_mem>>
      %dma_start3A_593 = tpu.memref_squeeze %dma_start3A_592 : memref<1x!tpu.dma_semaphore, #tpu.memory_space<semaphore_mem>> -> memref<!tpu.dma_semaphore, #tpu.memory_space<semaphore_mem>>
      %dma_start3A_594 = arith.constant 0 : i32
      %dma_start3A_595 = tpu.memref_slice %arg6[%mul3A_583, %dma_start3A_594] : memref<320000x128xf32, #tpu.memory_space<hbm>> -> memref<40x128xf32, #tpu.memory_space<hbm>>
      %dma_start3A_596 = arith.constant 0 : i32
      %dma_start3A_597 = arith.constant 0 : i32
      %dma_start3A_598 = tpu.memref_slice %arg9[%dma_start3A_584, %dma_start3A_596, %dma_start3A_597] : memref<10x40x128xf32, #tpu.memory_space<vmem>> -> memref<1x40x128xf32, #tpu.memory_space<vmem>>
      %dma_start3A_599 = tpu.memref_squeeze %dma_start3A_598 : memref<1x40x128xf32, #tpu.memory_space<vmem>> -> memref<40x128xf32, #tpu.memory_space<vmem>>
      tpu.enqueue_dma source(%dma_start3A_599 : memref<40x128xf32, #tpu.memory_space<vmem>>) target(%dma_start3A_595 : memref<40x128xf32, #tpu.memory_space<hbm>>) target_semaphore(%dma_start3A_593 : memref<!tpu.dma_semaphore, #tpu.memory_space<semaphore_mem>>)
      %dma_wait3A_600 = arith.constant 3 : i32
      %dma_wait3A_601 = arith.constant 3 : i32
      %dma_wait3A_602 = arith.constant 0 : i32
      %dma_wait3A_603 = arith.constant 0 : i32
      %dma_wait3A_604 = tpu.memref_slice %arg9[%dma_wait3A_600, %dma_wait3A_602, %dma_wait3A_603] : memref<10x40x128xf32, #tpu.memory_space<vmem>> -> memref<1x40x128xf32, #tpu.memory_space<vmem>>
      %dma_wait3A_605 = tpu.memref_squeeze %dma_wait3A_604 : memref<1x40x128xf32, #tpu.memory_space<vmem>> -> memref<40x128xf32, #tpu.memory_space<vmem>>
      %dma_wait3A_606 = tpu.memref_slice %arg7[%mul3A_353] : memref<10000xi32, #tpu.memory_space<vmem>> -> memref<40xi32, #tpu.memory_space<vmem>>
      %dma_wait3A_607 = arith.constant 0 : i32
      %dma_wait3A_608 = arith.constant 0 : i32
      %dma_wait3A_609 = tpu.memref_slice %arg8[%dma_wait3A_607, %dma_wait3A_608] : memref<8x128xf32, #tpu.memory_space<vmem_shared>> -> memref<8x128xf32, #tpu.memory_space<vmem_shared>>
      %dma_wait3A_610 = tpu.memref_slice %arg14[%dma_wait3A_601] : memref<10x!tpu.dma_semaphore, #tpu.memory_space<semaphore_mem>> -> memref<1x!tpu.dma_semaphore, #tpu.memory_space<semaphore_mem>>
      %dma_wait3A_611 = tpu.memref_squeeze %dma_wait3A_610 : memref<1x!tpu.dma_semaphore, #tpu.memory_space<semaphore_mem>> -> memref<!tpu.dma_semaphore, #tpu.memory_space<semaphore_mem>>
      tpu.wait_indirect_dma semaphore(%dma_wait3A_611 : memref<!tpu.dma_semaphore, #tpu.memory_space<semaphore_mem>>) src(%dma_wait3A_609 : memref<8x128xf32, #tpu.memory_space<vmem_shared>>) dst(%dma_wait3A_605 : memref<40x128xf32, #tpu.memory_space<vmem>>)
      %add3A_612 = arith.constant 3 : i32
      %add3A_613 = arith.addi %add3A_276, %add3A_612 : i32
      %mul3A_614 = arith.constant 40 : i32
      %mul3A_615 = arith.muli %add3A_613, %mul3A_614 : i32
      %dma_start3A_616 = arith.constant 3 : i32
      %dma_start3A_617 = arith.constant 3 : i32
      %dma_start3A_618 = arith.constant 0 : i32
      %dma_start3A_619 = arith.constant 0 : i32
      %dma_start3A_620 = tpu.memref_slice %arg9[%dma_start3A_616, %dma_start3A_618, %dma_start3A_619] : memref<10x40x128xf32, #tpu.memory_space<vmem>> -> memref<1x40x128xf32, #tpu.memory_space<vmem>>
      %dma_start3A_621 = tpu.memref_squeeze %dma_start3A_620 : memref<1x40x128xf32, #tpu.memory_space<vmem>> -> memref<40x128xf32, #tpu.memory_space<vmem>>
      %dma_start3A_622 = arith.constant 0 : i32
      %dma_start3A_623 = tpu.memref_slice %arg6[%mul3A_615, %dma_start3A_622] : memref<320000x128xf32, #tpu.memory_space<hbm>> -> memref<40x128xf32, #tpu.memory_space<hbm>>
      %dma_start3A_624 = tpu.memref_slice %arg15[%dma_start3A_617] : memref<10x!tpu.dma_semaphore, #tpu.memory_space<semaphore_mem>> -> memref<1x!tpu.dma_semaphore, #tpu.memory_space<semaphore_mem>>
      %dma_start3A_625 = tpu.memref_squeeze %dma_start3A_624 : memref<1x!tpu.dma_semaphore, #tpu.memory_space<semaphore_mem>> -> memref<!tpu.dma_semaphore, #tpu.memory_space<semaphore_mem>>
      %dma_start3A_626 = arith.constant 0 : i32
      %dma_start3A_627 = tpu.memref_slice %arg6[%mul3A_615, %dma_start3A_626] : memref<320000x128xf32, #tpu.memory_space<hbm>> -> memref<40x128xf32, #tpu.memory_space<hbm>>
      %dma_start3A_628 = arith.constant 0 : i32
      %dma_start3A_629 = arith.constant 0 : i32
      %dma_start3A_630 = tpu.memref_slice %arg9[%dma_start3A_616, %dma_start3A_628, %dma_start3A_629] : memref<10x40x128xf32, #tpu.memory_space<vmem>> -> memref<1x40x128xf32, #tpu.memory_space<vmem>>
      %dma_start3A_631 = tpu.memref_squeeze %dma_start3A_630 : memref<1x40x128xf32, #tpu.memory_space<vmem>> -> memref<40x128xf32, #tpu.memory_space<vmem>>
      tpu.enqueue_dma source(%dma_start3A_631 : memref<40x128xf32, #tpu.memory_space<vmem>>) target(%dma_start3A_627 : memref<40x128xf32, #tpu.memory_space<hbm>>) target_semaphore(%dma_start3A_625 : memref<!tpu.dma_semaphore, #tpu.memory_space<semaphore_mem>>)
      %dma_wait3A_632 = arith.constant 4 : i32
      %dma_wait3A_633 = arith.constant 4 : i32
      %dma_wait3A_634 = arith.constant 0 : i32
      %dma_wait3A_635 = arith.constant 0 : i32
      %dma_wait3A_636 = tpu.memref_slice %arg9[%dma_wait3A_632, %dma_wait3A_634, %dma_wait3A_635] : memref<10x40x128xf32, #tpu.memory_space<vmem>> -> memref<1x40x128xf32, #tpu.memory_space<vmem>>
      %dma_wait3A_637 = tpu.memref_squeeze %dma_wait3A_636 : memref<1x40x128xf32, #tpu.memory_space<vmem>> -> memref<40x128xf32, #tpu.memory_space<vmem>>
      %dma_wait3A_638 = tpu.memref_slice %arg7[%mul3A_376] : memref<10000xi32, #tpu.memory_space<vmem>> -> memref<40xi32, #tpu.memory_space<vmem>>
      %dma_wait3A_639 = arith.constant 0 : i32
      %dma_wait3A_640 = arith.constant 0 : i32
      %dma_wait3A_641 = tpu.memref_slice %arg8[%dma_wait3A_639, %dma_wait3A_640] : memref<8x128xf32, #tpu.memory_space<vmem_shared>> -> memref<8x128xf32, #tpu.memory_space<vmem_shared>>
      %dma_wait3A_642 = tpu.memref_slice %arg14[%dma_wait3A_633] : memref<10x!tpu.dma_semaphore, #tpu.memory_space<semaphore_mem>> -> memref<1x!tpu.dma_semaphore, #tpu.memory_space<semaphore_mem>>
      %dma_wait3A_643 = tpu.memref_squeeze %dma_wait3A_642 : memref<1x!tpu.dma_semaphore, #tpu.memory_space<semaphore_mem>> -> memref<!tpu.dma_semaphore, #tpu.memory_space<semaphore_mem>>
      tpu.wait_indirect_dma semaphore(%dma_wait3A_643 : memref<!tpu.dma_semaphore, #tpu.memory_space<semaphore_mem>>) src(%dma_wait3A_641 : memref<8x128xf32, #tpu.memory_space<vmem_shared>>) dst(%dma_wait3A_637 : memref<40x128xf32, #tpu.memory_space<vmem>>)
      %add3A_644 = arith.constant 4 : i32
      %add3A_645 = arith.addi %add3A_276, %add3A_644 : i32
      %mul3A_646 = arith.constant 40 : i32
      %mul3A_647 = arith.muli %add3A_645, %mul3A_646 : i32
      %dma_start3A_648 = arith.constant 4 : i32
      %dma_start3A_649 = arith.constant 4 : i32
      %dma_start3A_650 = arith.constant 0 : i32
      %dma_start3A_651 = arith.constant 0 : i32
      %dma_start3A_652 = tpu.memref_slice %arg9[%dma_start3A_648, %dma_start3A_650, %dma_start3A_651] : memref<10x40x128xf32, #tpu.memory_space<vmem>> -> memref<1x40x128xf32, #tpu.memory_space<vmem>>
      %dma_start3A_653 = tpu.memref_squeeze %dma_start3A_652 : memref<1x40x128xf32, #tpu.memory_space<vmem>> -> memref<40x128xf32, #tpu.memory_space<vmem>>
      %dma_start3A_654 = arith.constant 0 : i32
      %dma_start3A_655 = tpu.memref_slice %arg6[%mul3A_647, %dma_start3A_654] : memref<320000x128xf32, #tpu.memory_space<hbm>> -> memref<40x128xf32, #tpu.memory_space<hbm>>
      %dma_start3A_656 = tpu.memref_slice %arg15[%dma_start3A_649] : memref<10x!tpu.dma_semaphore, #tpu.memory_space<semaphore_mem>> -> memref<1x!tpu.dma_semaphore, #tpu.memory_space<semaphore_mem>>
      %dma_start3A_657 = tpu.memref_squeeze %dma_start3A_656 : memref<1x!tpu.dma_semaphore, #tpu.memory_space<semaphore_mem>> -> memref<!tpu.dma_semaphore, #tpu.memory_space<semaphore_mem>>
      %dma_start3A_658 = arith.constant 0 : i32
      %dma_start3A_659 = tpu.memref_slice %arg6[%mul3A_647, %dma_start3A_658] : memref<320000x128xf32, #tpu.memory_space<hbm>> -> memref<40x128xf32, #tpu.memory_space<hbm>>
      %dma_start3A_660 = arith.constant 0 : i32
      %dma_start3A_661 = arith.constant 0 : i32
      %dma_start3A_662 = tpu.memref_slice %arg9[%dma_start3A_648, %dma_start3A_660, %dma_start3A_661] : memref<10x40x128xf32, #tpu.memory_space<vmem>> -> memref<1x40x128xf32, #tpu.memory_space<vmem>>
      %dma_start3A_663 = tpu.memref_squeeze %dma_start3A_662 : memref<1x40x128xf32, #tpu.memory_space<vmem>> -> memref<40x128xf32, #tpu.memory_space<vmem>>
      tpu.enqueue_dma source(%dma_start3A_663 : memref<40x128xf32, #tpu.memory_space<vmem>>) target(%dma_start3A_659 : memref<40x128xf32, #tpu.memory_space<hbm>>) target_semaphore(%dma_start3A_657 : memref<!tpu.dma_semaphore, #tpu.memory_space<semaphore_mem>>)
      %dma_wait3A_664 = arith.constant 5 : i32
      %dma_wait3A_665 = arith.constant 5 : i32
      %dma_wait3A_666 = arith.constant 0 : i32
      %dma_wait3A_667 = arith.constant 0 : i32
      %dma_wait3A_668 = tpu.memref_slice %arg9[%dma_wait3A_664, %dma_wait3A_666, %dma_wait3A_667] : memref<10x40x128xf32, #tpu.memory_space<vmem>> -> memref<1x40x128xf32, #tpu.memory_space<vmem>>
      %dma_wait3A_669 = tpu.memref_squeeze %dma_wait3A_668 : memref<1x40x128xf32, #tpu.memory_space<vmem>> -> memref<40x128xf32, #tpu.memory_space<vmem>>
      %dma_wait3A_670 = tpu.memref_slice %arg7[%mul3A_399] : memref<10000xi32, #tpu.memory_space<vmem>> -> memref<40xi32, #tpu.memory_space<vmem>>
      %dma_wait3A_671 = arith.constant 0 : i32
      %dma_wait3A_672 = arith.constant 0 : i32
      %dma_wait3A_673 = tpu.memref_slice %arg8[%dma_wait3A_671, %dma_wait3A_672] : memref<8x128xf32, #tpu.memory_space<vmem_shared>> -> memref<8x128xf32, #tpu.memory_space<vmem_shared>>
      %dma_wait3A_674 = tpu.memref_slice %arg14[%dma_wait3A_665] : memref<10x!tpu.dma_semaphore, #tpu.memory_space<semaphore_mem>> -> memref<1x!tpu.dma_semaphore, #tpu.memory_space<semaphore_mem>>
      %dma_wait3A_675 = tpu.memref_squeeze %dma_wait3A_674 : memref<1x!tpu.dma_semaphore, #tpu.memory_space<semaphore_mem>> -> memref<!tpu.dma_semaphore, #tpu.memory_space<semaphore_mem>>
      tpu.wait_indirect_dma semaphore(%dma_wait3A_675 : memref<!tpu.dma_semaphore, #tpu.memory_space<semaphore_mem>>) src(%dma_wait3A_673 : memref<8x128xf32, #tpu.memory_space<vmem_shared>>) dst(%dma_wait3A_669 : memref<40x128xf32, #tpu.memory_space<vmem>>)
      %add3A_676 = arith.constant 5 : i32
      %add3A_677 = arith.addi %add3A_276, %add3A_676 : i32
      %mul3A_678 = arith.constant 40 : i32
      %mul3A_679 = arith.muli %add3A_677, %mul3A_678 : i32
      %dma_start3A_680 = arith.constant 5 : i32
      %dma_start3A_681 = arith.constant 5 : i32
      %dma_start3A_682 = arith.constant 0 : i32
      %dma_start3A_683 = arith.constant 0 : i32
      %dma_start3A_684 = tpu.memref_slice %arg9[%dma_start3A_680, %dma_start3A_682, %dma_start3A_683] : memref<10x40x128xf32, #tpu.memory_space<vmem>> -> memref<1x40x128xf32, #tpu.memory_space<vmem>>
      %dma_start3A_685 = tpu.memref_squeeze %dma_start3A_684 : memref<1x40x128xf32, #tpu.memory_space<vmem>> -> memref<40x128xf32, #tpu.memory_space<vmem>>
      %dma_start3A_686 = arith.constant 0 : i32
      %dma_start3A_687 = tpu.memref_slice %arg6[%mul3A_679, %dma_start3A_686] : memref<320000x128xf32, #tpu.memory_space<hbm>> -> memref<40x128xf32, #tpu.memory_space<hbm>>
      %dma_start3A_688 = tpu.memref_slice %arg15[%dma_start3A_681] : memref<10x!tpu.dma_semaphore, #tpu.memory_space<semaphore_mem>> -> memref<1x!tpu.dma_semaphore, #tpu.memory_space<semaphore_mem>>
      %dma_start3A_689 = tpu.memref_squeeze %dma_start3A_688 : memref<1x!tpu.dma_semaphore, #tpu.memory_space<semaphore_mem>> -> memref<!tpu.dma_semaphore, #tpu.memory_space<semaphore_mem>>
      %dma_start3A_690 = arith.constant 0 : i32
      %dma_start3A_691 = tpu.memref_slice %arg6[%mul3A_679, %dma_start3A_690] : memref<320000x128xf32, #tpu.memory_space<hbm>> -> memref<40x128xf32, #tpu.memory_space<hbm>>
      %dma_start3A_692 = arith.constant 0 : i32
      %dma_start3A_693 = arith.constant 0 : i32
      %dma_start3A_694 = tpu.memref_slice %arg9[%dma_start3A_680, %dma_start3A_692, %dma_start3A_693] : memref<10x40x128xf32, #tpu.memory_space<vmem>> -> memref<1x40x128xf32, #tpu.memory_space<vmem>>
      %dma_start3A_695 = tpu.memref_squeeze %dma_start3A_694 : memref<1x40x128xf32, #tpu.memory_space<vmem>> -> memref<40x128xf32, #tpu.memory_space<vmem>>
      tpu.enqueue_dma source(%dma_start3A_695 : memref<40x128xf32, #tpu.memory_space<vmem>>) target(%dma_start3A_691 : memref<40x128xf32, #tpu.memory_space<hbm>>) target_semaphore(%dma_start3A_689 : memref<!tpu.dma_semaphore, #tpu.memory_space<semaphore_mem>>)
      %dma_wait3A_696 = arith.constant 6 : i32
      %dma_wait3A_697 = arith.constant 6 : i32
      %dma_wait3A_698 = arith.constant 0 : i32
      %dma_wait3A_699 = arith.constant 0 : i32
      %dma_wait3A_700 = tpu.memref_slice %arg9[%dma_wait3A_696, %dma_wait3A_698, %dma_wait3A_699] : memref<10x40x128xf32, #tpu.memory_space<vmem>> -> memref<1x40x128xf32, #tpu.memory_space<vmem>>
      %dma_wait3A_701 = tpu.memref_squeeze %dma_wait3A_700 : memref<1x40x128xf32, #tpu.memory_space<vmem>> -> memref<40x128xf32, #tpu.memory_space<vmem>>
      %dma_wait3A_702 = tpu.memref_slice %arg7[%mul3A_422] : memref<10000xi32, #tpu.memory_space<vmem>> -> memref<40xi32, #tpu.memory_space<vmem>>
      %dma_wait3A_703 = arith.constant 0 : i32
      %dma_wait3A_704 = arith.constant 0 : i32
      %dma_wait3A_705 = tpu.memref_slice %arg8[%dma_wait3A_703, %dma_wait3A_704] : memref<8x128xf32, #tpu.memory_space<vmem_shared>> -> memref<8x128xf32, #tpu.memory_space<vmem_shared>>
      %dma_wait3A_706 = tpu.memref_slice %arg14[%dma_wait3A_697] : memref<10x!tpu.dma_semaphore, #tpu.memory_space<semaphore_mem>> -> memref<1x!tpu.dma_semaphore, #tpu.memory_space<semaphore_mem>>
      %dma_wait3A_707 = tpu.memref_squeeze %dma_wait3A_706 : memref<1x!tpu.dma_semaphore, #tpu.memory_space<semaphore_mem>> -> memref<!tpu.dma_semaphore, #tpu.memory_space<semaphore_mem>>
      tpu.wait_indirect_dma semaphore(%dma_wait3A_707 : memref<!tpu.dma_semaphore, #tpu.memory_space<semaphore_mem>>) src(%dma_wait3A_705 : memref<8x128xf32, #tpu.memory_space<vmem_shared>>) dst(%dma_wait3A_701 : memref<40x128xf32, #tpu.memory_space<vmem>>)
      %add3A_708 = arith.constant 6 : i32
      %add3A_709 = arith.addi %add3A_276, %add3A_708 : i32
      %mul3A_710 = arith.constant 40 : i32
      %mul3A_711 = arith.muli %add3A_709, %mul3A_710 : i32
      %dma_start3A_712 = arith.constant 6 : i32
      %dma_start3A_713 = arith.constant 6 : i32
      %dma_start3A_714 = arith.constant 0 : i32
      %dma_start3A_715 = arith.constant 0 : i32
      %dma_start3A_716 = tpu.memref_slice %arg9[%dma_start3A_712, %dma_start3A_714, %dma_start3A_715] : memref<10x40x128xf32, #tpu.memory_space<vmem>> -> memref<1x40x128xf32, #tpu.memory_space<vmem>>
      %dma_start3A_717 = tpu.memref_squeeze %dma_start3A_716 : memref<1x40x128xf32, #tpu.memory_space<vmem>> -> memref<40x128xf32, #tpu.memory_space<vmem>>
      %dma_start3A_718 = arith.constant 0 : i32
      %dma_start3A_719 = tpu.memref_slice %arg6[%mul3A_711, %dma_start3A_718] : memref<320000x128xf32, #tpu.memory_space<hbm>> -> memref<40x128xf32, #tpu.memory_space<hbm>>
      %dma_start3A_720 = tpu.memref_slice %arg15[%dma_start3A_713] : memref<10x!tpu.dma_semaphore, #tpu.memory_space<semaphore_mem>> -> memref<1x!tpu.dma_semaphore, #tpu.memory_space<semaphore_mem>>
      %dma_start3A_721 = tpu.memref_squeeze %dma_start3A_720 : memref<1x!tpu.dma_semaphore, #tpu.memory_space<semaphore_mem>> -> memref<!tpu.dma_semaphore, #tpu.memory_space<semaphore_mem>>
      %dma_start3A_722 = arith.constant 0 : i32
      %dma_start3A_723 = tpu.memref_slice %arg6[%mul3A_711, %dma_start3A_722] : memref<320000x128xf32, #tpu.memory_space<hbm>> -> memref<40x128xf32, #tpu.memory_space<hbm>>
      %dma_start3A_724 = arith.constant 0 : i32
      %dma_start3A_725 = arith.constant 0 : i32
      %dma_start3A_726 = tpu.memref_slice %arg9[%dma_start3A_712, %dma_start3A_724, %dma_start3A_725] : memref<10x40x128xf32, #tpu.memory_space<vmem>> -> memref<1x40x128xf32, #tpu.memory_space<vmem>>
      %dma_start3A_727 = tpu.memref_squeeze %dma_start3A_726 : memref<1x40x128xf32, #tpu.memory_space<vmem>> -> memref<40x128xf32, #tpu.memory_space<vmem>>
      tpu.enqueue_dma source(%dma_start3A_727 : memref<40x128xf32, #tpu.memory_space<vmem>>) target(%dma_start3A_723 : memref<40x128xf32, #tpu.memory_space<hbm>>) target_semaphore(%dma_start3A_721 : memref<!tpu.dma_semaphore, #tpu.memory_space<semaphore_mem>>)
      %dma_wait3A_728 = arith.constant 7 : i32
      %dma_wait3A_729 = arith.constant 7 : i32
      %dma_wait3A_730 = arith.constant 0 : i32
      %dma_wait3A_731 = arith.constant 0 : i32
      %dma_wait3A_732 = tpu.memref_slice %arg9[%dma_wait3A_728, %dma_wait3A_730, %dma_wait3A_731] : memref<10x40x128xf32, #tpu.memory_space<vmem>> -> memref<1x40x128xf32, #tpu.memory_space<vmem>>
      %dma_wait3A_733 = tpu.memref_squeeze %dma_wait3A_732 : memref<1x40x128xf32, #tpu.memory_space<vmem>> -> memref<40x128xf32, #tpu.memory_space<vmem>>
      %dma_wait3A_734 = tpu.memref_slice %arg7[%mul3A_445] : memref<10000xi32, #tpu.memory_space<vmem>> -> memref<40xi32, #tpu.memory_space<vmem>>
      %dma_wait3A_735 = arith.constant 0 : i32
      %dma_wait3A_736 = arith.constant 0 : i32
      %dma_wait3A_737 = tpu.memref_slice %arg8[%dma_wait3A_735, %dma_wait3A_736] : memref<8x128xf32, #tpu.memory_space<vmem_shared>> -> memref<8x128xf32, #tpu.memory_space<vmem_shared>>
      %dma_wait3A_738 = tpu.memref_slice %arg14[%dma_wait3A_729] : memref<10x!tpu.dma_semaphore, #tpu.memory_space<semaphore_mem>> -> memref<1x!tpu.dma_semaphore, #tpu.memory_space<semaphore_mem>>
      %dma_wait3A_739 = tpu.memref_squeeze %dma_wait3A_738 : memref<1x!tpu.dma_semaphore, #tpu.memory_space<semaphore_mem>> -> memref<!tpu.dma_semaphore, #tpu.memory_space<semaphore_mem>>
      tpu.wait_indirect_dma semaphore(%dma_wait3A_739 : memref<!tpu.dma_semaphore, #tpu.memory_space<semaphore_mem>>) src(%dma_wait3A_737 : memref<8x128xf32, #tpu.memory_space<vmem_shared>>) dst(%dma_wait3A_733 : memref<40x128xf32, #tpu.memory_space<vmem>>)
      %add3A_740 = arith.constant 7 : i32
      %add3A_741 = arith.addi %add3A_276, %add3A_740 : i32
      %mul3A_742 = arith.constant 40 : i32
      %mul3A_743 = arith.muli %add3A_741, %mul3A_742 : i32
      %dma_start3A_744 = arith.constant 7 : i32
      %dma_start3A_745 = arith.constant 7 : i32
      %dma_start3A_746 = arith.constant 0 : i32
      %dma_start3A_747 = arith.constant 0 : i32
      %dma_start3A_748 = tpu.memref_slice %arg9[%dma_start3A_744, %dma_start3A_746, %dma_start3A_747] : memref<10x40x128xf32, #tpu.memory_space<vmem>> -> memref<1x40x128xf32, #tpu.memory_space<vmem>>
      %dma_start3A_749 = tpu.memref_squeeze %dma_start3A_748 : memref<1x40x128xf32, #tpu.memory_space<vmem>> -> memref<40x128xf32, #tpu.memory_space<vmem>>
      %dma_start3A_750 = arith.constant 0 : i32
      %dma_start3A_751 = tpu.memref_slice %arg6[%mul3A_743, %dma_start3A_750] : memref<320000x128xf32, #tpu.memory_space<hbm>> -> memref<40x128xf32, #tpu.memory_space<hbm>>
      %dma_start3A_752 = tpu.memref_slice %arg15[%dma_start3A_745] : memref<10x!tpu.dma_semaphore, #tpu.memory_space<semaphore_mem>> -> memref<1x!tpu.dma_semaphore, #tpu.memory_space<semaphore_mem>>
      %dma_start3A_753 = tpu.memref_squeeze %dma_start3A_752 : memref<1x!tpu.dma_semaphore, #tpu.memory_space<semaphore_mem>> -> memref<!tpu.dma_semaphore, #tpu.memory_space<semaphore_mem>>
      %dma_start3A_754 = arith.constant 0 : i32
      %dma_start3A_755 = tpu.memref_slice %arg6[%mul3A_743, %dma_start3A_754] : memref<320000x128xf32, #tpu.memory_space<hbm>> -> memref<40x128xf32, #tpu.memory_space<hbm>>
      %dma_start3A_756 = arith.constant 0 : i32
      %dma_start3A_757 = arith.constant 0 : i32
      %dma_start3A_758 = tpu.memref_slice %arg9[%dma_start3A_744, %dma_start3A_756, %dma_start3A_757] : memref<10x40x128xf32, #tpu.memory_space<vmem>> -> memref<1x40x128xf32, #tpu.memory_space<vmem>>
      %dma_start3A_759 = tpu.memref_squeeze %dma_start3A_758 : memref<1x40x128xf32, #tpu.memory_space<vmem>> -> memref<40x128xf32, #tpu.memory_space<vmem>>
      tpu.enqueue_dma source(%dma_start3A_759 : memref<40x128xf32, #tpu.memory_space<vmem>>) target(%dma_start3A_755 : memref<40x128xf32, #tpu.memory_space<hbm>>) target_semaphore(%dma_start3A_753 : memref<!tpu.dma_semaphore, #tpu.memory_space<semaphore_mem>>)
      %dma_wait3A_760 = arith.constant 8 : i32
      %dma_wait3A_761 = arith.constant 8 : i32
      %dma_wait3A_762 = arith.constant 0 : i32
      %dma_wait3A_763 = arith.constant 0 : i32
      %dma_wait3A_764 = tpu.memref_slice %arg9[%dma_wait3A_760, %dma_wait3A_762, %dma_wait3A_763] : memref<10x40x128xf32, #tpu.memory_space<vmem>> -> memref<1x40x128xf32, #tpu.memory_space<vmem>>
      %dma_wait3A_765 = tpu.memref_squeeze %dma_wait3A_764 : memref<1x40x128xf32, #tpu.memory_space<vmem>> -> memref<40x128xf32, #tpu.memory_space<vmem>>
      %dma_wait3A_766 = tpu.memref_slice %arg7[%mul3A_468] : memref<10000xi32, #tpu.memory_space<vmem>> -> memref<40xi32, #tpu.memory_space<vmem>>
      %dma_wait3A_767 = arith.constant 0 : i32
      %dma_wait3A_768 = arith.constant 0 : i32
      %dma_wait3A_769 = tpu.memref_slice %arg8[%dma_wait3A_767, %dma_wait3A_768] : memref<8x128xf32, #tpu.memory_space<vmem_shared>> -> memref<8x128xf32, #tpu.memory_space<vmem_shared>>
      %dma_wait3A_770 = tpu.memref_slice %arg14[%dma_wait3A_761] : memref<10x!tpu.dma_semaphore, #tpu.memory_space<semaphore_mem>> -> memref<1x!tpu.dma_semaphore, #tpu.memory_space<semaphore_mem>>
      %dma_wait3A_771 = tpu.memref_squeeze %dma_wait3A_770 : memref<1x!tpu.dma_semaphore, #tpu.memory_space<semaphore_mem>> -> memref<!tpu.dma_semaphore, #tpu.memory_space<semaphore_mem>>
      tpu.wait_indirect_dma semaphore(%dma_wait3A_771 : memref<!tpu.dma_semaphore, #tpu.memory_space<semaphore_mem>>) src(%dma_wait3A_769 : memref<8x128xf32, #tpu.memory_space<vmem_shared>>) dst(%dma_wait3A_765 : memref<40x128xf32, #tpu.memory_space<vmem>>)
      %add3A_772 = arith.constant 8 : i32
      %add3A_773 = arith.addi %add3A_276, %add3A_772 : i32
      %mul3A_774 = arith.constant 40 : i32
      %mul3A_775 = arith.muli %add3A_773, %mul3A_774 : i32
      %dma_start3A_776 = arith.constant 8 : i32
      %dma_start3A_777 = arith.constant 8 : i32
      %dma_start3A_778 = arith.constant 0 : i32
      %dma_start3A_779 = arith.constant 0 : i32
      %dma_start3A_780 = tpu.memref_slice %arg9[%dma_start3A_776, %dma_start3A_778, %dma_start3A_779] : memref<10x40x128xf32, #tpu.memory_space<vmem>> -> memref<1x40x128xf32, #tpu.memory_space<vmem>>
      %dma_start3A_781 = tpu.memref_squeeze %dma_start3A_780 : memref<1x40x128xf32, #tpu.memory_space<vmem>> -> memref<40x128xf32, #tpu.memory_space<vmem>>
      %dma_start3A_782 = arith.constant 0 : i32
      %dma_start3A_783 = tpu.memref_slice %arg6[%mul3A_775, %dma_start3A_782] : memref<320000x128xf32, #tpu.memory_space<hbm>> -> memref<40x128xf32, #tpu.memory_space<hbm>>
      %dma_start3A_784 = tpu.memref_slice %arg15[%dma_start3A_777] : memref<10x!tpu.dma_semaphore, #tpu.memory_space<semaphore_mem>> -> memref<1x!tpu.dma_semaphore, #tpu.memory_space<semaphore_mem>>
      %dma_start3A_785 = tpu.memref_squeeze %dma_start3A_784 : memref<1x!tpu.dma_semaphore, #tpu.memory_space<semaphore_mem>> -> memref<!tpu.dma_semaphore, #tpu.memory_space<semaphore_mem>>
      %dma_start3A_786 = arith.constant 0 : i32
      %dma_start3A_787 = tpu.memref_slice %arg6[%mul3A_775, %dma_start3A_786] : memref<320000x128xf32, #tpu.memory_space<hbm>> -> memref<40x128xf32, #tpu.memory_space<hbm>>
      %dma_start3A_788 = arith.constant 0 : i32
      %dma_start3A_789 = arith.constant 0 : i32
      %dma_start3A_790 = tpu.memref_slice %arg9[%dma_start3A_776, %dma_start3A_788, %dma_start3A_789] : memref<10x40x128xf32, #tpu.memory_space<vmem>> -> memref<1x40x128xf32, #tpu.memory_space<vmem>>
      %dma_start3A_791 = tpu.memref_squeeze %dma_start3A_790 : memref<1x40x128xf32, #tpu.memory_space<vmem>> -> memref<40x128xf32, #tpu.memory_space<vmem>>
      tpu.enqueue_dma source(%dma_start3A_791 : memref<40x128xf32, #tpu.memory_space<vmem>>) target(%dma_start3A_787 : memref<40x128xf32, #tpu.memory_space<hbm>>) target_semaphore(%dma_start3A_785 : memref<!tpu.dma_semaphore, #tpu.memory_space<semaphore_mem>>)
      %dma_wait3A_792 = arith.constant 9 : i32
      %dma_wait3A_793 = arith.constant 9 : i32
      %dma_wait3A_794 = arith.constant 0 : i32
      %dma_wait3A_795 = arith.constant 0 : i32
      %dma_wait3A_796 = tpu.memref_slice %arg9[%dma_wait3A_792, %dma_wait3A_794, %dma_wait3A_795] : memref<10x40x128xf32, #tpu.memory_space<vmem>> -> memref<1x40x128xf32, #tpu.memory_space<vmem>>
      %dma_wait3A_797 = tpu.memref_squeeze %dma_wait3A_796 : memref<1x40x128xf32, #tpu.memory_space<vmem>> -> memref<40x128xf32, #tpu.memory_space<vmem>>
      %dma_wait3A_798 = tpu.memref_slice %arg7[%mul3A_491] : memref<10000xi32, #tpu.memory_space<vmem>> -> memref<40xi32, #tpu.memory_space<vmem>>
      %dma_wait3A_799 = arith.constant 0 : i32
      %dma_wait3A_800 = arith.constant 0 : i32
      %dma_wait3A_801 = tpu.memref_slice %arg8[%dma_wait3A_799, %dma_wait3A_800] : memref<8x128xf32, #tpu.memory_space<vmem_shared>> -> memref<8x128xf32, #tpu.memory_space<vmem_shared>>
      %dma_wait3A_802 = tpu.memref_slice %arg14[%dma_wait3A_793] : memref<10x!tpu.dma_semaphore, #tpu.memory_space<semaphore_mem>> -> memref<1x!tpu.dma_semaphore, #tpu.memory_space<semaphore_mem>>
      %dma_wait3A_803 = tpu.memref_squeeze %dma_wait3A_802 : memref<1x!tpu.dma_semaphore, #tpu.memory_space<semaphore_mem>> -> memref<!tpu.dma_semaphore, #tpu.memory_space<semaphore_mem>>
      tpu.wait_indirect_dma semaphore(%dma_wait3A_803 : memref<!tpu.dma_semaphore, #tpu.memory_space<semaphore_mem>>) src(%dma_wait3A_801 : memref<8x128xf32, #tpu.memory_space<vmem_shared>>) dst(%dma_wait3A_797 : memref<40x128xf32, #tpu.memory_space<vmem>>)
      %add3A_804 = arith.constant 9 : i32
      %add3A_805 = arith.addi %add3A_276, %add3A_804 : i32
      %mul3A_806 = arith.constant 40 : i32
      %mul3A_807 = arith.muli %add3A_805, %mul3A_806 : i32
      %dma_start3A_808 = arith.constant 9 : i32
      %dma_start3A_809 = arith.constant 9 : i32
      %dma_start3A_810 = arith.constant 0 : i32
      %dma_start3A_811 = arith.constant 0 : i32
      %dma_start3A_812 = tpu.memref_slice %arg9[%dma_start3A_808, %dma_start3A_810, %dma_start3A_811] : memref<10x40x128xf32, #tpu.memory_space<vmem>> -> memref<1x40x128xf32, #tpu.memory_space<vmem>>
      %dma_start3A_813 = tpu.memref_squeeze %dma_start3A_812 : memref<1x40x128xf32, #tpu.memory_space<vmem>> -> memref<40x128xf32, #tpu.memory_space<vmem>>
      %dma_start3A_814 = arith.constant 0 : i32
      %dma_start3A_815 = tpu.memref_slice %arg6[%mul3A_807, %dma_start3A_814] : memref<320000x128xf32, #tpu.memory_space<hbm>> -> memref<40x128xf32, #tpu.memory_space<hbm>>
      %dma_start3A_816 = tpu.memref_slice %arg15[%dma_start3A_809] : memref<10x!tpu.dma_semaphore, #tpu.memory_space<semaphore_mem>> -> memref<1x!tpu.dma_semaphore, #tpu.memory_space<semaphore_mem>>
      %dma_start3A_817 = tpu.memref_squeeze %dma_start3A_816 : memref<1x!tpu.dma_semaphore, #tpu.memory_space<semaphore_mem>> -> memref<!tpu.dma_semaphore, #tpu.memory_space<semaphore_mem>>
      %dma_start3A_818 = arith.constant 0 : i32
      %dma_start3A_819 = tpu.memref_slice %arg6[%mul3A_807, %dma_start3A_818] : memref<320000x128xf32, #tpu.memory_space<hbm>> -> memref<40x128xf32, #tpu.memory_space<hbm>>
      %dma_start3A_820 = arith.constant 0 : i32
      %dma_start3A_821 = arith.constant 0 : i32
      %dma_start3A_822 = tpu.memref_slice %arg9[%dma_start3A_808, %dma_start3A_820, %dma_start3A_821] : memref<10x40x128xf32, #tpu.memory_space<vmem>> -> memref<1x40x128xf32, #tpu.memory_space<vmem>>
      %dma_start3A_823 = tpu.memref_squeeze %dma_start3A_822 : memref<1x40x128xf32, #tpu.memory_space<vmem>> -> memref<40x128xf32, #tpu.memory_space<vmem>>
      tpu.enqueue_dma source(%dma_start3A_823 : memref<40x128xf32, #tpu.memory_space<vmem>>) target(%dma_start3A_819 : memref<40x128xf32, #tpu.memory_space<hbm>>) target_semaphore(%dma_start3A_817 : memref<!tpu.dma_semaphore, #tpu.memory_space<semaphore_mem>>)
    }
    %scan3A_92 = arith.constant 25 : i32
    %dma_wait3A_93 = arith.constant 0 : i32
    %dma_wait3A_94 = arith.constant 0 : i32
    %dma_wait3A_95 = arith.constant 0 : i32
    %dma_wait3A_96 = arith.constant 0 : i32
    %dma_wait3A_97 = tpu.memref_slice %arg9[%dma_wait3A_93, %dma_wait3A_95, %dma_wait3A_96] : memref<10x40x128xf32, #tpu.memory_space<vmem>> -> memref<1x40x128xf32, #tpu.memory_space<vmem>>
    %dma_wait3A_98 = tpu.memref_squeeze %dma_wait3A_97 : memref<1x40x128xf32, #tpu.memory_space<vmem>> -> memref<40x128xf32, #tpu.memory_space<vmem>>
    %dma_wait3A_99 = arith.constant 0 : i32
    %dma_wait3A_100 = arith.constant 0 : i32
    %dma_wait3A_101 = tpu.memref_slice %arg6[%dma_wait3A_99, %dma_wait3A_100] : memref<320000x128xf32, #tpu.memory_space<hbm>> -> memref<40x128xf32, #tpu.memory_space<hbm>>
    %dma_wait3A_102 = tpu.memref_slice %arg15[%dma_wait3A_94] : memref<10x!tpu.dma_semaphore, #tpu.memory_space<semaphore_mem>> -> memref<1x!tpu.dma_semaphore, #tpu.memory_space<semaphore_mem>>
    %dma_wait3A_103 = tpu.memref_squeeze %dma_wait3A_102 : memref<1x!tpu.dma_semaphore, #tpu.memory_space<semaphore_mem>> -> memref<!tpu.dma_semaphore, #tpu.memory_space<semaphore_mem>>
    %dma_wait3A_104 = arith.constant 0 : i32
    %dma_wait3A_105 = arith.constant 0 : i32
    %dma_wait3A_106 = tpu.memref_slice %arg9[%dma_wait3A_93, %dma_wait3A_104, %dma_wait3A_105] : memref<10x40x128xf32, #tpu.memory_space<vmem>> -> memref<1x40x128xf32, #tpu.memory_space<vmem>>
    %dma_wait3A_107 = tpu.memref_squeeze %dma_wait3A_106 : memref<1x40x128xf32, #tpu.memory_space<vmem>> -> memref<40x128xf32, #tpu.memory_space<vmem>>
    %dma_wait3A_108 = arith.constant 0 : i32
    %dma_wait3A_109 = arith.constant 0 : i32
    %dma_wait3A_110 = tpu.memref_slice %arg6[%dma_wait3A_108, %dma_wait3A_109] : memref<320000x128xf32, #tpu.memory_space<hbm>> -> memref<40x128xf32, #tpu.memory_space<hbm>>
    tpu.wait_dma2 semaphore(%dma_wait3A_103 : memref<!tpu.dma_semaphore, #tpu.memory_space<semaphore_mem>>) src(%dma_wait3A_110 : memref<40x128xf32, #tpu.memory_space<hbm>>) dst(%dma_wait3A_107 : memref<40x128xf32, #tpu.memory_space<vmem>>)
    %dma_wait3A_111 = arith.constant 1 : i32
    %dma_wait3A_112 = arith.constant 1 : i32
    %dma_wait3A_113 = arith.constant 0 : i32
    %dma_wait3A_114 = arith.constant 0 : i32
    %dma_wait3A_115 = tpu.memref_slice %arg9[%dma_wait3A_111, %dma_wait3A_113, %dma_wait3A_114] : memref<10x40x128xf32, #tpu.memory_space<vmem>> -> memref<1x40x128xf32, #tpu.memory_space<vmem>>
    %dma_wait3A_116 = tpu.memref_squeeze %dma_wait3A_115 : memref<1x40x128xf32, #tpu.memory_space<vmem>> -> memref<40x128xf32, #tpu.memory_space<vmem>>
    %dma_wait3A_117 = arith.constant 0 : i32
    %dma_wait3A_118 = arith.constant 0 : i32
    %dma_wait3A_119 = tpu.memref_slice %arg6[%dma_wait3A_117, %dma_wait3A_118] : memref<320000x128xf32, #tpu.memory_space<hbm>> -> memref<40x128xf32, #tpu.memory_space<hbm>>
    %dma_wait3A_120 = tpu.memref_slice %arg15[%dma_wait3A_112] : memref<10x!tpu.dma_semaphore, #tpu.memory_space<semaphore_mem>> -> memref<1x!tpu.dma_semaphore, #tpu.memory_space<semaphore_mem>>
    %dma_wait3A_121 = tpu.memref_squeeze %dma_wait3A_120 : memref<1x!tpu.dma_semaphore, #tpu.memory_space<semaphore_mem>> -> memref<!tpu.dma_semaphore, #tpu.memory_space<semaphore_mem>>
    %dma_wait3A_122 = arith.constant 0 : i32
    %dma_wait3A_123 = arith.constant 0 : i32
    %dma_wait3A_124 = tpu.memref_slice %arg9[%dma_wait3A_111, %dma_wait3A_122, %dma_wait3A_123] : memref<10x40x128xf32, #tpu.memory_space<vmem>> -> memref<1x40x128xf32, #tpu.memory_space<vmem>>
    %dma_wait3A_125 = tpu.memref_squeeze %dma_wait3A_124 : memref<1x40x128xf32, #tpu.memory_space<vmem>> -> memref<40x128xf32, #tpu.memory_space<vmem>>
    %dma_wait3A_126 = arith.constant 0 : i32
    %dma_wait3A_127 = arith.constant 0 : i32
    %dma_wait3A_128 = tpu.memref_slice %arg6[%dma_wait3A_126, %dma_wait3A_127] : memref<320000x128xf32, #tpu.memory_space<hbm>> -> memref<40x128xf32, #tpu.memory_space<hbm>>
    tpu.wait_dma2 semaphore(%dma_wait3A_121 : memref<!tpu.dma_semaphore, #tpu.memory_space<semaphore_mem>>) src(%dma_wait3A_128 : memref<40x128xf32, #tpu.memory_space<hbm>>) dst(%dma_wait3A_125 : memref<40x128xf32, #tpu.memory_space<vmem>>)
    %dma_wait3A_129 = arith.constant 2 : i32
    %dma_wait3A_130 = arith.constant 2 : i32
    %dma_wait3A_131 = arith.constant 0 : i32
    %dma_wait3A_132 = arith.constant 0 : i32
    %dma_wait3A_133 = tpu.memref_slice %arg9[%dma_wait3A_129, %dma_wait3A_131, %dma_wait3A_132] : memref<10x40x128xf32, #tpu.memory_space<vmem>> -> memref<1x40x128xf32, #tpu.memory_space<vmem>>
    %dma_wait3A_134 = tpu.memref_squeeze %dma_wait3A_133 : memref<1x40x128xf32, #tpu.memory_space<vmem>> -> memref<40x128xf32, #tpu.memory_space<vmem>>
    %dma_wait3A_135 = arith.constant 0 : i32
    %dma_wait3A_136 = arith.constant 0 : i32
    %dma_wait3A_137 = tpu.memref_slice %arg6[%dma_wait3A_135, %dma_wait3A_136] : memref<320000x128xf32, #tpu.memory_space<hbm>> -> memref<40x128xf32, #tpu.memory_space<hbm>>
    %dma_wait3A_138 = tpu.memref_slice %arg15[%dma_wait3A_130] : memref<10x!tpu.dma_semaphore, #tpu.memory_space<semaphore_mem>> -> memref<1x!tpu.dma_semaphore, #tpu.memory_space<semaphore_mem>>
    %dma_wait3A_139 = tpu.memref_squeeze %dma_wait3A_138 : memref<1x!tpu.dma_semaphore, #tpu.memory_space<semaphore_mem>> -> memref<!tpu.dma_semaphore, #tpu.memory_space<semaphore_mem>>
    %dma_wait3A_140 = arith.constant 0 : i32
    %dma_wait3A_141 = arith.constant 0 : i32
    %dma_wait3A_142 = tpu.memref_slice %arg9[%dma_wait3A_129, %dma_wait3A_140, %dma_wait3A_141] : memref<10x40x128xf32, #tpu.memory_space<vmem>> -> memref<1x40x128xf32, #tpu.memory_space<vmem>>
    %dma_wait3A_143 = tpu.memref_squeeze %dma_wait3A_142 : memref<1x40x128xf32, #tpu.memory_space<vmem>> -> memref<40x128xf32, #tpu.memory_space<vmem>>
    %dma_wait3A_144 = arith.constant 0 : i32
    %dma_wait3A_145 = arith.constant 0 : i32
    %dma_wait3A_146 = tpu.memref_slice %arg6[%dma_wait3A_144, %dma_wait3A_145] : memref<320000x128xf32, #tpu.memory_space<hbm>> -> memref<40x128xf32, #tpu.memory_space<hbm>>
    tpu.wait_dma2 semaphore(%dma_wait3A_139 : memref<!tpu.dma_semaphore, #tpu.memory_space<semaphore_mem>>) src(%dma_wait3A_146 : memref<40x128xf32, #tpu.memory_space<hbm>>) dst(%dma_wait3A_143 : memref<40x128xf32, #tpu.memory_space<vmem>>)
    %dma_wait3A_147 = arith.constant 3 : i32
    %dma_wait3A_148 = arith.constant 3 : i32
    %dma_wait3A_149 = arith.constant 0 : i32
    %dma_wait3A_150 = arith.constant 0 : i32
    %dma_wait3A_151 = tpu.memref_slice %arg9[%dma_wait3A_147, %dma_wait3A_149, %dma_wait3A_150] : memref<10x40x128xf32, #tpu.memory_space<vmem>> -> memref<1x40x128xf32, #tpu.memory_space<vmem>>
    %dma_wait3A_152 = tpu.memref_squeeze %dma_wait3A_151 : memref<1x40x128xf32, #tpu.memory_space<vmem>> -> memref<40x128xf32, #tpu.memory_space<vmem>>
    %dma_wait3A_153 = arith.constant 0 : i32
    %dma_wait3A_154 = arith.constant 0 : i32
    %dma_wait3A_155 = tpu.memref_slice %arg6[%dma_wait3A_153, %dma_wait3A_154] : memref<320000x128xf32, #tpu.memory_space<hbm>> -> memref<40x128xf32, #tpu.memory_space<hbm>>
    %dma_wait3A_156 = tpu.memref_slice %arg15[%dma_wait3A_148] : memref<10x!tpu.dma_semaphore, #tpu.memory_space<semaphore_mem>> -> memref<1x!tpu.dma_semaphore, #tpu.memory_space<semaphore_mem>>
    %dma_wait3A_157 = tpu.memref_squeeze %dma_wait3A_156 : memref<1x!tpu.dma_semaphore, #tpu.memory_space<semaphore_mem>> -> memref<!tpu.dma_semaphore, #tpu.memory_space<semaphore_mem>>
    %dma_wait3A_158 = arith.constant 0 : i32
    %dma_wait3A_159 = arith.constant 0 : i32
    %dma_wait3A_160 = tpu.memref_slice %arg9[%dma_wait3A_147, %dma_wait3A_158, %dma_wait3A_159] : memref<10x40x128xf32, #tpu.memory_space<vmem>> -> memref<1x40x128xf32, #tpu.memory_space<vmem>>
    %dma_wait3A_161 = tpu.memref_squeeze %dma_wait3A_160 : memref<1x40x128xf32, #tpu.memory_space<vmem>> -> memref<40x128xf32, #tpu.memory_space<vmem>>
    %dma_wait3A_162 = arith.constant 0 : i32
    %dma_wait3A_163 = arith.constant 0 : i32
    %dma_wait3A_164 = tpu.memref_slice %arg6[%dma_wait3A_162, %dma_wait3A_163] : memref<320000x128xf32, #tpu.memory_space<hbm>> -> memref<40x128xf32, #tpu.memory_space<hbm>>
    tpu.wait_dma2 semaphore(%dma_wait3A_157 : memref<!tpu.dma_semaphore, #tpu.memory_space<semaphore_mem>>) src(%dma_wait3A_164 : memref<40x128xf32, #tpu.memory_space<hbm>>) dst(%dma_wait3A_161 : memref<40x128xf32, #tpu.memory_space<vmem>>)
    %dma_wait3A_165 = arith.constant 4 : i32
    %dma_wait3A_166 = arith.constant 4 : i32
    %dma_wait3A_167 = arith.constant 0 : i32
    %dma_wait3A_168 = arith.constant 0 : i32
    %dma_wait3A_169 = tpu.memref_slice %arg9[%dma_wait3A_165, %dma_wait3A_167, %dma_wait3A_168] : memref<10x40x128xf32, #tpu.memory_space<vmem>> -> memref<1x40x128xf32, #tpu.memory_space<vmem>>
    %dma_wait3A_170 = tpu.memref_squeeze %dma_wait3A_169 : memref<1x40x128xf32, #tpu.memory_space<vmem>> -> memref<40x128xf32, #tpu.memory_space<vmem>>
    %dma_wait3A_171 = arith.constant 0 : i32
    %dma_wait3A_172 = arith.constant 0 : i32
    %dma_wait3A_173 = tpu.memref_slice %arg6[%dma_wait3A_171, %dma_wait3A_172] : memref<320000x128xf32, #tpu.memory_space<hbm>> -> memref<40x128xf32, #tpu.memory_space<hbm>>
    %dma_wait3A_174 = tpu.memref_slice %arg15[%dma_wait3A_166] : memref<10x!tpu.dma_semaphore, #tpu.memory_space<semaphore_mem>> -> memref<1x!tpu.dma_semaphore, #tpu.memory_space<semaphore_mem>>
    %dma_wait3A_175 = tpu.memref_squeeze %dma_wait3A_174 : memref<1x!tpu.dma_semaphore, #tpu.memory_space<semaphore_mem>> -> memref<!tpu.dma_semaphore, #tpu.memory_space<semaphore_mem>>
    %dma_wait3A_176 = arith.constant 0 : i32
    %dma_wait3A_177 = arith.constant 0 : i32
    %dma_wait3A_178 = tpu.memref_slice %arg9[%dma_wait3A_165, %dma_wait3A_176, %dma_wait3A_177] : memref<10x40x128xf32, #tpu.memory_space<vmem>> -> memref<1x40x128xf32, #tpu.memory_space<vmem>>
    %dma_wait3A_179 = tpu.memref_squeeze %dma_wait3A_178 : memref<1x40x128xf32, #tpu.memory_space<vmem>> -> memref<40x128xf32, #tpu.memory_space<vmem>>
    %dma_wait3A_180 = arith.constant 0 : i32
    %dma_wait3A_181 = arith.constant 0 : i32
    %dma_wait3A_182 = tpu.memref_slice %arg6[%dma_wait3A_180, %dma_wait3A_181] : memref<320000x128xf32, #tpu.memory_space<hbm>> -> memref<40x128xf32, #tpu.memory_space<hbm>>
    tpu.wait_dma2 semaphore(%dma_wait3A_175 : memref<!tpu.dma_semaphore, #tpu.memory_space<semaphore_mem>>) src(%dma_wait3A_182 : memref<40x128xf32, #tpu.memory_space<hbm>>) dst(%dma_wait3A_179 : memref<40x128xf32, #tpu.memory_space<vmem>>)
    %dma_wait3A_183 = arith.constant 5 : i32
    %dma_wait3A_184 = arith.constant 5 : i32
    %dma_wait3A_185 = arith.constant 0 : i32
    %dma_wait3A_186 = arith.constant 0 : i32
    %dma_wait3A_187 = tpu.memref_slice %arg9[%dma_wait3A_183, %dma_wait3A_185, %dma_wait3A_186] : memref<10x40x128xf32, #tpu.memory_space<vmem>> -> memref<1x40x128xf32, #tpu.memory_space<vmem>>
    %dma_wait3A_188 = tpu.memref_squeeze %dma_wait3A_187 : memref<1x40x128xf32, #tpu.memory_space<vmem>> -> memref<40x128xf32, #tpu.memory_space<vmem>>
    %dma_wait3A_189 = arith.constant 0 : i32
    %dma_wait3A_190 = arith.constant 0 : i32
    %dma_wait3A_191 = tpu.memref_slice %arg6[%dma_wait3A_189, %dma_wait3A_190] : memref<320000x128xf32, #tpu.memory_space<hbm>> -> memref<40x128xf32, #tpu.memory_space<hbm>>
    %dma_wait3A_192 = tpu.memref_slice %arg15[%dma_wait3A_184] : memref<10x!tpu.dma_semaphore, #tpu.memory_space<semaphore_mem>> -> memref<1x!tpu.dma_semaphore, #tpu.memory_space<semaphore_mem>>
    %dma_wait3A_193 = tpu.memref_squeeze %dma_wait3A_192 : memref<1x!tpu.dma_semaphore, #tpu.memory_space<semaphore_mem>> -> memref<!tpu.dma_semaphore, #tpu.memory_space<semaphore_mem>>
    %dma_wait3A_194 = arith.constant 0 : i32
    %dma_wait3A_195 = arith.constant 0 : i32
    %dma_wait3A_196 = tpu.memref_slice %arg9[%dma_wait3A_183, %dma_wait3A_194, %dma_wait3A_195] : memref<10x40x128xf32, #tpu.memory_space<vmem>> -> memref<1x40x128xf32, #tpu.memory_space<vmem>>
    %dma_wait3A_197 = tpu.memref_squeeze %dma_wait3A_196 : memref<1x40x128xf32, #tpu.memory_space<vmem>> -> memref<40x128xf32, #tpu.memory_space<vmem>>
    %dma_wait3A_198 = arith.constant 0 : i32
    %dma_wait3A_199 = arith.constant 0 : i32
    %dma_wait3A_200 = tpu.memref_slice %arg6[%dma_wait3A_198, %dma_wait3A_199] : memref<320000x128xf32, #tpu.memory_space<hbm>> -> memref<40x128xf32, #tpu.memory_space<hbm>>
    tpu.wait_dma2 semaphore(%dma_wait3A_193 : memref<!tpu.dma_semaphore, #tpu.memory_space<semaphore_mem>>) src(%dma_wait3A_200 : memref<40x128xf32, #tpu.memory_space<hbm>>) dst(%dma_wait3A_197 : memref<40x128xf32, #tpu.memory_space<vmem>>)
    %dma_wait3A_201 = arith.constant 6 : i32
    %dma_wait3A_202 = arith.constant 6 : i32
    %dma_wait3A_203 = arith.constant 0 : i32
    %dma_wait3A_204 = arith.constant 0 : i32
    %dma_wait3A_205 = tpu.memref_slice %arg9[%dma_wait3A_201, %dma_wait3A_203, %dma_wait3A_204] : memref<10x40x128xf32, #tpu.memory_space<vmem>> -> memref<1x40x128xf32, #tpu.memory_space<vmem>>
    %dma_wait3A_206 = tpu.memref_squeeze %dma_wait3A_205 : memref<1x40x128xf32, #tpu.memory_space<vmem>> -> memref<40x128xf32, #tpu.memory_space<vmem>>
    %dma_wait3A_207 = arith.constant 0 : i32
    %dma_wait3A_208 = arith.constant 0 : i32
    %dma_wait3A_209 = tpu.memref_slice %arg6[%dma_wait3A_207, %dma_wait3A_208] : memref<320000x128xf32, #tpu.memory_space<hbm>> -> memref<40x128xf32, #tpu.memory_space<hbm>>
    %dma_wait3A_210 = tpu.memref_slice %arg15[%dma_wait3A_202] : memref<10x!tpu.dma_semaphore, #tpu.memory_space<semaphore_mem>> -> memref<1x!tpu.dma_semaphore, #tpu.memory_space<semaphore_mem>>
    %dma_wait3A_211 = tpu.memref_squeeze %dma_wait3A_210 : memref<1x!tpu.dma_semaphore, #tpu.memory_space<semaphore_mem>> -> memref<!tpu.dma_semaphore, #tpu.memory_space<semaphore_mem>>
    %dma_wait3A_212 = arith.constant 0 : i32
    %dma_wait3A_213 = arith.constant 0 : i32
    %dma_wait3A_214 = tpu.memref_slice %arg9[%dma_wait3A_201, %dma_wait3A_212, %dma_wait3A_213] : memref<10x40x128xf32, #tpu.memory_space<vmem>> -> memref<1x40x128xf32, #tpu.memory_space<vmem>>
    %dma_wait3A_215 = tpu.memref_squeeze %dma_wait3A_214 : memref<1x40x128xf32, #tpu.memory_space<vmem>> -> memref<40x128xf32, #tpu.memory_space<vmem>>
    %dma_wait3A_216 = arith.constant 0 : i32
    %dma_wait3A_217 = arith.constant 0 : i32
    %dma_wait3A_218 = tpu.memref_slice %arg6[%dma_wait3A_216, %dma_wait3A_217] : memref<320000x128xf32, #tpu.memory_space<hbm>> -> memref<40x128xf32, #tpu.memory_space<hbm>>
    tpu.wait_dma2 semaphore(%dma_wait3A_211 : memref<!tpu.dma_semaphore, #tpu.memory_space<semaphore_mem>>) src(%dma_wait3A_218 : memref<40x128xf32, #tpu.memory_space<hbm>>) dst(%dma_wait3A_215 : memref<40x128xf32, #tpu.memory_space<vmem>>)
    %dma_wait3A_219 = arith.constant 7 : i32
    %dma_wait3A_220 = arith.constant 7 : i32
    %dma_wait3A_221 = arith.constant 0 : i32
    %dma_wait3A_222 = arith.constant 0 : i32
    %dma_wait3A_223 = tpu.memref_slice %arg9[%dma_wait3A_219, %dma_wait3A_221, %dma_wait3A_222] : memref<10x40x128xf32, #tpu.memory_space<vmem>> -> memref<1x40x128xf32, #tpu.memory_space<vmem>>
    %dma_wait3A_224 = tpu.memref_squeeze %dma_wait3A_223 : memref<1x40x128xf32, #tpu.memory_space<vmem>> -> memref<40x128xf32, #tpu.memory_space<vmem>>
    %dma_wait3A_225 = arith.constant 0 : i32
    %dma_wait3A_226 = arith.constant 0 : i32
    %dma_wait3A_227 = tpu.memref_slice %arg6[%dma_wait3A_225, %dma_wait3A_226] : memref<320000x128xf32, #tpu.memory_space<hbm>> -> memref<40x128xf32, #tpu.memory_space<hbm>>
    %dma_wait3A_228 = tpu.memref_slice %arg15[%dma_wait3A_220] : memref<10x!tpu.dma_semaphore, #tpu.memory_space<semaphore_mem>> -> memref<1x!tpu.dma_semaphore, #tpu.memory_space<semaphore_mem>>
    %dma_wait3A_229 = tpu.memref_squeeze %dma_wait3A_228 : memref<1x!tpu.dma_semaphore, #tpu.memory_space<semaphore_mem>> -> memref<!tpu.dma_semaphore, #tpu.memory_space<semaphore_mem>>
    %dma_wait3A_230 = arith.constant 0 : i32
    %dma_wait3A_231 = arith.constant 0 : i32
    %dma_wait3A_232 = tpu.memref_slice %arg9[%dma_wait3A_219, %dma_wait3A_230, %dma_wait3A_231] : memref<10x40x128xf32, #tpu.memory_space<vmem>> -> memref<1x40x128xf32, #tpu.memory_space<vmem>>
    %dma_wait3A_233 = tpu.memref_squeeze %dma_wait3A_232 : memref<1x40x128xf32, #tpu.memory_space<vmem>> -> memref<40x128xf32, #tpu.memory_space<vmem>>
    %dma_wait3A_234 = arith.constant 0 : i32
    %dma_wait3A_235 = arith.constant 0 : i32
    %dma_wait3A_236 = tpu.memref_slice %arg6[%dma_wait3A_234, %dma_wait3A_235] : memref<320000x128xf32, #tpu.memory_space<hbm>> -> memref<40x128xf32, #tpu.memory_space<hbm>>
    tpu.wait_dma2 semaphore(%dma_wait3A_229 : memref<!tpu.dma_semaphore, #tpu.memory_space<semaphore_mem>>) src(%dma_wait3A_236 : memref<40x128xf32, #tpu.memory_space<hbm>>) dst(%dma_wait3A_233 : memref<40x128xf32, #tpu.memory_space<vmem>>)
    %dma_wait3A_237 = arith.constant 8 : i32
    %dma_wait3A_238 = arith.constant 8 : i32
    %dma_wait3A_239 = arith.constant 0 : i32
    %dma_wait3A_240 = arith.constant 0 : i32
    %dma_wait3A_241 = tpu.memref_slice %arg9[%dma_wait3A_237, %dma_wait3A_239, %dma_wait3A_240] : memref<10x40x128xf32, #tpu.memory_space<vmem>> -> memref<1x40x128xf32, #tpu.memory_space<vmem>>
    %dma_wait3A_242 = tpu.memref_squeeze %dma_wait3A_241 : memref<1x40x128xf32, #tpu.memory_space<vmem>> -> memref<40x128xf32, #tpu.memory_space<vmem>>
    %dma_wait3A_243 = arith.constant 0 : i32
    %dma_wait3A_244 = arith.constant 0 : i32
    %dma_wait3A_245 = tpu.memref_slice %arg6[%dma_wait3A_243, %dma_wait3A_244] : memref<320000x128xf32, #tpu.memory_space<hbm>> -> memref<40x128xf32, #tpu.memory_space<hbm>>
    %dma_wait3A_246 = tpu.memref_slice %arg15[%dma_wait3A_238] : memref<10x!tpu.dma_semaphore, #tpu.memory_space<semaphore_mem>> -> memref<1x!tpu.dma_semaphore, #tpu.memory_space<semaphore_mem>>
    %dma_wait3A_247 = tpu.memref_squeeze %dma_wait3A_246 : memref<1x!tpu.dma_semaphore, #tpu.memory_space<semaphore_mem>> -> memref<!tpu.dma_semaphore, #tpu.memory_space<semaphore_mem>>
    %dma_wait3A_248 = arith.constant 0 : i32
    %dma_wait3A_249 = arith.constant 0 : i32
    %dma_wait3A_250 = tpu.memref_slice %arg9[%dma_wait3A_237, %dma_wait3A_248, %dma_wait3A_249] : memref<10x40x128xf32, #tpu.memory_space<vmem>> -> memref<1x40x128xf32, #tpu.memory_space<vmem>>
    %dma_wait3A_251 = tpu.memref_squeeze %dma_wait3A_250 : memref<1x40x128xf32, #tpu.memory_space<vmem>> -> memref<40x128xf32, #tpu.memory_space<vmem>>
    %dma_wait3A_252 = arith.constant 0 : i32
    %dma_wait3A_253 = arith.constant 0 : i32
    %dma_wait3A_254 = tpu.memref_slice %arg6[%dma_wait3A_252, %dma_wait3A_253] : memref<320000x128xf32, #tpu.memory_space<hbm>> -> memref<40x128xf32, #tpu.memory_space<hbm>>
    tpu.wait_dma2 semaphore(%dma_wait3A_247 : memref<!tpu.dma_semaphore, #tpu.memory_space<semaphore_mem>>) src(%dma_wait3A_254 : memref<40x128xf32, #tpu.memory_space<hbm>>) dst(%dma_wait3A_251 : memref<40x128xf32, #tpu.memory_space<vmem>>)
    %dma_wait3A_255 = arith.constant 9 : i32
    %dma_wait3A_256 = arith.constant 9 : i32
    %dma_wait3A_257 = arith.constant 0 : i32
    %dma_wait3A_258 = arith.constant 0 : i32
    %dma_wait3A_259 = tpu.memref_slice %arg9[%dma_wait3A_255, %dma_wait3A_257, %dma_wait3A_258] : memref<10x40x128xf32, #tpu.memory_space<vmem>> -> memref<1x40x128xf32, #tpu.memory_space<vmem>>
    %dma_wait3A_260 = tpu.memref_squeeze %dma_wait3A_259 : memref<1x40x128xf32, #tpu.memory_space<vmem>> -> memref<40x128xf32, #tpu.memory_space<vmem>>
    %dma_wait3A_261 = arith.constant 0 : i32
    %dma_wait3A_262 = arith.constant 0 : i32
    %dma_wait3A_263 = tpu.memref_slice %arg6[%dma_wait3A_261, %dma_wait3A_262] : memref<320000x128xf32, #tpu.memory_space<hbm>> -> memref<40x128xf32, #tpu.memory_space<hbm>>
    %dma_wait3A_264 = tpu.memref_slice %arg15[%dma_wait3A_256] : memref<10x!tpu.dma_semaphore, #tpu.memory_space<semaphore_mem>> -> memref<1x!tpu.dma_semaphore, #tpu.memory_space<semaphore_mem>>
    %dma_wait3A_265 = tpu.memref_squeeze %dma_wait3A_264 : memref<1x!tpu.dma_semaphore, #tpu.memory_space<semaphore_mem>> -> memref<!tpu.dma_semaphore, #tpu.memory_space<semaphore_mem>>
    %dma_wait3A_266 = arith.constant 0 : i32
    %dma_wait3A_267 = arith.constant 0 : i32
    %dma_wait3A_268 = tpu.memref_slice %arg9[%dma_wait3A_255, %dma_wait3A_266, %dma_wait3A_267] : memref<10x40x128xf32, #tpu.memory_space<vmem>> -> memref<1x40x128xf32, #tpu.memory_space<vmem>>
    %dma_wait3A_269 = tpu.memref_squeeze %dma_wait3A_268 : memref<1x40x128xf32, #tpu.memory_space<vmem>> -> memref<40x128xf32, #tpu.memory_space<vmem>>
    %dma_wait3A_270 = arith.constant 0 : i32
    %dma_wait3A_271 = arith.constant 0 : i32
    %dma_wait3A_272 = tpu.memref_slice %arg6[%dma_wait3A_270, %dma_wait3A_271] : memref<320000x128xf32, #tpu.memory_space<hbm>> -> memref<40x128xf32, #tpu.memory_space<hbm>>
    tpu.wait_dma2 semaphore(%dma_wait3A_265 : memref<!tpu.dma_semaphore, #tpu.memory_space<semaphore_mem>>) src(%dma_wait3A_272 : memref<40x128xf32, #tpu.memory_space<hbm>>) dst(%dma_wait3A_269 : memref<40x128xf32, #tpu.memory_space<vmem>>)
    return
  }
}

</mosaic_0001>

<sc_bundles>
// kernel: kernel.3.cloned.1.call-start
scs
__scs_entry_jumppad:
0x0: {  	(pc) =	sbr.rel $0x88, $3  }
0x1: {  	(tag) =	ssettag $0x0;
	lr =	simm.s32 $0x1  }
0x2: {  	[smem:$0x3F9D] =	sst lr;
	_ =	strace $0xD0000000  }
0x3: {  	_ = 	snop  }
0x4: {  	_ = 	snop  }
0x5: {  	_ = 	snop  }
0x6: {  	_ = 	snop  }
0x7: {  	_ = 	snop  }
__scs_overlays_trampoline_lowered:
0x8: {  	[smem:$0x3FAC] =	sst s0  }
0x9: {  	[smem:$0x3FAD] =	sst s1  }
0xa: {  	[smem:$0x3FAE] =	sst s2  }
0xb: {  	[smem:$0x3FAF] =	sst s3  }
0xc: {  	[smem:$0x3FB0] =	sst s4  }
0xd: {  	[smem:$0x3FB1] =	sst s5  }
0xe: {  	[smem:$0x3FB2] =	sst s6  }
0xf: {  	[smem:$0x3FB3] =	sst s7  }
0x10: {  	[smem:$0x3FB4] =	sst s8  }
0x11: {  	[smem:$0x3FB5] =	sst s9;
	s0 =	simm.s32 @!p0 $0x0  }
0x12: {  	s1 =	sld [smem:$0x3F9B];
	s0 =	simm.s32 @p0 $0x1  }
0x13: {  	[smem:$0x3FB6] =	sst s0;
	s0 =	simm.s32 @!p1 $0x0  }
0x14: {  	s2 =	sld [smem:$0x3F9A];
	s0 =	simm.s32 @p1 $0x1  }
0x15: {  	[smem:$0x3FB7] =	sst s0;
	s0 =	simm.s32 @!p2 $0x0  }
0x16: {  	s3 =	sld [smem:$0x3FDB];
	s0 =	simm.s32 @p2 $0x1  }
0x17: {  	s4 =	simm.s32 $0x1BF5;
	[smem:$0x3FB9] =	sst s0  }
0x18: {  	s0 =	sld [smem:$0x3F9C];
	_ =	swait.ge [sflag:s4], $0x0  }
0x19: {  	s7 =	sld [smem:$0x3F9D]  }
0x1a: {  	s8 =	sadd.s32 $0xFFFFE003, lr  }
0x1b: {  	s9 =	sadd.s32 $0xFFFFFEF7, lr;
	s5 =	simm.s32 $0xFFFFFFFF;
	p2 =	slt.u32 s8, $0xFFFFF086  }
0x1c: {  	p1 =	slt.u32 s9, $0xF7A;
	s5 =	simm.s32 @!p2 $0x0  }
0x1d: {  	s5 =	simm.s32 @p1 $0x1;
	p0 =	seq.s32 s7, s2  }
0x1e: {  	s7 =	smul.u32 @!p0 $0xF7A, s2;
	p2 =	seq.s32 @!p0 s5, $0x0  }
0x1f: {  	s9 =	smul.u32 $0xF7A, s1;
	s8 =	simm.s32 @!p0 $0x1BF5;
	p2 =	por !p2, p0  }
0x20: {  	[sflag:s8] =	ssyncset.s32 @!p0 $0xFFFFF086;
	s6 =	sadd.s32 @!p0 s3, s7;
	s7 =	simm.s32 @!p0 $0x108  }
0x21: {  	s3 =	sadd.s32 s3, s9;
	s6 =	sadd.s32 @!p0 $0x88, s6;
	s7 =	simm.s32 @p2 $0x1082  }
0x22: {  	[simem:s7], [sflag:s8] =	dma.local @!p0 [hbm:s6], $0xF7A  }
0x23: {  	s9 =	sor.u32 $0xD0000000, s2;
	s6 =	simm.s32 $0x108;
	_ =	swait.ge @!p0 [sflag:s8], $0x0  }
0x24: {  	s3 =	sadd.s32 $0x88, s3;
	s6 =	simm.s32 @!p1 $0x1082;
	[sflag:s4] =	ssyncset.s32 $0xFFFFF086  }
0x25: {  	[simem:s6], [sflag:s4] =	dma.local [hbm:s3], $0xF7A  }
0x26: {  	[smem:$0x3F9D] =	sst s1;
	(tag) =	ssettag s2;
	_ =	strace s9  }
0x27: {  	s1 =	sld [smem:$0x3FAD]  }
0x28: {  	s2 =	sld [smem:$0x3FAE]  }
0x29: {  	s4 =	sld [smem:$0x3FB0]  }
0x2a: {  	p0 =	seq.s32 s5, $0x0;
	s5 =	sld [smem:$0x3FB1]  }
0x2b: {  	s6 =	sld [smem:$0x3FB2]  }
0x2c: {  	s7 =	sld [smem:$0x3FB3]  }
0x2d: {  	s3 =	simm.s32 $0x108;
	s8 =	sld [smem:$0x3FB4]  }
0x2e: {  	s3 =	simm.s32 @!p0 $0x1082;
	s9 =	sld [smem:$0x3FB5]  }
0x2f: {  	lr =	sadd.s32 s0, s3;
	s0 =	sld [smem:$0x3FAC]  }
0x30: {  	s3 =	sld [smem:$0x3FAF]  }
0x31: {  	[smem:$0x3FB8] =	sst s10  }
0x32: {  	s10 =	sld [smem:$0x3FB6];
	_ =	sdelay $0x3  }
0x33: {  	p0 =	seq.s32 s10, $0x1;
	s10 =	sld [smem:$0x3FB8];
	_ =	sdelay $0x3  }
0x34: {  	[smem:$0x3FB8] =	sst s10  }
0x35: {  	s10 =	sld [smem:$0x3FB7];
	_ =	sdelay $0x3  }
0x36: {  	p1 =	seq.s32 s10, $0x1;
	s10 =	sld [smem:$0x3FB8];
	_ =	sdelay $0x3  }
0x37: {  	[smem:$0x3FB8] =	sst s10  }
0x38: {  	s10 =	sld [smem:$0x3FB9]  }
0x39: {  	_ = 	snop;
	(pc) =	sbr.ind lr, $3  }
0x3a: {  	_ = 	snop  }
0x3b: {  	_ = 	snop  }
0x3c: {  	p2 =	seq.s32 s10, $0x1;
	s10 =	sld [smem:$0x3FB8]  }
0x3d: {  	_ =	shalt  }
0x3e: {  	_ =	shalt  }
0x3f: {  	_ =	shalt  }
0x40: {  	_ =	shalt  }
0x41: {  	_ =	shalt  }
0x42: {  	_ =	shalt  }
0x43: {  	_ =	shalt  }
0x44: {  	_ =	shalt  }
0x45: {  	_ =	shalt  }
0x46: {  	_ =	shalt  }
0x47: {  	_ =	shalt  }
0x48: {  	_ =	shalt  }
0x49: {  	_ =	shalt  }
0x4a: {  	_ =	shalt  }
0x4b: {  	_ =	shalt  }
0x4c: {  	_ =	shalt  }
0x4d: {  	_ =	shalt  }
0x4e: {  	_ =	shalt  }
0x4f: {  	_ =	shalt  }
0x50: {  	_ =	shalt  }
0x51: {  	_ =	shalt  }
0x52: {  	_ =	shalt  }
0x53: {  	_ =	shalt  }
0x54: {  	_ =	shalt  }
0x55: {  	_ =	shalt  }
0x56: {  	_ =	shalt  }
0x57: {  	_ =	shalt  }
0x58: {  	_ =	shalt  }
0x59: {  	_ =	shalt  }
0x5a: {  	_ =	shalt  }
0x5b: {  	_ =	shalt  }
0x5c: {  	_ =	shalt  }
0x5d: {  	_ =	shalt  }
0x5e: {  	_ =	shalt  }
0x5f: {  	_ =	shalt  }
0x60: {  	_ =	shalt  }
0x61: {  	_ =	shalt  }
0x62: {  	_ =	shalt  }
0x63: {  	_ =	shalt  }
0x64: {  	_ =	shalt  }
0x65: {  	_ =	shalt  }
0x66: {  	_ =	shalt  }
0x67: {  	_ =	shalt  }
0x68: {  	_ =	shalt  }
0x69: {  	_ =	shalt  }
0x6a: {  	_ =	shalt  }
0x6b: {  	_ =	shalt  }
0x6c: {  	_ =	shalt  }
0x6d: {  	_ =	shalt  }
0x6e: {  	_ =	shalt  }
0x6f: {  	_ =	shalt  }
0x70: {  	_ =	shalt  }
0x71: {  	_ =	shalt  }
0x72: {  	_ =	shalt  }
0x73: {  	_ =	shalt  }
0x74: {  	_ =	shalt  }
0x75: {  	_ =	shalt  }
0x76: {  	_ =	shalt  }
0x77: {  	_ =	shalt  }
0x78: {  	_ =	shalt  }
0x79: {  	_ =	shalt  }
0x7a: {  	_ =	shalt  }
0x7b: {  	_ =	shalt  }
0x7c: {  	_ =	shalt  }
0x7d: {  	_ =	shalt  }
0x7e: {  	_ =	shalt  }
0x7f: {  	_ =	shalt  }
0x80: {  	_ =	shalt  }
0x81: {  	_ =	shalt  }
0x82: {  	_ =	shalt  }
0x83: {  	_ =	shalt  }
0x84: {  	_ =	shalt  }
0x85: {  	_ =	shalt  }
0x86: {  	_ =	shalt  }
0x87: {  	_ =	shalt  }
.Lfunc_end0:
.L_simem_size_0:
called_computation_lowered:
.L_overlay_start_0:
0x88: {  	s2 =	sld [smem:$0x3FD9]  }
0x89: {  	s3 =	sld [smem:$0x3FFE];
	_ =	sdelay $0x1  }
0x8a: {  	s1 =	srdreg.scid  }
0x8b: {  	s0 =	sand.u32 $0x1, s1  }
0x8c: {  	s17 =	sshll.u32 s0, $0xA;
	s2 =	sadd.s32 s3, s2  }
0x8d: {  	s2 =	sadd.s32 s2, s17  }
0x8e: {  	[smem:$0x3FC4] =	sst s2  }
0x8f: {  	_ = 	snop  }
0x90: {  	s2 =	sld [smem:$0x3FC9]  }
0x91: {  	s18 =	sld [smem:$0x3FC8]  }
0x92: {  	s4 =	sld [smem:$0x3FC6]  }
0x93: {  	s5 =	sld [smem:$0x3FD0];
	(tm) =	ssettm $0x1  }
0x94: {  	s6 =	sld [smem:$0x3FFB];
	_ =	sdelay $0x3  }
0x95: {  	_ =	strace s6  }
0x96: {  	s6 =	sld [smem:$0x3FFC];
	_ =	sdelay $0x3  }
0x97: {  	_ =	strace s6  }
0x98: {  	s6 =	sld [smem:$0x3FFD];
	_ =	sdelay $0x3  }
0x99: {  	_ =	strace s6  }
0x9a: {  	_ =	strace $0x8FFFFFFF  }
0x9b: {  	s19 =	sld [smem:$0x3FDB];
	_ =	sdelay $0x1  }
0x9c: {  	s7 =	simm.s32 $_scs_section_size  }
0x9d: {  	s8 =	simm.s32 $_size__tile_overlayer_lowered;
	s9 =	simm.s32 $_tile_overlayer_lowered  }
0x9e: {  	s22 =	simm.s32 $0x1BFF;
	s21 =	sshll.u32 s9, $0x1;
	s6 =	sadd.s32 s7, s19  }
0x9f: {  	s10 =	simm.s32 $0x0;
	s20 =	sshll.u32 s8, $0x1;
	s8 =	sadd.s32 s21, s6  }
0xa0: {  	[timem:s10], [sflag:s22] =	dma.local [hbm:s8], s20  }
0xa1: {  	_ =	swait.ge [sflag:s22], s20  }
0xa2: {  	s7 =	ssub.s32 $0x0, s20;
	[sflag:s22] =	ssyncset.done $0x0  }
0xa3: {  	[sflag:s22] =	ssyncadd.s32 s7;
	_ =	sdelay $0x1  }
0xa4: {  	s23 =	simm.s32 $0x1B8B  }
0xa5: {  	_ =	swait.ge [sflag:s23], $0x1  }
0xa6: {  	[sflag:s23] =	ssyncset.done $0x0  }
0xa7: {  	s25 =	simm.s32 $0x1B8E;
	s24 =	sld [smem:$0x3FFE];
	[sflag:s23] =	ssyncadd.s32 $0xFFFFFFFF  }
0xa8: {  	s26 =	simm.s32 $execute0_lowered;
	[smem:$0x3FD2] =	sst s25  }
0xa9: {  	s8 =	sshll.u32 s26, $0x1;
	_ =	strace $0x80000046;
	[dreg:$0x1] =	wrdreg $0xFFFFFFFF  }
0xaa: {  	s28 =	simm.s32 $_size_execute0_lowered;
	s6 =	sadd.s32 s6, s8;
	[dreg:$0x0] =	wrdreg $0x0  }
0xab: {  	s8 =	sshll.u32 s28, $0x1;
	[dreg:$0x2] =	wrdreg s6  }
0xac: {  	[dreg:$0x3] =	wrdreg s8  }
0xad: {  	[dreg:$0x4] =	wrdreg $0xC0  }
0xae: {  	_ =	task [dreg:s10], $0x5FFFF  }
0xaf: {  	[dreg:$0x1] =	wrdreg $0xFFFFFFFF  }
0xb0: {  	[dreg:$0x0] =	wrdreg $0x60  }
0xb1: {  	[dreg:$0x2] =	wrdreg s18  }
0xb2: {  	[dreg:$0x3] =	wrdreg s24  }
0xb3: {  	[dreg:$0x4] =	wrdreg s4  }
0xb4: {  	[dreg:$0x5] =	wrdreg s2  }
0xb5: {  	[dreg:$0x6] =	wrdreg s5  }
0xb6: {  	[dreg:$0x7] =	wrdreg $0x27800  }
0xb7: {  	[dreg:$0x8] =	wrdreg $0x9  }
0xb8: {  	_ =	task.clear_ibuf [dreg:s10], $0x9FFFF;
	_ =	strace $0x90000046  }
0xb9: {  	s29 =	simm.s32 $0x9;
	_ =	strace $0x80000048  }
0xba: {  	_ =	swait.ge [sflag:s29], $0x1  }
0xbb: {  	[sflag:s29] =	ssyncadd.s32 $0xFFFFFFFF  }
0xbc: {  	_ =	strace $0x90000048  }
0xbd: {  	_ =	sfence  }
0xbe: {  	s30 =	sld [smem:$0x0];
	_ =	sdelay $0x2  }
0xbf: {  	s31 =	sshll.u32 s1, $0xD;
	s1 =	sshrl.u32 s1, $0x2  }
0xc0: {  	s3 =	sand.u32 $0x4000, s31;
	s1 =	sadd.s32 s1, s30  }
0xc1: {  	s0 =	sor.u32 s3, s0;
	s1 =	sshll.u32 s1, $0x11  }
0xc2: {  	s0 =	sor.u32 s1, s0  }
0xc3: {  	s0 =	sadd.s32 $0x8F2B, s0  }
0xc4: {  	[sflag:s0] =	ssyncadd.remote.s32 $0x1  }
0xc5: {  	_ =	sfence.sel $0xFFFF  }
0xc6: {  	[dreg:$0x0] =	wrdreg $0xFFFFFFFF;
	(pc) =	sbr.abs _section_cstart, $3  }
0xc7: {  	[dreg:$0x1] =	wrdreg $0xFFFFFFFF  }
0xc8: {  	_ =	task.clear_ibuf [dreg:s10], $0x2FFFF;
	_ =	strace $0x9FFFFFFF  }
0xc9: {  	(tm) =	ssettm $0x7FFFFFFF  }
tec
execute0_lowered:
.L_overlay_start_1:
0x0: {  	(tag) =	ssettag $0x1  }
0x1: {  	s0 =	rddreg [dreg:$0x1]  }
0x2: {  	s1 =	rddreg [dreg:$0x3]  }
0x3: {  	s5 =	rddreg [dreg:$0x5]  }
0x4: {  	s2 =	srdreg.scid;
	s9 =	stileid.u32;
	s6 =	simm.s32 $0x0  }
0x5: {  	s30 =	simm.s32 $0x28;
	s28 =	simm.s32 $0x27C0;
	s29 =	simm.s32 $0x7  }
0x6: {  	s31 =	simm.s32 $0x13;
	s2 =	sand.u32 $0x1, s2;
	s3 =	sshll.u32 s9, $0x1  }
0x7: {  	[smem:$0x7FF] =	sst s6;
	s0 =	sadd.s32 $0x400, s0;
	s26 =	smul.u32 $0x4E200, s9  }
0x8: {  	s25 =	sshrl.u32 s9, $0x1;
	s11 =	sshll.u32 s9, $0x6;
	s13 =	smul.u32 $0x271000, s9  }
0x9: {  	s9 =	sand.u32 $0x1, s9;
	s4 =	ssub.s32 $0x2, s2;
	s3 =	sor.u32 s2, s3  }
0xa: {  	_ =	strace $0x80000047;
	[dreg:$0x7] =	wrdreg s0;
	s8 =	smul.u32 $0x27100, s2  }
0xb: {  	s0 =	smin.u32 s25, $0x6;
	s10 =	sand.u32 $0x40, s11;
	s2 =	smul.u32 $0x138800, s2  }
0xc: {  	s14 =	sshll.u32 s9, $0x6;
	s11 =	simm.s32 $0x4FC0;
	s9 =	simm.s32 $0x63C0  }
0xd: {  	s7 =	sshrl.u32 s4, $0x1;
	s3 =	smul.u32 $0x4E2, s3;
	s12 =	sshll.u32 s0, $0x7  }
0xe: {  	[dreg:$0x9] =	wrdreg s10;
	s4 =	ssub.s32 s4, s7;
	s0 =	sadd.s32 $0xEFC0, s12  }
0xf: {  	s7 =	sadd.s32 s12, s5;
	s15 =	sadd.s32 s2, s13;
	s12 =	simm.s32 $0x8  }
0x10: {  	s13 =	simm.s32 $0x9;
	s1 =	sadd.s32 s1, s3;
	s7 =	sadd.s32 s10, s7  }
0x11: {  	s4 =	smax.u32 s4, $0x1;
	s2 =	sadd.s32 $0xB400, s15;
	s3 =	sadd.s32 $0xA000, s15  }
0x12: {  	s16 =	sadd.s32 $0x8C00, s15;
	s19 =	sadd.s32 $0x7800, s15;
	s20 =	sadd.s32 $0x6400, s15  }
0x13: {  	s21 =	sadd.s32 $0x5000, s15;
	s24 =	sadd.s32 $0x3C00, s15;
	[dreg:$0x8] =	wrdreg s1  }
0x14: {  	s25 =	sadd.s32 $0x2800, s15;
	s10 =	simm.s32 $0x6;
	[dreg:$0xa] =	wrdreg s7  }
0x15: {  	v0 =	vmov s0;
	s0 =	simm.s32 $0x14;
	[dreg:$0xb] =	wrdreg s4;
	s4 =	sadd.s32 $0xF7C0, s14  }
0x16: {  	s1 =	sadd.s32 s8, s26;
	s2 =	sshrl.u32 s2, $0x3;
	[dreg:$0xc] =	wrdreg s4  }
0x17: {  	s17 =	sshrl.u32 s3, $0x3;
	s18 =	sshrl.u32 s16, $0x3;
	[dreg:$0xd] =	wrdreg s1  }
0x18: {  	s22 =	sshrl.u32 s20, $0x3;
	s23 =	sshrl.u32 s21, $0x3;
	[dreg:$0xe] =	wrdreg s2  }
0x19: {  	s26 =	sshrl.u32 s25, $0x3;
	s16 =	simm.s32 $0x9FC0;
	[dreg:$0xf] =	wrdreg s17  }
0x1a: {  	s3 =	simm.s32 $0x1;
	s7 =	simm.s32 $0x5;
	[dreg:$0x10] =	wrdreg s18  }
0x1b: {  	s14 =	simm.s32 $0xA;
	s20 =	simm.s32 $0x10;
	[dreg:$0x12] =	wrdreg s22  }
0x1c: {  	s21 =	simm.s32 $0x11;
	s2 =	sshrl.u32 s19, $0x3;
	[dreg:$0x13] =	wrdreg s23  }
0x1d: {  	s1 =	sadd.s32 $0x1400, s15;
	[dreg:$0x15] =	wrdreg s26;
	s15 =	simm.s32 $0x77C0  }
.Ltmp0:
0x1e: {  	s17 =	simm.s32 $0xB3C0;
	s18 =	simm.s32 $0xC7C0;
	(pc) =	sbr.rel .LBB2_1-.Ltmp0, $4  }
0x1f: {  	s19 =	simm.s32 $0xDBC0;
	s23 =	simm.s32 $0x3;
	s26 =	simm.s32 $0x4  }
0x20: {  	s22 =	simm.s32 $0x12;
	[dreg:$0x11] =	wrdreg s2;
	s2 =	sshrl.u32 s24, $0x3  }
0x21: {  	s4 =	simm.s32 $0x0;
	s1 =	sshrl.u32 s1, $0x3;
	[dreg:$0x14] =	wrdreg s2  }
0x22: {  	s24 =	simm.s32 $0x8BC0;
	[dreg:$0x16] =	wrdreg s1;
	s2 =	simm.s32 $0x2  }
.LBB2_8:
0x23: {  	s1 =	simm.s32 $0xB  }
0x24: {  	_ =	swait.ge [sflag:s1], $0x1400  }
0x25: {  	[sflag:s1] =	ssyncset.done $0x0  }
0x26: {  	s8 =	simm.s32 $0xC;
	[sflag:s1] =	ssyncadd.s32 $0xFFFFEC00  }
0x27: {  	_ =	swait.ge [sflag:s8], $0x1400  }
0x28: {  	[sflag:s8] =	ssyncset.done $0x0  }
0x29: {  	s25 =	simm.s32 $0xD;
	[sflag:s8] =	ssyncadd.s32 $0xFFFFEC00  }
0x2a: {  	_ =	swait.ge [sflag:s25], $0x1400  }
0x2b: {  	[sflag:s25] =	ssyncset.done $0x0  }
0x2c: {  	s4 =	simm.s32 $0xE;
	[sflag:s25] =	ssyncadd.s32 $0xFFFFEC00  }
0x2d: {  	_ =	swait.ge [sflag:s4], $0x1400  }
0x2e: {  	[sflag:s4] =	ssyncset.done $0x0  }
0x2f: {  	s8 =	simm.s32 $0xF;
	[sflag:s4] =	ssyncadd.s32 $0xFFFFEC00  }
0x30: {  	_ =	swait.ge [sflag:s8], $0x1400  }
0x31: {  	[sflag:s8] =	ssyncset.done $0x0  }
0x32: {  	[sflag:s8] =	ssyncadd.s32 $0xFFFFEC00  }
0x33: {  	_ =	swait.ge [sflag:s20], $0x1400  }
0x34: {  	[sflag:s20] =	ssyncset.done $0x0  }
0x35: {  	[sflag:s20] =	ssyncadd.s32 $0xFFFFEC00  }
0x36: {  	_ =	swait.ge [sflag:s21], $0x1400  }
0x37: {  	[sflag:s21] =	ssyncset.done $0x0  }
0x38: {  	[sflag:s21] =	ssyncadd.s32 $0xFFFFEC00  }
0x39: {  	_ =	swait.ge [sflag:s22], $0x1400  }
0x3a: {  	[sflag:s22] =	ssyncset.done $0x0  }
0x3b: {  	[sflag:s22] =	ssyncadd.s32 $0xFFFFEC00  }
0x3c: {  	_ =	swait.ge [sflag:s31], $0x1400  }
0x3d: {  	[sflag:s31] =	ssyncset.done $0x0  }
0x3e: {  	[sflag:s31] =	ssyncadd.s32 $0xFFFFEC00  }
0x3f: {  	_ =	swait.ge [sflag:s0], $0x1400  }
0x40: {  	s4 =	rddreg [dreg:$0x17]  }
0x41: {  	s25 =	rddreg [dreg:$0xb];
	s4 =	sadd.s32 $0x1, s4  }
0x42: {  	p0 =	sne.s32 s4, s25  }
.Ltmp1:
0x43: {  	_ = 	snop;
	(pc) =	sbr.rel @!p0 .LBB2_9-.Ltmp1, $3  }
0x44: {  	_ =	sdelay $0x1  }
0x45: {  	[sflag:s0] =	ssyncset.done $0x0  }
0x46: {  	[sflag:s0] =	ssyncadd.s32 $0xFFFFEC00  }
.LBB2_1:
0x47: {  	[dreg:$0x17] =	wrdreg s4  }
0x48: {  	s1 =	rddreg [dreg:$0x8]  }
0x49: {  	[tilespmem:s6], [sflag:$0x15] =	stream.linear.gather [hbm4b:s1+s6], $0x2710, $0x38;
	[tilespmem:$0x134C0] =	vst v63  }
0x4a: {  	s8 =	rddreg [dreg:$0x0];
	s25 =	simm.s32 $0xEFC0;
	s4 =	simm.s32 $0x16  }
0x4b: {  	[tilespmem:s25], [sflag:$0x16] =	stream.linear.gather [hbm4b:s8+s6], $0x380, $0x38;
	[tilespmem:$0x134C0] =	vst v63  }
0x4c: {  	_ =	swait.ge [sflag:s4], $0x380  }
0x4d: {  	[sflag:s4] =	ssyncset.done $0x0  }
0x4e: {  	s25 =	simm.s32 $0xF3C0;
	s8 =	rddreg [dreg:$0x7];
	[sflag:s4] =	ssyncadd.s32 $0xFFFFFC80  }
0x4f: {  	[tilespmem:s25], [sflag:$0x16] =	stream.linear.gather [hbm4b:s8+s6], $0x4000, $0x38;
	[tilespmem:$0x134C0] =	vst v63  }
0x50: {  	_ =	swait.ge [sflag:s4], $0x4000  }
0x51: {  	[sflag:s4] =	ssyncset.done $0x0  }
0x52: {  	[sflag:s4] =	ssyncadd.s32 $0xFFFFC000  }
0x53: {  	s8 =	simm.s32 $0x133C0;
	s25 =	rddreg [dreg:$0x2]  }
0x54: {  	[tilespmem:s8], [sflag:$0x16] =	stream.linear.gather [hbm4b:s25+s6], $0x80, $0x38;
	[tilespmem:$0x134C0] =	vst v63  }
0x55: {  	_ =	swait.ge [sflag:s4], $0x80  }
0x56: {  	[sflag:s4] =	ssyncset.done $0x0  }
0x57: {  	[sflag:s4] =	ssyncadd.s32 $0xFFFFFF80;
	s4 =	rddreg [dreg:$0x9]  }
0x58: {  	v29 =	vld [tilespmem:s4+$0x133C0]  }
0x59: {  	v28 =	vld [tilespmem:s4+$0x133D0]  }
0x5a: {  	v27 =	vld [tilespmem:s4+$0x133E0]  }
0x5b: {  	s25 =	rddreg [dreg:$0xc];
	v26 =	vld [tilespmem:s4+$0x133F0]  }
0x5c: {  	v4 =	vld [tilespmem:s25+$0x380]  }
0x5d: {  	v7 =	vld [tilespmem:s25+$0x390]  }
0x5e: {  	v8 =	vld [tilespmem:s25+$0x300]  }
0x5f: {  	v10 =	vld [tilespmem:s25+$0x310]  }
0x60: {  	v11 =	vld [tilespmem:s25+$0x280]  }
0x61: {  	v13 =	vld [tilespmem:s25+$0x290]  }
0x62: {  	v14 =	vld [tilespmem:s25+$0x200]  }
0x63: {  	v17 =	vld [tilespmem:s25+$0x210]  }
0x64: {  	s8 =	simm.s32 $0x0;
	v18 =	vld [tilespmem:s25+$0x180]  }
0x65: {  	v5 =	vld.idx.msk [tilespmem:v0+s8+$0x0 ss:$0x1], $0xffff  }
0x66: {  	v20 =	vld [tilespmem:s25+$0x190]  }
0x67: {  	v21 =	vld [tilespmem:s25+$0x100]  }
0x68: {  	v23 =	vld [tilespmem:s25+$0x110]  }
0x69: {  	v24 =	vld [tilespmem:s25+$0x80]  }
0x6a: {  	v30 =	vld [tilespmem:s25+$0x90]  }
0x6b: {  	v31 =	vld [tilespmem:s25+$0x0];
	v2 =	vbroadcast v5, $0xE;
	v1 =	vbroadcast v5, $0xF  }
0x6c: {  	v51 =	vld [tilespmem:s25+$0x10];
	v6 =	vbroadcast v5, $0xC;
	v3 =	vbroadcast v5, $0xD  }
0x6d: {  	v37 =	vld [tilespmem:s25+$0xFFFFFF80];
	v12 =	vbroadcast v5, $0xA;
	v9 =	vbroadcast v5, $0xB  }
0x6e: {  	v38 =	vld [tilespmem:s25+$0xFFFFFF90];
	v16 =	vbroadcast v5, $0x8;
	v15 =	vbroadcast v5, $0x9  }
0x6f: {  	v39 =	vld [tilespmem:s25+$0xFFFFFF00];
	v22 =	vbroadcast v5, $0x6;
	v19 =	vbroadcast v5, $0x7  }
0x70: {  	v40 =	vld [tilespmem:s25+$0xFFFFFF10];
	v32 =	vbroadcast v5, $0x4;
	v25 =	vbroadcast v5, $0x5  }
0x71: {  	v41 =	vld [tilespmem:s25+$0xFFFFFE80];
	v34 =	vbroadcast v5, $0x2;
	v33 =	vbroadcast v5, $0x3  }
0x72: {  	v43 =	vld [tilespmem:s25+$0xFFFFFE90];
	v36 =	vbroadcast v5, $0x0;
	v35 =	vbroadcast v5, $0x1  }
0x73: {  	v42 =	vld [tilespmem:s25+$0xFFFFFE00];
	v5 =	vmul.f32 v4, v1;
	v4 =	vmul.f32 v7, v1  }
0x74: {  	v44 =	vld [tilespmem:s25+$0xFFFFFE10];
	v8 =	vmul.f32 v8, v2;
	v7 =	vmul.f32 v10, v2  }
0x75: {  	v45 =	vld [tilespmem:s25+$0xFFFFFD80];
	v11 =	vmul.f32 v11, v3;
	v10 =	vmul.f32 v13, v3  }
0x76: {  	v46 =	vld [tilespmem:s25+$0xFFFFFD90];
	v14 =	vmul.f32 v14, v6;
	v13 =	vmul.f32 v17, v6  }
0x77: {  	v47 =	vld [tilespmem:s25+$0xFFFFFD00];
	v18 =	vmul.f32 v18, v9;
	v17 =	vmul.f32 v20, v9  }
0x78: {  	v48 =	vld [tilespmem:s25+$0xFFFFFD10];
	v21 =	vmul.f32 v21, v12;
	v20 =	vmul.f32 v23, v12  }
0x79: {  	v49 =	vld [tilespmem:s25+$0xFFFFFC80];
	v24 =	vmul.f32 v24, v15;
	v23 =	vmul.f32 v30, v15  }
0x7a: {  	s1 =	smov.u32 s25;
	v50 =	vld [tilespmem:s25+$0xFFFFFC90];
	s4 =	simm.s32 $0x40;
	v31 =	vmul.f32 v31, v16;
	v30 =	vmul.f32 v51, v16  }
.LBB2_2:
0x7b: {  	p0 =	sne.s32 s4, $0x1C0;
	v51 =	vld [tilespmem:s1+$0xFFFFFC00];
	v37 =	vmul.f32 v37, v19;
	v38 =	vmul.f32 v38, v19  }
0x7c: {  	v39 =	vmul.f32 v39, v22;
	v40 =	vmul.f32 v40, v22;
	v52 =	vld [tilespmem:s1+$0xFFFFFC10]  }
0x7d: {  	v41 =	vmul.f32 v41, v25;
	v43 =	vmul.f32 v43, v25;
	v53 =	vld [tilespmem:s1+$0xFFFFFC20]  }
0x7e: {  	v42 =	vmul.f32 v42, v32;
	v44 =	vmul.f32 v44, v32;
	v54 =	vld [tilespmem:s1+$0xFFFFFC30]  }
0x7f: {  	v45 =	vmul.f32 v45, v33;
	v46 =	vmul.f32 v46, v33;
	v55 =	vld [tilespmem:s1+$0xFFFFFCA0]  }
0x80: {  	v47 =	vmul.f32 v47, v34;
	v48 =	vmul.f32 v48, v34;
	v56 =	vld [tilespmem:s1+$0xFFFFFCB0]  }
0x81: {  	v49 =	vmul.f32 v49, v35;
	v50 =	vmul.f32 v50, v35;
	v57 =	vld [tilespmem:s1+$0xFFFFFD20]  }
0x82: {  	v51 =	vmul.f32 v51, v36;
	v52 =	vmul.f32 v52, v36;
	v58 =	vld [tilespmem:s1+$0xFFFFFD30]  }
0x83: {  	v53 =	vmul.f32 v53, v36;
	v36 =	vmul.f32 v54, v36;
	v54 =	vld [tilespmem:s1+$0xFFFFFDA0]  }
0x84: {  	v29 =	vadd.f32 v51, v29;
	v28 =	vadd.f32 v52, v28;
	v51 =	vmul.f32 v55, v35;
	v52 =	vld [tilespmem:s1+$0xFFFFFDB0]  }
0x85: {  	v27 =	vadd.f32 v53, v27;
	v26 =	vadd.f32 v36, v26;
	v35 =	vmul.f32 v56, v35;
	v36 =	vld [tilespmem:s1+$0xFFFFFE20]  }
0x86: {  	v29 =	vadd.f32 v49, v29;
	v28 =	vadd.f32 v50, v28;
	v49 =	vmul.f32 v57, v34;
	v50 =	vld [tilespmem:s1+$0xFFFFFE30]  }
0x87: {  	v27 =	vadd.f32 v51, v27;
	v26 =	vadd.f32 v35, v26;
	v34 =	vmul.f32 v58, v34;
	v35 =	vld [tilespmem:s1+$0xFFFFFEA0]  }
0x88: {  	v29 =	vadd.f32 v47, v29;
	v28 =	vadd.f32 v48, v28;
	v47 =	vmul.f32 v54, v33;
	v48 =	vld [tilespmem:s1+$0xFFFFFEB0]  }
0x89: {  	v27 =	vadd.f32 v49, v27;
	v26 =	vadd.f32 v34, v26;
	v33 =	vmul.f32 v52, v33;
	v34 =	vld [tilespmem:s1+$0xFFFFFF20]  }
0x8a: {  	v29 =	vadd.f32 v45, v29;
	v28 =	vadd.f32 v46, v28;
	v36 =	vmul.f32 v36, v32;
	v45 =	vld [tilespmem:s1+$0xFFFFFF30]  }
0x8b: {  	v27 =	vadd.f32 v47, v27;
	v26 =	vadd.f32 v33, v26;
	v32 =	vmul.f32 v50, v32;
	v33 =	vld [tilespmem:s1+$0xFFFFFFA0]  }
0x8c: {  	v29 =	vadd.f32 v42, v29;
	v28 =	vadd.f32 v44, v28;
	v35 =	vmul.f32 v35, v25;
	v42 =	vld [tilespmem:s1+$0xFFFFFFB0]  }
0x8d: {  	v27 =	vadd.f32 v36, v27;
	v26 =	vadd.f32 v32, v26;
	v25 =	vmul.f32 v48, v25;
	v32 =	vld [tilespmem:s1+$0x20]  }
0x8e: {  	v29 =	vadd.f32 v41, v29;
	v28 =	vadd.f32 v43, v28;
	v34 =	vmul.f32 v34, v22;
	v36 =	vld [tilespmem:s1+$0x30]  }
0x8f: {  	v27 =	vadd.f32 v35, v27;
	v25 =	vadd.f32 v25, v26;
	v22 =	vmul.f32 v45, v22;
	v26 =	vld [tilespmem:s1+$0xA0]  }
0x90: {  	v29 =	vadd.f32 v39, v29;
	v28 =	vadd.f32 v40, v28;
	v33 =	vmul.f32 v33, v19;
	v35 =	vld [tilespmem:s1+$0xB0]  }
0x91: {  	v27 =	vadd.f32 v34, v27;
	v22 =	vadd.f32 v22, v25;
	v19 =	vmul.f32 v42, v19;
	v25 =	vld [tilespmem:s1+$0x120]  }
0x92: {  	v29 =	vadd.f32 v37, v29;
	v28 =	vadd.f32 v38, v28;
	v32 =	vmul.f32 v32, v16;
	v34 =	vld [tilespmem:s1+$0x130]  }
0x93: {  	v27 =	vadd.f32 v33, v27;
	v19 =	vadd.f32 v19, v22;
	v16 =	vmul.f32 v36, v16;
	v22 =	vld [tilespmem:s1+$0x1A0]  }
0x94: {  	v29 =	vadd.f32 v31, v29;
	v28 =	vadd.f32 v30, v28;
	v26 =	vmul.f32 v26, v15;
	v30 =	vld [tilespmem:s1+$0x1B0]  }
0x95: {  	v27 =	vadd.f32 v32, v27;
	v16 =	vadd.f32 v16, v19;
	v15 =	vmul.f32 v35, v15;
	v19 =	vld [tilespmem:s1+$0x220]  }
0x96: {  	v24 =	vadd.f32 v24, v29;
	v23 =	vadd.f32 v23, v28;
	v25 =	vmul.f32 v25, v12;
	v28 =	vld [tilespmem:s1+$0x230]  }
0x97: {  	v26 =	vadd.f32 v26, v27;
	v15 =	vadd.f32 v15, v16;
	v12 =	vmul.f32 v34, v12;
	v16 =	vld [tilespmem:s1+$0x2A0]  }
0x98: {  	v21 =	vadd.f32 v21, v24;
	v20 =	vadd.f32 v20, v23;
	v22 =	vmul.f32 v22, v9;
	v23 =	vld [tilespmem:s1+$0x2B0]  }
0x99: {  	v24 =	vadd.f32 v25, v26;
	v12 =	vadd.f32 v12, v15;
	v9 =	vmul.f32 v30, v9;
	v15 =	vld [tilespmem:s1+$0x320]  }
0x9a: {  	v18 =	vadd.f32 v18, v21;
	v17 =	vadd.f32 v17, v20;
	v19 =	vmul.f32 v19, v6;
	v20 =	vld [tilespmem:s1+$0x330]  }
0x9b: {  	v21 =	vadd.f32 v22, v24;
	v9 =	vadd.f32 v9, v12;
	v6 =	vmul.f32 v28, v6;
	v12 =	vld [tilespmem:s1+$0x3A0]  }
0x9c: {  	v14 =	vadd.f32 v14, v18;
	v13 =	vadd.f32 v13, v17;
	v16 =	vmul.f32 v16, v3;
	v17 =	vld [tilespmem:s1+$0x3B0];
	s1 =	sadd.s32 $0x800, s1  }
0x9d: {  	v19 =	vadd.f32 v19, v21;
	v18 =	vld [tilespmem:s1+$0x380];
	v6 =	vadd.f32 v6, v9;
	v3 =	vmul.f32 v23, v3  }
0x9e: {  	v9 =	vadd.f32 v11, v14;
	v10 =	vadd.f32 v10, v13;
	v21 =	vld [tilespmem:s1+$0x390];
	v11 =	vmul.f32 v15, v2  }
0x9f: {  	v14 =	vadd.f32 v16, v19;
	v13 =	vld [tilespmem:s1+$0x300];
	v3 =	vadd.f32 v3, v6;
	v2 =	vmul.f32 v20, v2  }
0xa0: {  	v6 =	vadd.f32 v8, v9;
	v7 =	vadd.f32 v7, v10;
	v20 =	vld [tilespmem:s1+$0x310];
	v8 =	vmul.f32 v12, v1  }
0xa1: {  	v9 =	vadd.f32 v11, v14;
	v10 =	vld [tilespmem:s1+$0x280];
	v2 =	vadd.f32 v2, v3;
	v1 =	vmul.f32 v17, v1  }
0xa2: {  	v29 =	vadd.f32 v5, v6;
	v28 =	vadd.f32 v4, v7;
	v14 =	vld [tilespmem:s1+$0x290]  }
0xa3: {  	v27 =	vadd.f32 v8, v9;
	v17 =	vld [tilespmem:s1+$0x200];
	v26 =	vadd.f32 v1, v2  }
0xa4: {  	v23 =	vld [tilespmem:s1+$0x210]  }
0xa5: {  	s25 =	sshra.s32 s4, $0x2;
	v24 =	vld [tilespmem:s1+$0x180]  }
0xa6: {  	v4 =	vld.idx.msk [tilespmem:v0+s25+$0x0 ss:$0x1], $0xffff  }
0xa7: {  	v30 =	vld [tilespmem:s1+$0x190]  }
0xa8: {  	v31 =	vld [tilespmem:s1+$0x100]  }
0xa9: {  	v49 =	vld [tilespmem:s1+$0x110]  }
0xaa: {  	v50 =	vld [tilespmem:s1+$0x80]  }
0xab: {  	v51 =	vld [tilespmem:s1+$0x90]  }
0xac: {  	v2 =	vbroadcast v4, $0xE;
	v1 =	vbroadcast v4, $0xF;
	v52 =	vld [tilespmem:s1+$0x0]  }
0xad: {  	v6 =	vbroadcast v4, $0xC;
	v3 =	vbroadcast v4, $0xD;
	v53 =	vld [tilespmem:s1+$0x10]  }
0xae: {  	v12 =	vbroadcast v4, $0xA;
	v9 =	vbroadcast v4, $0xB;
	v37 =	vld [tilespmem:s1+$0xFFFFFF80]  }
0xaf: {  	v16 =	vbroadcast v4, $0x8;
	v15 =	vbroadcast v4, $0x9;
	v38 =	vld [tilespmem:s1+$0xFFFFFF90]  }
0xb0: {  	v22 =	vbroadcast v4, $0x6;
	v19 =	vbroadcast v4, $0x7;
	v39 =	vld [tilespmem:s1+$0xFFFFFF00]  }
0xb1: {  	v32 =	vbroadcast v4, $0x4;
	v25 =	vbroadcast v4, $0x5;
	v40 =	vld [tilespmem:s1+$0xFFFFFF10]  }
0xb2: {  	v34 =	vbroadcast v4, $0x2;
	v33 =	vbroadcast v4, $0x3;
	v41 =	vld [tilespmem:s1+$0xFFFFFE80]  }
0xb3: {  	v36 =	vbroadcast v4, $0x0;
	v35 =	vbroadcast v4, $0x1;
	v43 =	vld [tilespmem:s1+$0xFFFFFE90]  }
0xb4: {  	v5 =	vmul.f32 v18, v1;
	v4 =	vmul.f32 v21, v1;
	v42 =	vld [tilespmem:s1+$0xFFFFFE00]  }
0xb5: {  	v8 =	vmul.f32 v13, v2;
	v7 =	vmul.f32 v20, v2;
	v44 =	vld [tilespmem:s1+$0xFFFFFE10]  }
0xb6: {  	v11 =	vmul.f32 v10, v3;
	v10 =	vmul.f32 v14, v3;
	v45 =	vld [tilespmem:s1+$0xFFFFFD80]  }
.Ltmp2:
0xb7: {  	v14 =	vmul.f32 v17, v6;
	v13 =	vmul.f32 v23, v6;
	v46 =	vld [tilespmem:s1+$0xFFFFFD90];
	(pc) =	sbr.rel @p0 .LBB2_2-.Ltmp2, $4  }
0xb8: {  	v18 =	vmul.f32 v24, v9;
	v17 =	vmul.f32 v30, v9;
	v47 =	vld [tilespmem:s1+$0xFFFFFD00]  }
0xb9: {  	v21 =	vmul.f32 v31, v12;
	v20 =	vmul.f32 v49, v12;
	v48 =	vld [tilespmem:s1+$0xFFFFFD10]  }
0xba: {  	v24 =	vmul.f32 v50, v15;
	v23 =	vmul.f32 v51, v15;
	v49 =	vld [tilespmem:s1+$0xFFFFFC80]  }
0xbb: {  	s4 =	sadd.s32 $0x40, s4;
	v31 =	vmul.f32 v52, v16;
	v30 =	vmul.f32 v53, v16;
	v50 =	vld [tilespmem:s1+$0xFFFFFC90]  }
0xbc: {  	v51 =	vld [tilespmem:s1+$0xFFFFFC00];
	v37 =	vmul.f32 v37, v19;
	v38 =	vmul.f32 v38, v19  }
0xbd: {  	v52 =	vld [tilespmem:s1+$0xFFFFFC10];
	v39 =	vmul.f32 v39, v22;
	v40 =	vmul.f32 v40, v22  }
0xbe: {  	v53 =	vld [tilespmem:s1+$0xFFFFFC20];
	v41 =	vmul.f32 v41, v25;
	v43 =	vmul.f32 v43, v25  }
0xbf: {  	v54 =	vld [tilespmem:s1+$0xFFFFFC30];
	v42 =	vmul.f32 v42, v32;
	v44 =	vmul.f32 v44, v32  }
0xc0: {  	v55 =	vld [tilespmem:s1+$0xFFFFFCA0];
	v45 =	vmul.f32 v45, v33;
	v46 =	vmul.f32 v46, v33  }
0xc1: {  	v56 =	vld [tilespmem:s1+$0xFFFFFCB0];
	v47 =	vmul.f32 v47, v34;
	v51 =	vmul.f32 v51, v36  }
0xc2: {  	v57 =	vld [tilespmem:s1+$0xFFFFFD20];
	v48 =	vmul.f32 v48, v34;
	v52 =	vmul.f32 v52, v36  }
0xc3: {  	v58 =	vld [tilespmem:s1+$0xFFFFFD30];
	v49 =	vmul.f32 v49, v35;
	v53 =	vmul.f32 v53, v36;
	v29 =	vadd.f32 v51, v29  }
0xc4: {  	v62 =	vld [tilespmem:s1+$0xFFFFFDA0];
	v50 =	vmul.f32 v50, v35;
	v61 =	vmul.f32 v54, v36;
	v28 =	vadd.f32 v52, v28  }
0xc5: {  	v63 =	vmul.f32 v55, v35;
	v54 =	vld [tilespmem:s1+$0xFFFFFDB0];
	v27 =	vadd.f32 v53, v27;
	v29 =	vadd.f32 v49, v29  }
0xc6: {  	v55 =	vmul.f32 v56, v35;
	v56 =	vld [tilespmem:s1+$0xFFFFFE20];
	v26 =	vadd.f32 v61, v26;
	v28 =	vadd.f32 v50, v28  }
0xc7: {  	v59 =	vld [tilespmem:s1+$0xFFFFFE30];
	v57 =	vmul.f32 v57, v34;
	v27 =	vadd.f32 v63, v27;
	v29 =	vadd.f32 v47, v29  }
0xc8: {  	v60 =	vmul.f32 v58, v34;
	v61 =	vld [tilespmem:s1+$0xFFFFFEA0];
	v26 =	vadd.f32 v55, v26;
	v28 =	vadd.f32 v48, v28  }
0xc9: {  	v62 =	vmul.f32 v62, v33;
	v63 =	vld [tilespmem:s1+$0xFFFFFEB0];
	v27 =	vadd.f32 v57, v27;
	v29 =	vadd.f32 v45, v29  }
0xca: {  	v52 =	vld [tilespmem:s1+$0xFFFFFF20];
	v51 =	vmul.f32 v54, v33;
	v26 =	vadd.f32 v60, v26;
	v28 =	vadd.f32 v46, v28  }
0xcb: {  	v53 =	vld [tilespmem:s1+$0xFFFFFF30];
	v36 =	vmul.f32 v56, v32;
	v27 =	vadd.f32 v62, v27;
	v29 =	vadd.f32 v42, v29  }
0xcc: {  	v55 =	vld [tilespmem:s1+$0xFFFFFFA0];
	v54 =	vmul.f32 v59, v32;
	v26 =	vadd.f32 v51, v26;
	v28 =	vadd.f32 v44, v28  }
0xcd: {  	v56 =	vld [tilespmem:s1+$0xFFFFFFB0];
	v35 =	vmul.f32 v61, v25;
	v27 =	vadd.f32 v36, v27;
	v29 =	vadd.f32 v41, v29  }
0xce: {  	v58 =	vld [tilespmem:s1+$0x20];
	v57 =	vmul.f32 v63, v25;
	v26 =	vadd.f32 v54, v26;
	v28 =	vadd.f32 v43, v28  }
0xcf: {  	v59 =	vld [tilespmem:s1+$0x30];
	v34 =	vmul.f32 v52, v22;
	v27 =	vadd.f32 v35, v27;
	v29 =	vadd.f32 v39, v29  }
0xd0: {  	v60 =	vmul.f32 v53, v22;
	v61 =	vld [tilespmem:s1+$0xA0];
	v25 =	vadd.f32 v57, v26;
	v28 =	vadd.f32 v40, v28  }
0xd1: {  	v62 =	vld [tilespmem:s1+$0xB0];
	v33 =	vmul.f32 v55, v19;
	v27 =	vadd.f32 v34, v27;
	v29 =	vadd.f32 v37, v29  }
0xd2: {  	v63 =	vmul.f32 v56, v19;
	v22 =	vadd.f32 v60, v25;
	v37 =	vld [tilespmem:s1+$0x120];
	v28 =	vadd.f32 v38, v28  }
0xd3: {  	v32 =	vmul.f32 v58, v16;
	v38 =	vld [tilespmem:s1+$0x130];
	v27 =	vadd.f32 v33, v27;
	v29 =	vadd.f32 v31, v29  }
0xd4: {  	v39 =	vmul.f32 v59, v16;
	v40 =	vld [tilespmem:s1+$0x1A0];
	v19 =	vadd.f32 v63, v22;
	v28 =	vadd.f32 v30, v28  }
0xd5: {  	v26 =	vmul.f32 v61, v15;
	v41 =	vld [tilespmem:s1+$0x1B0];
	v27 =	vadd.f32 v32, v27;
	v24 =	vadd.f32 v24, v29  }
0xd6: {  	v43 =	vld [tilespmem:s1+$0x220];
	v42 =	vmul.f32 v62, v15;
	v16 =	vadd.f32 v39, v19;
	v23 =	vadd.f32 v23, v28  }
0xd7: {  	v44 =	vld [tilespmem:s1+$0x230];
	v26 =	vadd.f32 v26, v27;
	v25 =	vmul.f32 v37, v12;
	v21 =	vadd.f32 v21, v24  }
0xd8: {  	v46 =	vld [tilespmem:s1+$0x2A0];
	v15 =	vadd.f32 v42, v16;
	v45 =	vmul.f32 v38, v12;
	v20 =	vadd.f32 v20, v23  }
0xd9: {  	v47 =	vld [tilespmem:s1+$0x2B0];
	v22 =	vmul.f32 v40, v9;
	v48 =	vadd.f32 v25, v26;
	v18 =	vadd.f32 v18, v21  }
0xda: {  	v50 =	vld [tilespmem:s1+$0x320];
	v49 =	vmul.f32 v41, v9;
	v12 =	vadd.f32 v45, v15;
	v17 =	vadd.f32 v17, v20  }
0xdb: {  	v51 =	vld [tilespmem:s1+$0x330];
	v19 =	vmul.f32 v43, v6;
	v52 =	vadd.f32 v22, v48;
	v14 =	vadd.f32 v14, v18  }
0xdc: {  	v54 =	vld [tilespmem:s1+$0x3A0];
	v53 =	vmul.f32 v44, v6;
	v9 =	vadd.f32 v49, v12;
	v13 =	vadd.f32 v13, v17  }
0xdd: {  	v55 =	vld [tilespmem:s1+$0x3B0];
	v16 =	vmul.f32 v46, v3;
	v56 =	vadd.f32 v19, v52;
	v11 =	vadd.f32 v11, v14  }
0xde: {  	v3 =	vmul.f32 v47, v3;
	v6 =	vadd.f32 v53, v9;
	v57 =	vadd.f32 v10, v13  }
0xdf: {  	v58 =	vmul.f32 v50, v2;
	v59 =	vadd.f32 v16, v56;
	v8 =	vadd.f32 v8, v11  }
0xe0: {  	v2 =	vmul.f32 v51, v2;
	v3 =	vadd.f32 v3, v6;
	v60 =	vadd.f32 v7, v57  }
0xe1: {  	v61 =	vmul.f32 v54, v1;
	v62 =	vadd.f32 v58, v59;
	v5 =	vadd.f32 v5, v8  }
0xe2: {  	v1 =	vmul.f32 v55, v1;
	v2 =	vadd.f32 v2, v3;
	v3 =	vadd.f32 v4, v60  }
0xe3: {  	v63 =	vadd.f32 v61, v62;
	[tilespmem:$0x13440] =	vst v5  }
0xe4: {  	v1 =	vadd.f32 v1, v2;
	[tilespmem:$0x13450] =	vst v3  }
0xe5: {  	[tilespmem:$0x13460] =	vst v63  }
0xe6: {  	s25 =	rddreg [dreg:$0xa];
	s4 =	simm.s32 $0x13440;
	s8 =	simm.s32 $0x16;
	[tilespmem:$0x13470] =	vst v1  }
0xe7: {  	[spmem:s25] =	stream.linear.scatter [tilespmem:s4], [sflag:$0x16], $0x40, $0x38;
	[tilespmem:$0x134C0] =	vst v63  }
0xe8: {  	_ =	swait.ge [sflag:s8], $0x40  }
0xe9: {  	[sflag:s8] =	ssyncset.done $0x0  }
0xea: {  	[sflag:s8] =	ssyncadd.s32 $0xFFFFFFC0  }
.Ltmp3:
0xeb: {  	s25 =	simm.s32 $0x15;
	[bflag:$0x0] =	sbarrier.arrive $0xFFFF;
	(pc) =	sbr.rel .LBB2_4-.Ltmp3, $4  }
0xec: {  	_ =	swait.ge [sflag:s25], $0x2710  }
0xed: {  	[sflag:s25] =	ssyncset.done $0x0  }
0xee: {  	[sflag:s25] =	ssyncadd.s32 $0xFFFFD8F0  }
0xef: {  	s25 =	simm.s32 $0x0;
	s4 =	rddreg [dreg:$0x4]  }
.LBB2_6:
0xf0: {  	s1 =	simm.s32 $0xB  }
0xf1: {  	_ =	swait.ge [sflag:s1], $0x1400  }
0xf2: {  	[sflag:s1] =	ssyncset.done $0x0  }
0xf3: {  	s8 =	simm.s32 $0xC;
	[sflag:s1] =	ssyncadd.s32 $0xFFFFEC00;
	s1 =	sshra.s32 s25, $0x2  }
0xf4: {  	[tilespmem:s28], [sflag:$0x1] =	stream.indirect.gather [spmem:s5], $0x80, s1, s30, $0xb8;
	[tilespmem:$0x134C0] =	vst v63  }
0xf5: {  	_ =	swait.ge [sflag:s8], $0x1400  }
0xf6: {  	[sflag:s8] =	ssyncset.done $0x0  }
0xf7: {  	s28 =	sadd.s32 $0x28, s1;
	[sflag:s8] =	ssyncadd.s32 $0xFFFFEC00;
	s8 =	simm.s32 $0x3BC0  }
0xf8: {  	[tilespmem:s8], [sflag:$0x2] =	stream.indirect.gather [spmem:s5], $0x80, s28, s30, $0xb8;
	[tilespmem:$0x134C0] =	vst v63  }
0xf9: {  	s28 =	simm.s32 $0xD  }
0xfa: {  	_ =	swait.ge [sflag:s28], $0x1400  }
0xfb: {  	[sflag:s28] =	ssyncset.done $0x0  }
0xfc: {  	[sflag:s28] =	ssyncadd.s32 $0xFFFFEC00;
	s28 =	sadd.s32 $0x50, s1  }
0xfd: {  	[tilespmem:s11], [sflag:$0x3] =	stream.indirect.gather [spmem:s5], $0x80, s28, s30, $0xb8;
	[tilespmem:$0x134C0] =	vst v63  }
0xfe: {  	s28 =	simm.s32 $0xE  }
0xff: {  	_ =	swait.ge [sflag:s28], $0x1400  }
0x100: {  	[sflag:s28] =	ssyncset.done $0x0  }
0x101: {  	[sflag:s28] =	ssyncadd.s32 $0xFFFFEC00;
	s28 =	sadd.s32 $0x78, s1  }
0x102: {  	[tilespmem:s9], [sflag:$0x4] =	stream.indirect.gather [spmem:s5], $0x80, s28, s30, $0xb8;
	[tilespmem:$0x134C0] =	vst v63  }
0x103: {  	s28 =	simm.s32 $0xF  }
0x104: {  	_ =	swait.ge [sflag:s28], $0x1400  }
0x105: {  	[sflag:s28] =	ssyncset.done $0x0  }
0x106: {  	[sflag:s28] =	ssyncadd.s32 $0xFFFFEC00;
	s28 =	sadd.s32 $0xA0, s1  }
0x107: {  	[tilespmem:s15], [sflag:$0x5] =	stream.indirect.gather [spmem:s5], $0x80, s28, s30, $0xb8;
	[tilespmem:$0x134C0] =	vst v63  }
0x108: {  	_ =	swait.ge [sflag:s20], $0x1400  }
0x109: {  	[sflag:s20] =	ssyncset.done $0x0  }
0x10a: {  	s28 =	sadd.s32 $0xC8, s1;
	[sflag:s20] =	ssyncadd.s32 $0xFFFFEC00  }
0x10b: {  	[tilespmem:s24], [sflag:$0x6] =	stream.indirect.gather [spmem:s5], $0x80, s28, s30, $0xb8;
	[tilespmem:$0x134C0] =	vst v63  }
0x10c: {  	_ =	swait.ge [sflag:s21], $0x1400  }
0x10d: {  	[sflag:s21] =	ssyncset.done $0x0  }
0x10e: {  	s28 =	sadd.s32 $0xF0, s1;
	[sflag:s21] =	ssyncadd.s32 $0xFFFFEC00  }
0x10f: {  	[tilespmem:s16], [sflag:$0x7] =	stream.indirect.gather [spmem:s5], $0x80, s28, s30, $0xb8;
	[tilespmem:$0x134C0] =	vst v63  }
0x110: {  	_ =	swait.ge [sflag:s22], $0x1400  }
0x111: {  	[sflag:s22] =	ssyncset.done $0x0  }
0x112: {  	s28 =	sadd.s32 $0x118, s1;
	[sflag:s22] =	ssyncadd.s32 $0xFFFFEC00  }
0x113: {  	[tilespmem:s17], [sflag:$0x8] =	stream.indirect.gather [spmem:s5], $0x80, s28, s30, $0xb8;
	[tilespmem:$0x134C0] =	vst v63  }
0x114: {  	_ =	swait.ge [sflag:s31], $0x1400  }
0x115: {  	[sflag:s31] =	ssyncset.done $0x0  }
0x116: {  	s1 =	sadd.s32 $0x140, s1;
	[sflag:s31] =	ssyncadd.s32 $0xFFFFEC00  }
0x117: {  	[tilespmem:s18], [sflag:$0x9] =	stream.indirect.gather [spmem:s5], $0x80, s1, s30, $0xb8;
	[tilespmem:$0x134C0] =	vst v63  }
0x118: {  	_ =	swait.ge [sflag:s0], $0x1400  }
0x119: {  	[sflag:s0] =	ssyncset.done $0x0  }
0x11a: {  	s28 =	simm.s32 $0x27C0;
	s1 =	smov.u32 s25;
	[sflag:s0] =	ssyncadd.s32 $0xFFFFEC00  }
.LBB2_7:
0x11b: {  	s1 =	sshra.s32 s1, $0x2  }
0x11c: {  	s1 =	sadd.s32 $0x168, s1  }
0x11d: {  	[tilespmem:s19], [sflag:$0xA] =	stream.indirect.gather [spmem:s5], $0x80, s1, s30, $0xb8;
	[tilespmem:$0x134C0] =	vst v63  }
0x11e: {  	_ =	swait.ge [sflag:s3], $0x1400  }
0x11f: {  	[sflag:s3] =	ssyncset.done $0x0;
	s1 =	rddreg [dreg:$0xd]  }
0x120: {  	[sflag:s3] =	ssyncadd.s32 $0xFFFFEC00;
	s1 =	sadd.s32 s4, s1  }
0x121: {  	[hbm4b:s1+s6] =	stream.linear.scatter [tilespmem:s28], [sflag:$0xB], $0x1400, $0x38;
	[tilespmem:$0x134C0] =	vst v63  }
0x122: {  	_ =	swait.ge [sflag:s2], $0x1400  }
0x123: {  	[sflag:s2] =	ssyncset.done $0x0;
	s1 =	rddreg [dreg:$0x16]  }
0x124: {  	[sflag:s2] =	ssyncadd.s32 $0xFFFFEC00;
	s1 =	sadd.s32 s4, s1  }
0x125: {  	[hbm4b:s1+s6] =	stream.linear.scatter [tilespmem:s8], [sflag:$0xC], $0x1400, $0x38;
	[tilespmem:$0x134C0] =	vst v63  }
0x126: {  	_ =	swait.ge [sflag:s23], $0x1400  }
0x127: {  	[sflag:s23] =	ssyncset.done $0x0;
	s8 =	rddreg [dreg:$0x15]  }
0x128: {  	[sflag:s23] =	ssyncadd.s32 $0xFFFFEC00;
	s1 =	sadd.s32 s4, s8  }
0x129: {  	[hbm4b:s1+s6] =	stream.linear.scatter [tilespmem:s11], [sflag:$0xD], $0x1400, $0x38;
	[tilespmem:$0x134C0] =	vst v63  }
0x12a: {  	_ =	swait.ge [sflag:s26], $0x1400  }
0x12b: {  	[sflag:s26] =	ssyncset.done $0x0;
	s8 =	rddreg [dreg:$0x14]  }
0x12c: {  	[sflag:s26] =	ssyncadd.s32 $0xFFFFEC00;
	s1 =	sadd.s32 s4, s8  }
0x12d: {  	[hbm4b:s1+s6] =	stream.linear.scatter [tilespmem:s9], [sflag:$0xE], $0x1400, $0x38;
	[tilespmem:$0x134C0] =	vst v63  }
0x12e: {  	_ =	swait.ge [sflag:s7], $0x1400  }
0x12f: {  	[sflag:s7] =	ssyncset.done $0x0;
	s8 =	rddreg [dreg:$0x13]  }
0x130: {  	[sflag:s7] =	ssyncadd.s32 $0xFFFFEC00;
	s1 =	sadd.s32 s4, s8  }
0x131: {  	[hbm4b:s1+s6] =	stream.linear.scatter [tilespmem:s15], [sflag:$0xF], $0x1400, $0x38;
	[tilespmem:$0x134C0] =	vst v63  }
0x132: {  	_ =	swait.ge [sflag:s10], $0x1400  }
0x133: {  	[sflag:s10] =	ssyncset.done $0x0;
	s8 =	rddreg [dreg:$0x12]  }
0x134: {  	[sflag:s10] =	ssyncadd.s32 $0xFFFFEC00;
	s1 =	sadd.s32 s4, s8  }
0x135: {  	[hbm4b:s1+s6] =	stream.linear.scatter [tilespmem:s24], [sflag:$0x10], $0x1400, $0x38;
	[tilespmem:$0x134C0] =	vst v63  }
0x136: {  	_ =	swait.ge [sflag:s29], $0x1400  }
0x137: {  	[sflag:s29] =	ssyncset.done $0x0;
	s8 =	rddreg [dreg:$0x11]  }
0x138: {  	[sflag:s29] =	ssyncadd.s32 $0xFFFFEC00;
	s1 =	sadd.s32 s4, s8  }
0x139: {  	[hbm4b:s1+s6] =	stream.linear.scatter [tilespmem:s16], [sflag:$0x11], $0x1400, $0x38;
	[tilespmem:$0x134C0] =	vst v63  }
0x13a: {  	_ =	swait.ge [sflag:s12], $0x1400  }
0x13b: {  	[sflag:s12] =	ssyncset.done $0x0;
	s8 =	rddreg [dreg:$0x10]  }
0x13c: {  	[sflag:s12] =	ssyncadd.s32 $0xFFFFEC00;
	s1 =	sadd.s32 s4, s8  }
0x13d: {  	[hbm4b:s1+s6] =	stream.linear.scatter [tilespmem:s17], [sflag:$0x12], $0x1400, $0x38;
	[tilespmem:$0x134C0] =	vst v63  }
0x13e: {  	_ =	swait.ge [sflag:s13], $0x1400  }
0x13f: {  	s25 =	sadd.s32 $0x640, s25;
	[sflag:s13] =	ssyncset.done $0x0;
	s8 =	rddreg [dreg:$0xf]  }
0x140: {  	p0 =	sne.s32 s25, $0x9C40;
	[sflag:s13] =	ssyncadd.s32 $0xFFFFEC00;
	s1 =	sadd.s32 s4, s8  }
0x141: {  	[hbm4b:s1+s6] =	stream.linear.scatter [tilespmem:s18], [sflag:$0x13], $0x1400, $0x38;
	[tilespmem:$0x134C0] =	vst v63  }
.Ltmp4:
0x142: {  	_ = 	snop;
	(pc) =	sbr.rel @!p0 .LBB2_8-.Ltmp4, $4  }
0x143: {  	_ =	swait.ge [sflag:s14], $0x1400  }
0x144: {  	[sflag:s14] =	ssyncset.done $0x0;
	s8 =	rddreg [dreg:$0xe]  }
0x145: {  	[sflag:s14] =	ssyncadd.s32 $0xFFFFEC00;
	s1 =	sadd.s32 s4, s8;
	s4 =	sadd.s32 $0x1900, s4  }
0x146: {  	[hbm4b:s1+s6] =	stream.linear.scatter [tilespmem:s19], [sflag:$0x14], $0x1400, $0x38;
	[tilespmem:$0x134C0] =	vst v63  }
.LBB2_4:
0x147: {  	p0 =	sne.s32 s25, $0x0  }
.Ltmp5:
0x148: {  	_ = 	snop;
	(pc) =	sbr.rel @p0 .LBB2_6-.Ltmp5, $1  }
0x149: {  	_ =	sdelay $0x3  }
0x14a: {  	s1 =	simm.s32 $0x0  }
0x14b: {  	[tilespmem:s28], [sflag:$0x1] =	stream.indirect.gather [spmem:s5], $0x80, s1, s30, $0xb8;
	[tilespmem:$0x134C0] =	vst v63  }
0x14c: {  	s8 =	simm.s32 $0x3BC0  }
0x14d: {  	[tilespmem:s8], [sflag:$0x2] =	stream.indirect.gather [spmem:s5], $0x80, s30, s30, $0xb8;
	[tilespmem:$0x134C0] =	vst v63  }
0x14e: {  	s9 =	simm.s32 $0x4FC0;
	s11 =	simm.s32 $0x50  }
0x14f: {  	[tilespmem:s9], [sflag:$0x3] =	stream.indirect.gather [spmem:s5], $0x80, s11, s30, $0xb8;
	[tilespmem:$0x134C0] =	vst v63  }
0x150: {  	s19 =	simm.s32 $0xC7C0;
	s15 =	simm.s32 $0x63C0;
	s9 =	simm.s32 $0x78  }
0x151: {  	[tilespmem:s15], [sflag:$0x4] =	stream.indirect.gather [spmem:s5], $0x80, s9, s30, $0xb8;
	[tilespmem:$0x134C0] =	vst v63  }
0x152: {  	s18 =	simm.s32 $0xB3C0;
	s24 =	simm.s32 $0x77C0;
	s15 =	simm.s32 $0xA0  }
0x153: {  	[tilespmem:s24], [sflag:$0x5] =	stream.indirect.gather [spmem:s5], $0x80, s15, s30, $0xb8;
	[tilespmem:$0x134C0] =	vst v63  }
0x154: {  	s17 =	simm.s32 $0x9FC0;
	s16 =	simm.s32 $0x8BC0;
	s24 =	simm.s32 $0xC8  }
0x155: {  	[tilespmem:s16], [sflag:$0x6] =	stream.indirect.gather [spmem:s5], $0x80, s24, s30, $0xb8;
	[tilespmem:$0x134C0] =	vst v63  }
0x156: {  	s11 =	simm.s32 $0x4FC0;
	s9 =	simm.s32 $0x63C0;
	s16 =	simm.s32 $0xF0  }
0x157: {  	[tilespmem:s17], [sflag:$0x7] =	stream.indirect.gather [spmem:s5], $0x80, s16, s30, $0xb8;
	[tilespmem:$0x134C0] =	vst v63  }
.Ltmp6:
0x158: {  	s15 =	simm.s32 $0x77C0;
	s17 =	simm.s32 $0x118;
	(pc) =	sbr.rel .LBB2_7-.Ltmp6, $4  }
0x159: {  	[tilespmem:s18], [sflag:$0x8] =	stream.indirect.gather [spmem:s5], $0x80, s17, s30, $0xb8;
	[tilespmem:$0x134C0] =	vst v63  }
0x15a: {  	s24 =	simm.s32 $0x8BC0;
	s16 =	simm.s32 $0x9FC0;
	s18 =	simm.s32 $0x140  }
0x15b: {  	[tilespmem:s19], [sflag:$0x9] =	stream.indirect.gather [spmem:s5], $0x80, s18, s30, $0xb8;
	[tilespmem:$0x134C0] =	vst v63  }
0x15c: {  	s17 =	simm.s32 $0xB3C0;
	s19 =	simm.s32 $0xDBC0;
	s18 =	simm.s32 $0xC7C0  }
.LBB2_9:
0x15d: {  	_ =	sfence.sel $0x180000  }
0x15e: {  	[bflag:$0x0] =	sbarrier.arrive $0xFFFF  }
0x15f: {  	_ =	strace $0x90000047  }
0x160: {  	s0 =	stileid.u32;
	[bflag:$0x2] =	sbarrier.arrive $0xFFFF  }
0x161: {  	p0 =	sne.s32 s0, $0x0;
	s0 =	rddreg [dreg:$0x6]  }
0x162: {  	s0 =	sadd.s32 @!p0 $0x100000, s0  }
0x163: {  	[sflag:s0] =	ssyncadd.tile.s32 @!p0 $0x1;
	_ =	shalt  }
.Lfunc_end2:
_tile_overlayer_lowered:
.L_overlay_start_2:
0x164: {  	(tag) =	ssettag $0x2  }
0x165: {  	s0 =	rddreg [dreg:$0x0];
	s2 =	stileid.u32  }
0x166: {  	s1 =	rddreg [dreg:$0x1];
	p0 =	sne.s32 s2, $0x0  }
0x167: {  	s3 =	rddreg [dreg:$0x2];
	[bflag:$0x3] =	sbarrier.arrive $0xFFFF;
	s2 =	simm.s32 @!p0 $0x1C16  }
0x168: {  	[timem:s3], [sflag:s2] =	dma.local @!p0 [hbm:s0], s1  }
0x169: {  	s0 =	simm.s32 @!p0 $0x16  }
0x16a: {  	_ =	swait.ge @!p0 [sflag:s0], s1  }
0x16b: {  	s1 =	ssub.s32 @!p0 $0x0, s1;
	[sflag:s0] =	ssyncset.done @!p0 $0x0  }
0x16c: {  	[sflag:s0] =	ssyncadd.s32 @!p0 s1  }
0x16d: {  	[bflag:$0x3] =	sbarrier.arrive $0xFFFF  }
0x16e: {  	_ =	shalt  }

</sc_bundles>
